<compile_context>
chip_gen: v7x
topology: tpu7x:2x2x1
jax: 0.10.2.dev20260603
libtpu: 0.0.44.dev20260713+nightly
codegen_flags: <defaults>
</compile_context>

<pallas_src>
import functools

import jax
import jax.numpy as jnp
from jax import lax
from jax.experimental import pallas as pl
from jax.experimental.pallas import tpu as pltpu
from jax.experimental.pallas import tpu_sc as plsc

N = 10000
N_PAD = 10240
E = 320000
HALF = 32
K = 5
ALPHA = 0.1
B = 125
NBUF = 8
NB = 160
CB = 40
NCB = NB // CB
CBT = CB // NBUF
RPT = N_PAD // 16

_mesh = plsc.VectorSubcoreMesh(core_axis_name="c", subcore_axis_name="s")


def _mlp_body(x_ref, w1_ref, b1_ref, w2_ref, b2_ref, o_ref):
    dn = (((1,), (1,)), ((), ()))
    h = jnp.maximum(
        lax.dot_general(x_ref[...], w1_ref[...], dn,
                        preferred_element_type=jnp.float32) + b1_ref[...],
        0.0,
    )
    o_ref[0] = (
        lax.dot_general(h, w2_ref[0], dn,
                        preferred_element_type=jnp.float32) + b2_ref[0]
    )


def _mlp(x_pad, w1t, b1, w2t, b2):
    blk = 1024
    return pl.pallas_call(
        _mlp_body,
        grid=(2, N_PAD // blk),
        in_specs=[
            pl.BlockSpec((blk, 128), lambda c, i: (i, 0)),
            pl.BlockSpec((128, 128), lambda c, i: (0, 0)),
            pl.BlockSpec((1, 128), lambda c, i: (0, 0)),
            pl.BlockSpec((1, HALF, 128), lambda c, i: (c, 0, 0)),
            pl.BlockSpec((1, 1, HALF), lambda c, i: (c, 0, 0)),
        ],
        out_specs=pl.BlockSpec((1, blk, HALF), lambda c, i: (c, i, 0)),
        out_shape=jax.ShapeDtypeStruct((2, N_PAD, HALF), jnp.float32),
    )(x_pad, w1t, b1, w2t, b2)


def _rsqrt16(x):
    i = lax.bitcast_convert_type(x, jnp.int32)
    i = jnp.int32(0x5F3759DF) - (i >> 1)
    y = lax.bitcast_convert_type(i, jnp.float32)
    for _ in range(4):
        y = y * (1.5 - 0.5 * x * y * y)
    return y


def _appnp_body(h_hbm, src_hbm, dst_hbm, u_hbm, out_hbm,
                src_va, dst_va, src_vb, dst_vb,
                b0, b1, b2, b3, b4, b5, b6, b7,
                ones_v, dinv_v, c2_v, strip_v, s_sp,
                m0, m1, m2, m3, m4, m5, m6, m7, mia, mib):
    bufs = (b0, b1, b2, b3, b4, b5, b6, b7)
    sems = (m0, m1, m2, m3, m4, m5, m6, m7)
    c = lax.axis_index("c")
    s = lax.axis_index("s")
    r0 = s * RPT
    ubase = c * N_PAD + r0

    one16 = jnp.full((16,), 1.0, jnp.float32)
    zero16 = jnp.zeros((16,), jnp.float32)

    def fill_ones(j, carry):
        ones_v[j, pl.ds(0, 16)] = one16
        ones_v[j, pl.ds(16, 16)] = one16
        return carry

    lax.fori_loop(0, B, fill_ones, 0, unroll=False)

    def zero_strip(r, carry):
        strip_v[r, pl.ds(0, 16)] = zero16
        strip_v[r, pl.ds(16, 16)] = zero16
        return carry

    lax.fori_loop(0, RPT, zero_strip, 0, unroll=False)

    pltpu.sync_copy(strip_v, s_sp.at[pl.ds(r0, RPT)])
    plsc.subcore_barrier()

    def degchunk(q, carry):
        pltpu.sync_copy(dst_hbm.at[s, pl.ds(q * CB, CB)], dst_va)

        def degblk(j, cr):
            pltpu.sync_copy(ones_v, s_sp.at[dst_va.at[j]], add=True)
            return cr

        lax.fori_loop(0, CB, degblk, 0, unroll=False)
        return carry

    lax.fori_loop(0, NCB, degchunk, 0, unroll=False)
    plsc.subcore_barrier()

    pltpu.sync_copy(s_sp.at[pl.ds(r0, RPT)], strip_v)

    pltpu.sync_copy(h_hbm.at[c, pl.ds(r0, RPT)], c2_v)

    def setup_row(r, carry):
        d = _rsqrt16(strip_v[r, pl.ds(0, 16)] + 1.0)
        dinv_v[r] = d
        h0 = c2_v[r, pl.ds(0, 16)]
        h1 = c2_v[r, pl.ds(16, 16)]
        c2_v[r, pl.ds(0, 16)] = ALPHA * h0
        c2_v[r, pl.ds(16, 16)] = ALPHA * h1
        strip_v[r, pl.ds(0, 16)] = d * h0
        strip_v[r, pl.ds(16, 16)] = d * h1
        return carry

    lax.fori_loop(0, RPT, setup_row, 0, unroll=False)
    pltpu.sync_copy(strip_v, u_hbm.at[pl.ds(ubase, RPT)])
    pltpu.sync_copy(strip_v, s_sp.at[pl.ds(r0, RPT)])
    plsc.subcore_barrier()

    NCB2 = NCB // 2

    def _proc(src_v, dst_v):
        for b in range(NBUF):
            pltpu.async_copy(u_hbm.at[src_v.at[b]], bufs[b], sems[b])

        def blk(t, cr):
            base = t * NBUF
            for b in range(NBUF):
                j = base + b
                pltpu.make_async_copy(u_hbm.at[src_v.at[j]], bufs[b],
                                      sems[b]).wait()
                pltpu.sync_copy(bufs[b], s_sp.at[dst_v.at[j]], add=True)
                pltpu.async_copy(u_hbm.at[src_v.at[j + NBUF]], bufs[b],
                                 sems[b])
            return cr

        lax.fori_loop(0, CBT - 1, blk, 0, unroll=False)
        base = (CBT - 1) * NBUF
        for b in range(NBUF):
            j = base + b
            pltpu.make_async_copy(u_hbm.at[src_v.at[j]], bufs[b],
                                  sems[b]).wait()
            pltpu.sync_copy(bufs[b], s_sp.at[dst_v.at[j]], add=True)

    def _idx_start(q, sv, dv, sa, sb):
        pltpu.async_copy(src_hbm.at[c, s, pl.ds(q * CB, CB)], sv, sa)
        pltpu.async_copy(dst_hbm.at[s, pl.ds(q * CB, CB)], dv, sb)

    def _idx_wait(q, sv, dv, sa, sb):
        pltpu.make_async_copy(src_hbm.at[c, s, pl.ds(q * CB, CB)], sv,
                              sa).wait()
        pltpu.make_async_copy(dst_hbm.at[s, pl.ds(q * CB, CB)], dv,
                              sb).wait()

    pltpu.sync_copy(src_hbm.at[c, s, pl.ds(0, CB)], src_va)
    pltpu.sync_copy(dst_hbm.at[s, pl.ds(0, CB)], dst_va)

    def hop(k, carry):
        def chunk2(t, cq):
            q0 = 2 * t
            _idx_start(q0 + 1, src_vb, dst_vb, mia, mib)
            _proc(src_va, dst_va)
            _idx_wait(q0 + 1, src_vb, dst_vb, mia, mib)
            qn = jnp.where(t < NCB2 - 1, q0 + 2, 0)
            _idx_start(qn, src_va, dst_va, mia, mib)
            _proc(src_vb, dst_vb)
            _idx_wait(qn, src_va, dst_va, mia, mib)
            return cq

        lax.fori_loop(0, NCB2, chunk2, 0, unroll=False)
        plsc.subcore_barrier()

        pltpu.sync_copy(s_sp.at[pl.ds(r0, RPT)], strip_v)
        last = k == K - 1

        def comb(r, cr):
            d = dinv_v[r]
            s0 = strip_v[r, pl.ds(0, 16)]
            s1 = strip_v[r, pl.ds(16, 16)]
            e0 = c2_v[r, pl.ds(0, 16)]
            e1 = c2_v[r, pl.ds(16, 16)]
            ds0 = (1.0 - ALPHA) * d * s0
            ds1 = (1.0 - ALPHA) * d * s1
            strip_v[r, pl.ds(0, 16)] = jnp.where(last, ds0 + e0,
                                                 d * (ds0 + e0))
            strip_v[r, pl.ds(16, 16)] = jnp.where(last, ds1 + e1,
                                                  d * (ds1 + e1))
            return cr

        lax.fori_loop(0, RPT, comb, 0, unroll=False)

        pltpu.sync_copy(strip_v, u_hbm.at[pl.ds(ubase, RPT)])

        @pl.when(last)
        def _():
            pltpu.sync_copy(strip_v,
                            out_hbm.at[pl.ds(r0, RPT), pl.ds(c * HALF, HALF)])

        pltpu.sync_copy(strip_v, s_sp.at[pl.ds(r0, RPT)])
        plsc.subcore_barrier()
        return carry

    lax.fori_loop(0, K, hop, 0, unroll=False)


@functools.partial(
    pl.kernel,
    out_type=[
        jax.ShapeDtypeStruct((2 * N_PAD, HALF), jnp.float32),
        jax.ShapeDtypeStruct((N_PAD, 2 * HALF), jnp.float32),
    ],
    mesh=_mesh,
    compiler_params=pltpu.CompilerParams(use_tc_tiling_on_sc=False),
    scratch_types=[
        pltpu.VMEM((CB, B), jnp.int32),
        pltpu.VMEM((CB, B), jnp.int32),
        pltpu.VMEM((CB, B), jnp.int32),
        pltpu.VMEM((CB, B), jnp.int32),
        pltpu.VMEM((B, HALF), jnp.float32),
        pltpu.VMEM((B, HALF), jnp.float32),
        pltpu.VMEM((B, HALF), jnp.float32),
        pltpu.VMEM((B, HALF), jnp.float32),
        pltpu.VMEM((B, HALF), jnp.float32),
        pltpu.VMEM((B, HALF), jnp.float32),
        pltpu.VMEM((B, HALF), jnp.float32),
        pltpu.VMEM((B, HALF), jnp.float32),
        pltpu.VMEM((B, HALF), jnp.float32),
        pltpu.VMEM((RPT, 16), jnp.float32),
        pltpu.VMEM((RPT, HALF), jnp.float32),
        pltpu.VMEM((RPT, HALF), jnp.float32),
        pltpu.VMEM_SHARED((N_PAD, HALF), jnp.float32),
        pltpu.SemaphoreType.DMA,
        pltpu.SemaphoreType.DMA,
        pltpu.SemaphoreType.DMA,
        pltpu.SemaphoreType.DMA,
        pltpu.SemaphoreType.DMA,
        pltpu.SemaphoreType.DMA,
        pltpu.SemaphoreType.DMA,
        pltpu.SemaphoreType.DMA,
        pltpu.SemaphoreType.DMA,
        pltpu.SemaphoreType.DMA,
    ],
)
def _appnp_sc(h_hbm, src_hbm, dst_hbm, u_hbm, out_hbm,
              src_va, dst_va, src_vb, dst_vb,
              b0, b1, b2, b3, b4, b5, b6, b7,
              ones_v, dinv_v, c2_v, strip_v, s_sp,
              m0, m1, m2, m3, m4, m5, m6, m7, mia, mib):
    _appnp_body(h_hbm, src_hbm, dst_hbm, u_hbm, out_hbm,
                src_va, dst_va, src_vb, dst_vb,
                b0, b1, b2, b3, b4, b5, b6, b7,
                ones_v, dinv_v, c2_v, strip_v, s_sp,
                m0, m1, m2, m3, m4, m5, m6, m7, mia, mib)


def kernel(x, edge_index, W1, b1, W2, b2):
    src_p = edge_index[0].reshape(16, NB, B)
    dst_p = edge_index[1].reshape(16, NB, B)
    src_b = jnp.stack([src_p, src_p + N_PAD])

    x_pad = jnp.concatenate([x, jnp.zeros((N_PAD - N, 128), jnp.float32)])

    w2s = W2.reshape(2, HALF, 128)
    b2s = b2.reshape(2, 1, HALF)
    h2 = _mlp(x_pad, W1, b1.reshape(1, -1), w2s, b2s)

    _, outp = _appnp_sc(h2, src_b, dst_p)
    return outp[:N]

# --- scband reference (transcript-rebuilt; emitter-appended) ---
"""Pipeline reference for scband-appnp2-14491219657220 (READ-ONLY COPY).

The authoritative reference and input builder live on the scoring server;
editing this copy changes nothing except your own understanding.
"""

import jax, jax.numpy as jnp
import numpy as np

N = 10000
E = 320000
N_IN = 128
N_HID = 128
N_OUT = 64
K = 5
ALPHA = 0.1


def setup_inputs(seed: int = 0) -> dict:
    key = jax.random.key(seed)
    k1, k2, k3, k4 = jax.random.split(key, 4)
    x = jax.random.normal(k1, (N, N_IN), dtype=jnp.float32)
    edge_index = jax.random.randint(k2, (2, E), 0, N, dtype=jnp.int32)
    # fc1: Linear(n_in, n_hid) with xavier_uniform (relu gain)
    gain1 = np.sqrt(2.0)
    bound1 = gain1 * np.sqrt(6.0 / (N_IN + N_HID))
    W1 = jax.random.uniform(k3, (N_HID, N_IN), minval=-bound1, maxval=bound1, dtype=jnp.float32)
    b1 = jnp.zeros((N_HID,), dtype=jnp.float32)
    # fc2: Linear(n_hid, n_out) with xavier_uniform (gain 1.414)
    bound2 = 1.414 * np.sqrt(6.0 / (N_HID + N_OUT))
    W2 = jax.random.uniform(k4, (N_OUT, N_HID), minval=-bound2, maxval=bound2, dtype=jnp.float32)
    b2 = jnp.zeros((N_OUT,), dtype=jnp.float32)
    return {"x": x, "edge_index": edge_index, "W1": W1, "b1": b1, "W2": W2, "b2": b2}


def _gcn_norm(edge_index, num_nodes):
    # PyG gcn_norm with add_self_loops=True, symmetric normalization
    src = edge_index[0]
    dst = edge_index[1]
    loop = jnp.arange(num_nodes, dtype=src.dtype)
    src = jnp.concatenate([src, loop])
    dst = jnp.concatenate([dst, loop])
    w = jnp.ones(src.shape[0], dtype=jnp.float32)
    deg = jax.ops.segment_sum(w, dst, num_segments=num_nodes)
    deg_inv_sqrt = jnp.where(deg > 0, deg ** -0.5, 0.0)
    norm = deg_inv_sqrt[src] * w * deg_inv_sqrt[dst]
    return src, dst, norm


def reference(x, edge_index, W1, b1, W2, b2):
    # dropout layers in eval mode (identity)
    h = x @ W1.T + b1
    h = jnp.maximum(h, 0.0)
    h = h @ W2.T + b2
    src, dst, norm = _gcn_norm(edge_index, N)
    out = h
    for _ in range(K):
        msg = norm[:, None] * jnp.take(out, src, axis=0)
        agg = jax.ops.segment_sum(msg, dst, num_segments=N)
        out = (1.0 - ALPHA) * agg + ALPHA * h
    return out

if __name__ == "__main__":
    import jax
    _d = setup_inputs()
    print(jax.jit(kernel)(*tuple(_d.values())))

</pallas_src>

<mosaic_0001>
#map = affine_map<(d0, d1) -> (0, 0, 0)>
#map1 = affine_map<(d0, d1) -> (0, 0, 0, 0)>
#map2 = affine_map<(d0, d1) -> (0, 0)>
module attributes {stable_mosaic.version = 14 : i64} {
  func.func @_appnp_sc(%arg0: i32, %arg1: i32, %arg2: memref<2x10240x32xf32, #tpu.memory_space<hbm>>, %arg3: memref<2x16x160x125xi32, #tpu.memory_space<hbm>>, %arg4: memref<16x160x125xi32, #tpu.memory_space<hbm>>, %arg5: memref<20480x32xf32, #tpu.memory_space<hbm>>, %arg6: memref<10240x64xf32, #tpu.memory_space<hbm>>, %arg7: memref<40x125xi32, #tpu.memory_space<vmem>>, %arg8: memref<40x125xi32, #tpu.memory_space<vmem>>, %arg9: memref<40x125xi32, #tpu.memory_space<vmem>>, %arg10: memref<40x125xi32, #tpu.memory_space<vmem>>, %arg11: memref<125x32xf32, #tpu.memory_space<vmem>>, %arg12: memref<125x32xf32, #tpu.memory_space<vmem>>, %arg13: memref<125x32xf32, #tpu.memory_space<vmem>>, %arg14: memref<125x32xf32, #tpu.memory_space<vmem>>, %arg15: memref<125x32xf32, #tpu.memory_space<vmem>>, %arg16: memref<125x32xf32, #tpu.memory_space<vmem>>, %arg17: memref<125x32xf32, #tpu.memory_space<vmem>>, %arg18: memref<125x32xf32, #tpu.memory_space<vmem>>, %arg19: memref<125x32xf32, #tpu.memory_space<vmem>>, %arg20: memref<640x16xf32, #tpu.memory_space<vmem>>, %arg21: memref<640x32xf32, #tpu.memory_space<vmem>>, %arg22: memref<640x32xf32, #tpu.memory_space<vmem>>, %arg23: memref<10240x32xf32, #tpu.memory_space<vmem_shared>>, %arg24: memref<!tpu.dma_semaphore, #tpu.memory_space<semaphore_mem>>, %arg25: memref<!tpu.dma_semaphore, #tpu.memory_space<semaphore_mem>>, %arg26: memref<!tpu.dma_semaphore, #tpu.memory_space<semaphore_mem>>, %arg27: memref<!tpu.dma_semaphore, #tpu.memory_space<semaphore_mem>>, %arg28: memref<!tpu.dma_semaphore, #tpu.memory_space<semaphore_mem>>, %arg29: memref<!tpu.dma_semaphore, #tpu.memory_space<semaphore_mem>>, %arg30: memref<!tpu.dma_semaphore, #tpu.memory_space<semaphore_mem>>, %arg31: memref<!tpu.dma_semaphore, #tpu.memory_space<semaphore_mem>>, %arg32: memref<!tpu.dma_semaphore, #tpu.memory_space<semaphore_mem>>, %arg33: memref<!tpu.dma_semaphore, #tpu.memory_space<semaphore_mem>>) attributes {dimension_semantics = [#tpu.dimension_semantics<core_parallel>, #tpu.dimension_semantics<subcore_parallel>], iteration_bounds = array<i64: 2, 16>, scalar_prefetch = 0 : i64, scratch_operands = 27 : i64, tpu.core_type = #tpu.core_type<sc_vector_subcore>, window_params = [{transform_indices = #map}, {transform_indices = #map1}, {transform_indices = #map}, {transform_indices = #map2}, {transform_indices = #map2}]} {
    %mul3A = arith.constant 640 : i32
    %mul3A_0 = arith.muli %arg1, %mul3A : i32
    %mul3A_1 = arith.constant 10240 : i32
    %mul3A_2 = arith.muli %arg0, %mul3A_1 : i32
    %add3A = arith.addi %mul3A_2, %mul3A_0 : i32
    %broadcast_in_dim3A = arith.constant 1.000000e+00 : f32
    %broadcast_in_dim3A_3 = vector.broadcast %broadcast_in_dim3A : f32 to vector<16xf32>
    %broadcast_in_dim3A_4 = arith.constant 0.000000e+00 : f32
    %broadcast_in_dim3A_5 = vector.broadcast %broadcast_in_dim3A_4 : f32 to vector<16xf32>
    %scan3A = arith.constant 0 : i32
    %scan3A_6 = arith.constant 0 : i32
    %scan3A_7 = arith.constant 125 : i32
    %scan3A_8 = arith.addi %scan3A_6, %scan3A_7 : i32
    %scan3A_9 = arith.constant 1 : i32
    scf.for %scan3A_37 = %scan3A_6 to %scan3A_8 step %scan3A_9  : i32 {
      %swap3A = arith.index_cast %scan3A_37 : i32 to index
      %swap3A_38 = arith.constant 0 : index
      %swap3A_39 = tpu.vector_load %arg19[%swap3A, %swap3A_38] {strides = array<i32>} : memref<125x32xf32, #tpu.memory_space<vmem>>, vector<1x16xf32>,
      %swap3A_40 = vector.shape_cast %swap3A_39 : vector<1x16xf32> to vector<16xf32>
      %swap3A_41 = vector.shape_cast %broadcast_in_dim3A_3 : vector<16xf32> to vector<1x16xf32>
      tpu.vector_store %arg19[%swap3A, %swap3A_38], %swap3A_41 {strides = array<i32>} : memref<125x32xf32, #tpu.memory_space<vmem>>, vector<1x16xf32>,
      %swap3A_42 = arith.index_cast %scan3A_37 : i32 to index
      %swap3A_43 = arith.constant 16 : index
      %swap3A_44 = tpu.vector_load %arg19[%swap3A_42, %swap3A_43] {strides = array<i32>} : memref<125x32xf32, #tpu.memory_space<vmem>>, vector<1x16xf32>,
      %swap3A_45 = vector.shape_cast %swap3A_44 : vector<1x16xf32> to vector<16xf32>
      %swap3A_46 = vector.shape_cast %broadcast_in_dim3A_3 : vector<16xf32> to vector<1x16xf32>
      tpu.vector_store %arg19[%swap3A_42, %swap3A_43], %swap3A_46 {strides = array<i32>} : memref<125x32xf32, #tpu.memory_space<vmem>>, vector<1x16xf32>,
    }
    %scan3A_10 = arith.constant 125 : i32
    %scan3A_11 = arith.constant 0 : i32
    %scan3A_12 = arith.constant 0 : i32
    %scan3A_13 = arith.constant 640 : i32
    %scan3A_14 = arith.addi %scan3A_12, %scan3A_13 : i32
    %scan3A_15 = arith.constant 1 : i32
    scf.for %scan3A_37 = %scan3A_12 to %scan3A_14 step %scan3A_15  : i32 {
      %swap3A = arith.index_cast %scan3A_37 : i32 to index
      %swap3A_38 = arith.constant 0 : index
      %swap3A_39 = tpu.vector_load %arg22[%swap3A, %swap3A_38] {strides = array<i32>} : memref<640x32xf32, #tpu.memory_space<vmem>>, vector<1x16xf32>,
      %swap3A_40 = vector.shape_cast %swap3A_39 : vector<1x16xf32> to vector<16xf32>
      %swap3A_41 = vector.shape_cast %broadcast_in_dim3A_5 : vector<16xf32> to vector<1x16xf32>
      tpu.vector_store %arg22[%swap3A, %swap3A_38], %swap3A_41 {strides = array<i32>} : memref<640x32xf32, #tpu.memory_space<vmem>>, vector<1x16xf32>,
      %swap3A_42 = arith.index_cast %scan3A_37 : i32 to index
      %swap3A_43 = arith.constant 16 : index
      %swap3A_44 = tpu.vector_load %arg22[%swap3A_42, %swap3A_43] {strides = array<i32>} : memref<640x32xf32, #tpu.memory_space<vmem>>, vector<1x16xf32>,
      %swap3A_45 = vector.shape_cast %swap3A_44 : vector<1x16xf32> to vector<16xf32>
      %swap3A_46 = vector.shape_cast %broadcast_in_dim3A_5 : vector<16xf32> to vector<1x16xf32>
      tpu.vector_store %arg22[%swap3A_42, %swap3A_43], %swap3A_46 {strides = array<i32>} : memref<640x32xf32, #tpu.memory_space<vmem>>, vector<1x16xf32>,
    }
    %scan3A_16 = arith.constant 640 : i32
    "tpu.region"() ({
      %run_scoped3A = tpu.sem_alloc : memref<!tpu.dma_semaphore, #tpu.memory_space<semaphore_mem>>
      %dma_start3A = arith.constant 0 : i32
      %dma_start3A_37 = tpu.memref_slice %arg23[%mul3A_0, %dma_start3A] : memref<10240x32xf32, #tpu.memory_space<vmem_shared>> -> memref<640x32xf32, #tpu.memory_space<vmem_shared>>
      %dma_start3A_38 = arith.constant 0 : i32
      %dma_start3A_39 = tpu.memref_slice %arg23[%mul3A_0, %dma_start3A_38] : memref<10240x32xf32, #tpu.memory_space<vmem_shared>> -> memref<640x32xf32, #tpu.memory_space<vmem_shared>>
      tpu.enqueue_dma source(%arg22 : memref<640x32xf32, #tpu.memory_space<vmem>>) target(%dma_start3A_39 : memref<640x32xf32, #tpu.memory_space<vmem_shared>>) target_semaphore(%run_scoped3A : memref<!tpu.dma_semaphore, #tpu.memory_space<semaphore_mem>>)
      %dma_wait3A = arith.constant 0 : i32
      %dma_wait3A_40 = tpu.memref_slice %arg23[%mul3A_0, %dma_wait3A] : memref<10240x32xf32, #tpu.memory_space<vmem_shared>> -> memref<640x32xf32, #tpu.memory_space<vmem_shared>>
      %dma_wait3A_41 = arith.constant 0 : i32
      %dma_wait3A_42 = tpu.memref_slice %arg23[%mul3A_0, %dma_wait3A_41] : memref<10240x32xf32, #tpu.memory_space<vmem_shared>> -> memref<640x32xf32, #tpu.memory_space<vmem_shared>>
      tpu.wait_dma2 semaphore(%run_scoped3A : memref<!tpu.dma_semaphore, #tpu.memory_space<semaphore_mem>>) src(%arg22 : memref<640x32xf32, #tpu.memory_space<vmem>>) dst(%dma_wait3A_42 : memref<640x32xf32, #tpu.memory_space<vmem_shared>>)
      tpu.yield
    }) : () -> ()
    %barrier3A = arith.constant 0 : index
    tpu.barrier barrier_id(%barrier3A)
    %scan3A_17 = arith.constant 0 : i32
    %scan3A_18 = arith.constant 0 : i32
    %scan3A_19 = arith.constant 4 : i32
    %scan3A_20 = arith.addi %scan3A_18, %scan3A_19 : i32
    %scan3A_21 = arith.constant 1 : i32
    scf.for %scan3A_37 = %scan3A_18 to %scan3A_20 step %scan3A_21  : i32 {
      %mul3A_38 = arith.constant 40 : i32
      %mul3A_39 = arith.muli %scan3A_37, %mul3A_38 : i32
      "tpu.region"() ({
        %run_scoped3A = tpu.sem_alloc : memref<!tpu.dma_semaphore, #tpu.memory_space<semaphore_mem>>
        %dma_start3A = arith.constant 0 : i32
        %dma_start3A_46 = tpu.memref_slice %arg4[%arg1, %mul3A_39, %dma_start3A] : memref<16x160x125xi32, #tpu.memory_space<hbm>> -> memref<1x40x125xi32, #tpu.memory_space<hbm>>
        %dma_start3A_47 = tpu.memref_squeeze %dma_start3A_46 : memref<1x40x125xi32, #tpu.memory_space<hbm>> -> memref<40x125xi32, #tpu.memory_space<hbm>>
        %dma_start3A_48 = arith.constant 0 : i32
        %dma_start3A_49 = tpu.memref_slice %arg4[%arg1, %mul3A_39, %dma_start3A_48] : memref<16x160x125xi32, #tpu.memory_space<hbm>> -> memref<1x40x125xi32, #tpu.memory_space<hbm>>
        %dma_start3A_50 = tpu.memref_squeeze %dma_start3A_49 : memref<1x40x125xi32, #tpu.memory_space<hbm>> -> memref<40x125xi32, #tpu.memory_space<hbm>>
        tpu.enqueue_dma source(%dma_start3A_50 : memref<40x125xi32, #tpu.memory_space<hbm>>) target(%arg8 : memref<40x125xi32, #tpu.memory_space<vmem>>) target_semaphore(%run_scoped3A : memref<!tpu.dma_semaphore, #tpu.memory_space<semaphore_mem>>)
        %dma_wait3A = arith.constant 0 : i32
        %dma_wait3A_51 = tpu.memref_slice %arg4[%arg1, %mul3A_39, %dma_wait3A] : memref<16x160x125xi32, #tpu.memory_space<hbm>> -> memref<1x40x125xi32, #tpu.memory_space<hbm>>
        %dma_wait3A_52 = tpu.memref_squeeze %dma_wait3A_51 : memref<1x40x125xi32, #tpu.memory_space<hbm>> -> memref<40x125xi32, #tpu.memory_space<hbm>>
        %dma_wait3A_53 = arith.constant 0 : i32
        %dma_wait3A_54 = tpu.memref_slice %arg4[%arg1, %mul3A_39, %dma_wait3A_53] : memref<16x160x125xi32, #tpu.memory_space<hbm>> -> memref<1x40x125xi32, #tpu.memory_space<hbm>>
        %dma_wait3A_55 = tpu.memref_squeeze %dma_wait3A_54 : memref<1x40x125xi32, #tpu.memory_space<hbm>> -> memref<40x125xi32, #tpu.memory_space<hbm>>
        tpu.wait_dma2 semaphore(%run_scoped3A : memref<!tpu.dma_semaphore, #tpu.memory_space<semaphore_mem>>) src(%dma_wait3A_55 : memref<40x125xi32, #tpu.memory_space<hbm>>) dst(%arg8 : memref<40x125xi32, #tpu.memory_space<vmem>>)
        tpu.yield
      }) : () -> ()
      %scan3A_40 = arith.constant 0 : i32
      %scan3A_41 = arith.constant 0 : i32
      %scan3A_42 = arith.constant 40 : i32
      %scan3A_43 = arith.addi %scan3A_41, %scan3A_42 : i32
      %scan3A_44 = arith.constant 1 : i32
      scf.for %scan3A_46 = %scan3A_41 to %scan3A_43 step %scan3A_44  : i32 {
        "tpu.region"() ({
          %run_scoped3A = tpu.sem_alloc : memref<!tpu.dma_semaphore, #tpu.memory_space<semaphore_mem>>
          %dma_start3A = arith.constant 0 : i32
          %dma_start3A_47 = tpu.memref_slice %arg8[%scan3A_46, %dma_start3A] : memref<40x125xi32, #tpu.memory_space<vmem>> -> memref<1x125xi32, #tpu.memory_space<vmem>>
          %dma_start3A_48 = tpu.memref_squeeze %dma_start3A_47 : memref<1x125xi32, #tpu.memory_space<vmem>> -> memref<125xi32, #tpu.memory_space<vmem>>
          %dma_start3A_49 = arith.constant 0 : i32
          %dma_start3A_50 = arith.constant 0 : i32
          %dma_start3A_51 = tpu.memref_slice %arg23[%dma_start3A_49, %dma_start3A_50] : memref<10240x32xf32, #tpu.memory_space<vmem_shared>> -> memref<10240x32xf32, #tpu.memory_space<vmem_shared>>
          tpu.enqueue_indirect_dma source(%arg19 : memref<125x32xf32, #tpu.memory_space<vmem>>) target(%dma_start3A_51 : memref<10240x32xf32, #tpu.memory_space<vmem_shared>>) offsets(%dma_start3A_48 : memref<125xi32, #tpu.memory_space<vmem>>) semaphore(%run_scoped3A : memref<!tpu.dma_semaphore, #tpu.memory_space<semaphore_mem>>) {add = true}
          %dma_wait3A = arith.constant 0 : i32
          %dma_wait3A_52 = tpu.memref_slice %arg8[%scan3A_46, %dma_wait3A] : memref<40x125xi32, #tpu.memory_space<vmem>> -> memref<1x125xi32, #tpu.memory_space<vmem>>
          %dma_wait3A_53 = tpu.memref_squeeze %dma_wait3A_52 : memref<1x125xi32, #tpu.memory_space<vmem>> -> memref<125xi32, #tpu.memory_space<vmem>>
          %dma_wait3A_54 = arith.constant 0 : i32
          %dma_wait3A_55 = arith.constant 0 : i32
          %dma_wait3A_56 = tpu.memref_slice %arg23[%dma_wait3A_54, %dma_wait3A_55] : memref<10240x32xf32, #tpu.memory_space<vmem_shared>> -> memref<10240x32xf32, #tpu.memory_space<vmem_shared>>
          tpu.wait_indirect_dma semaphore(%run_scoped3A : memref<!tpu.dma_semaphore, #tpu.memory_space<semaphore_mem>>) src(%arg19 : memref<125x32xf32, #tpu.memory_space<vmem>>) dst(%dma_wait3A_56 : memref<10240x32xf32, #tpu.memory_space<vmem_shared>>)
          tpu.yield
        }) : () -> ()
      }
      %scan3A_45 = arith.constant 40 : i32
    }
    %scan3A_22 = arith.constant 4 : i32
    %barrier3A_23 = arith.constant 0 : index
    tpu.barrier barrier_id(%barrier3A_23)
    "tpu.region"() ({
      %run_scoped3A = tpu.sem_alloc : memref<!tpu.dma_semaphore, #tpu.memory_space<semaphore_mem>>
      %dma_start3A = arith.constant 0 : i32
      %dma_start3A_37 = tpu.memref_slice %arg23[%mul3A_0, %dma_start3A] : memref<10240x32xf32, #tpu.memory_space<vmem_shared>> -> memref<640x32xf32, #tpu.memory_space<vmem_shared>>
      %dma_start3A_38 = arith.constant 0 : i32
      %dma_start3A_39 = tpu.memref_slice %arg23[%mul3A_0, %dma_start3A_38] : memref<10240x32xf32, #tpu.memory_space<vmem_shared>> -> memref<640x32xf32, #tpu.memory_space<vmem_shared>>
      tpu.enqueue_dma source(%dma_start3A_39 : memref<640x32xf32, #tpu.memory_space<vmem_shared>>) target(%arg22 : memref<640x32xf32, #tpu.memory_space<vmem>>) target_semaphore(%run_scoped3A : memref<!tpu.dma_semaphore, #tpu.memory_space<semaphore_mem>>)
      %dma_wait3A = arith.constant 0 : i32
      %dma_wait3A_40 = tpu.memref_slice %arg23[%mul3A_0, %dma_wait3A] : memref<10240x32xf32, #tpu.memory_space<vmem_shared>> -> memref<640x32xf32, #tpu.memory_space<vmem_shared>>
      %dma_wait3A_41 = arith.constant 0 : i32
      %dma_wait3A_42 = tpu.memref_slice %arg23[%mul3A_0, %dma_wait3A_41] : memref<10240x32xf32, #tpu.memory_space<vmem_shared>> -> memref<640x32xf32, #tpu.memory_space<vmem_shared>>
      tpu.wait_dma2 semaphore(%run_scoped3A : memref<!tpu.dma_semaphore, #tpu.memory_space<semaphore_mem>>) src(%dma_wait3A_42 : memref<640x32xf32, #tpu.memory_space<vmem_shared>>) dst(%arg22 : memref<640x32xf32, #tpu.memory_space<vmem>>)
      tpu.yield
    }) : () -> ()
    "tpu.region"() ({
      %run_scoped3A = tpu.sem_alloc : memref<!tpu.dma_semaphore, #tpu.memory_space<semaphore_mem>>
      %dma_start3A = arith.constant 0 : i32
      %dma_start3A_37 = tpu.memref_slice %arg2[%arg0, %mul3A_0, %dma_start3A] : memref<2x10240x32xf32, #tpu.memory_space<hbm>> -> memref<1x640x32xf32, #tpu.memory_space<hbm>>
      %dma_start3A_38 = tpu.memref_squeeze %dma_start3A_37 : memref<1x640x32xf32, #tpu.memory_space<hbm>> -> memref<640x32xf32, #tpu.memory_space<hbm>>
      %dma_start3A_39 = arith.constant 0 : i32
      %dma_start3A_40 = tpu.memref_slice %arg2[%arg0, %mul3A_0, %dma_start3A_39] : memref<2x10240x32xf32, #tpu.memory_space<hbm>> -> memref<1x640x32xf32, #tpu.memory_space<hbm>>
      %dma_start3A_41 = tpu.memref_squeeze %dma_start3A_40 : memref<1x640x32xf32, #tpu.memory_space<hbm>> -> memref<640x32xf32, #tpu.memory_space<hbm>>
      tpu.enqueue_dma source(%dma_start3A_41 : memref<640x32xf32, #tpu.memory_space<hbm>>) target(%arg21 : memref<640x32xf32, #tpu.memory_space<vmem>>) target_semaphore(%run_scoped3A : memref<!tpu.dma_semaphore, #tpu.memory_space<semaphore_mem>>)
      %dma_wait3A = arith.constant 0 : i32
      %dma_wait3A_42 = tpu.memref_slice %arg2[%arg0, %mul3A_0, %dma_wait3A] : memref<2x10240x32xf32, #tpu.memory_space<hbm>> -> memref<1x640x32xf32, #tpu.memory_space<hbm>>
      %dma_wait3A_43 = tpu.memref_squeeze %dma_wait3A_42 : memref<1x640x32xf32, #tpu.memory_space<hbm>> -> memref<640x32xf32, #tpu.memory_space<hbm>>
      %dma_wait3A_44 = arith.constant 0 : i32
      %dma_wait3A_45 = tpu.memref_slice %arg2[%arg0, %mul3A_0, %dma_wait3A_44] : memref<2x10240x32xf32, #tpu.memory_space<hbm>> -> memref<1x640x32xf32, #tpu.memory_space<hbm>>
      %dma_wait3A_46 = tpu.memref_squeeze %dma_wait3A_45 : memref<1x640x32xf32, #tpu.memory_space<hbm>> -> memref<640x32xf32, #tpu.memory_space<hbm>>
      tpu.wait_dma2 semaphore(%run_scoped3A : memref<!tpu.dma_semaphore, #tpu.memory_space<semaphore_mem>>) src(%dma_wait3A_46 : memref<640x32xf32, #tpu.memory_space<hbm>>) dst(%arg21 : memref<640x32xf32, #tpu.memory_space<vmem>>)
      tpu.yield
    }) : () -> ()
    %scan3A_24 = arith.constant 0 : i32
    %scan3A_25 = arith.constant 0 : i32
    %scan3A_26 = arith.constant 640 : i32
    %scan3A_27 = arith.addi %scan3A_25, %scan3A_26 : i32
    %scan3A_28 = arith.constant 1 : i32
    scf.for %scan3A_37 = %scan3A_25 to %scan3A_27 step %scan3A_28  : i32 {
      %get3A = arith.index_cast %scan3A_37 : i32 to index
      %get3A_38 = arith.constant 0 : index
      %get3A_39 = tpu.vector_load %arg22[%get3A, %get3A_38] {strides = array<i32>} : memref<640x32xf32, #tpu.memory_space<vmem>>, vector<1x16xf32>,
      %get3A_40 = vector.shape_cast %get3A_39 : vector<1x16xf32> to vector<16xf32>
      %add3A_41 = arith.constant 1.000000e+00 : f32
      %add3A_42 = vector.broadcast %add3A_41 : f32 to vector<16xf32>
      %add3A_43 = arith.addf %get3A_40, %add3A_42 : vector<16xf32>
      %bitcast_convert_type3A = tpu.bitcast %add3A_43 : vector<16xf32> -> vector<16xi32>
      %shift_right_arithmetic3A = arith.constant 1 : i32
      %shift_right_arithmetic3A_44 = vector.broadcast %shift_right_arithmetic3A : i32 to vector<16xi32>
      %shift_right_arithmetic3A_45 = arith.shrsi %bitcast_convert_type3A, %shift_right_arithmetic3A_44 : vector<16xi32>
      %sub3A = arith.constant 1597463007 : i32
      %sub3A_46 = vector.broadcast %sub3A : i32 to vector<16xi32>
      %sub3A_47 = arith.subi %sub3A_46, %shift_right_arithmetic3A_45 : vector<16xi32>
      %bitcast_convert_type3A_48 = tpu.bitcast %sub3A_47 : vector<16xi32> -> vector<16xf32>
      %mul3A_49 = arith.constant 5.000000e-01 : f32
      %mul3A_50 = vector.broadcast %mul3A_49 : f32 to vector<16xf32>
      %mul3A_51 = arith.mulf %mul3A_50, %add3A_43 : vector<16xf32>
      %mul3A_52 = arith.mulf %mul3A_51, %bitcast_convert_type3A_48 : vector<16xf32>
      %mul3A_53 = arith.mulf %mul3A_52, %bitcast_convert_type3A_48 : vector<16xf32>
      %sub3A_54 = arith.constant 1.500000e+00 : f32
      %sub3A_55 = vector.broadcast %sub3A_54 : f32 to vector<16xf32>
      %sub3A_56 = arith.subf %sub3A_55, %mul3A_53 : vector<16xf32>
      %mul3A_57 = arith.mulf %bitcast_convert_type3A_48, %sub3A_56 : vector<16xf32>
      %mul3A_58 = arith.constant 5.000000e-01 : f32
      %mul3A_59 = vector.broadcast %mul3A_58 : f32 to vector<16xf32>
      %mul3A_60 = arith.mulf %mul3A_59, %add3A_43 : vector<16xf32>
      %mul3A_61 = arith.mulf %mul3A_60, %mul3A_57 : vector<16xf32>
      %mul3A_62 = arith.mulf %mul3A_61, %mul3A_57 : vector<16xf32>
      %sub3A_63 = arith.constant 1.500000e+00 : f32
      %sub3A_64 = vector.broadcast %sub3A_63 : f32 to vector<16xf32>
      %sub3A_65 = arith.subf %sub3A_64, %mul3A_62 : vector<16xf32>
      %mul3A_66 = arith.mulf %mul3A_57, %sub3A_65 : vector<16xf32>
      %mul3A_67 = arith.constant 5.000000e-01 : f32
      %mul3A_68 = vector.broadcast %mul3A_67 : f32 to vector<16xf32>
      %mul3A_69 = arith.mulf %mul3A_68, %add3A_43 : vector<16xf32>
      %mul3A_70 = arith.mulf %mul3A_69, %mul3A_66 : vector<16xf32>
      %mul3A_71 = arith.mulf %mul3A_70, %mul3A_66 : vector<16xf32>
      %sub3A_72 = arith.constant 1.500000e+00 : f32
      %sub3A_73 = vector.broadcast %sub3A_72 : f32 to vector<16xf32>
      %sub3A_74 = arith.subf %sub3A_73, %mul3A_71 : vector<16xf32>
      %mul3A_75 = arith.mulf %mul3A_66, %sub3A_74 : vector<16xf32>
      %mul3A_76 = arith.constant 5.000000e-01 : f32
      %mul3A_77 = vector.broadcast %mul3A_76 : f32 to vector<16xf32>
      %mul3A_78 = arith.mulf %mul3A_77, %add3A_43 : vector<16xf32>
      %mul3A_79 = arith.mulf %mul3A_78, %mul3A_75 : vector<16xf32>
      %mul3A_80 = arith.mulf %mul3A_79, %mul3A_75 : vector<16xf32>
      %sub3A_81 = arith.constant 1.500000e+00 : f32
      %sub3A_82 = vector.broadcast %sub3A_81 : f32 to vector<16xf32>
      %sub3A_83 = arith.subf %sub3A_82, %mul3A_80 : vector<16xf32>
      %mul3A_84 = arith.mulf %mul3A_75, %sub3A_83 : vector<16xf32>
      %swap3A = arith.index_cast %scan3A_37 : i32 to index
      %swap3A_85 = arith.constant 0 : index
      %swap3A_86 = tpu.vector_load %arg20[%swap3A, %swap3A_85] {strides = array<i32>} : memref<640x16xf32, #tpu.memory_space<vmem>>, vector<1x16xf32>,
      %swap3A_87 = vector.shape_cast %swap3A_86 : vector<1x16xf32> to vector<16xf32>
      %swap3A_88 = vector.shape_cast %mul3A_84 : vector<16xf32> to vector<1x16xf32>
      tpu.vector_store %arg20[%swap3A, %swap3A_85], %swap3A_88 {strides = array<i32>} : memref<640x16xf32, #tpu.memory_space<vmem>>, vector<1x16xf32>,
      %get3A_89 = arith.index_cast %scan3A_37 : i32 to index
      %get3A_90 = arith.constant 0 : index
      %get3A_91 = tpu.vector_load %arg21[%get3A_89, %get3A_90] {strides = array<i32>} : memref<640x32xf32, #tpu.memory_space<vmem>>, vector<1x16xf32>,
      %get3A_92 = vector.shape_cast %get3A_91 : vector<1x16xf32> to vector<16xf32>
      %get3A_93 = arith.index_cast %scan3A_37 : i32 to index
      %get3A_94 = arith.constant 16 : index
      %get3A_95 = tpu.vector_load %arg21[%get3A_93, %get3A_94] {strides = array<i32>} : memref<640x32xf32, #tpu.memory_space<vmem>>, vector<1x16xf32>,
      %get3A_96 = vector.shape_cast %get3A_95 : vector<1x16xf32> to vector<16xf32>
      %mul3A_97 = arith.constant 1.000000e-01 : f32
      %mul3A_98 = vector.broadcast %mul3A_97 : f32 to vector<16xf32>
      %mul3A_99 = arith.mulf %mul3A_98, %get3A_92 : vector<16xf32>
      %swap3A_100 = arith.index_cast %scan3A_37 : i32 to index
      %swap3A_101 = arith.constant 0 : index
      %swap3A_102 = tpu.vector_load %arg21[%swap3A_100, %swap3A_101] {strides = array<i32>} : memref<640x32xf32, #tpu.memory_space<vmem>>, vector<1x16xf32>,
      %swap3A_103 = vector.shape_cast %swap3A_102 : vector<1x16xf32> to vector<16xf32>
      %swap3A_104 = vector.shape_cast %mul3A_99 : vector<16xf32> to vector<1x16xf32>
      tpu.vector_store %arg21[%swap3A_100, %swap3A_101], %swap3A_104 {strides = array<i32>} : memref<640x32xf32, #tpu.memory_space<vmem>>, vector<1x16xf32>,
      %mul3A_105 = arith.constant 1.000000e-01 : f32
      %mul3A_106 = vector.broadcast %mul3A_105 : f32 to vector<16xf32>
      %mul3A_107 = arith.mulf %mul3A_106, %get3A_96 : vector<16xf32>
      %swap3A_108 = arith.index_cast %scan3A_37 : i32 to index
      %swap3A_109 = arith.constant 16 : index
      %swap3A_110 = tpu.vector_load %arg21[%swap3A_108, %swap3A_109] {strides = array<i32>} : memref<640x32xf32, #tpu.memory_space<vmem>>, vector<1x16xf32>,
      %swap3A_111 = vector.shape_cast %swap3A_110 : vector<1x16xf32> to vector<16xf32>
      %swap3A_112 = vector.shape_cast %mul3A_107 : vector<16xf32> to vector<1x16xf32>
      tpu.vector_store %arg21[%swap3A_108, %swap3A_109], %swap3A_112 {strides = array<i32>} : memref<640x32xf32, #tpu.memory_space<vmem>>, vector<1x16xf32>,
      %mul3A_113 = arith.mulf %mul3A_84, %get3A_92 : vector<16xf32>
      %swap3A_114 = arith.index_cast %scan3A_37 : i32 to index
      %swap3A_115 = arith.constant 0 : index
      %swap3A_116 = tpu.vector_load %arg22[%swap3A_114, %swap3A_115] {strides = array<i32>} : memref<640x32xf32, #tpu.memory_space<vmem>>, vector<1x16xf32>,
      %swap3A_117 = vector.shape_cast %swap3A_116 : vector<1x16xf32> to vector<16xf32>
      %swap3A_118 = vector.shape_cast %mul3A_113 : vector<16xf32> to vector<1x16xf32>
      tpu.vector_store %arg22[%swap3A_114, %swap3A_115], %swap3A_118 {strides = array<i32>} : memref<640x32xf32, #tpu.memory_space<vmem>>, vector<1x16xf32>,
      %mul3A_119 = arith.mulf %mul3A_84, %get3A_96 : vector<16xf32>
      %swap3A_120 = arith.index_cast %scan3A_37 : i32 to index
      %swap3A_121 = arith.constant 16 : index
      %swap3A_122 = tpu.vector_load %arg22[%swap3A_120, %swap3A_121] {strides = array<i32>} : memref<640x32xf32, #tpu.memory_space<vmem>>, vector<1x16xf32>,
      %swap3A_123 = vector.shape_cast %swap3A_122 : vector<1x16xf32> to vector<16xf32>
      %swap3A_124 = vector.shape_cast %mul3A_119 : vector<16xf32> to vector<1x16xf32>
      tpu.vector_store %arg22[%swap3A_120, %swap3A_121], %swap3A_124 {strides = array<i32>} : memref<640x32xf32, #tpu.memory_space<vmem>>, vector<1x16xf32>,
    }
    %scan3A_29 = arith.constant 640 : i32
    "tpu.region"() ({
      %run_scoped3A = tpu.sem_alloc : memref<!tpu.dma_semaphore, #tpu.memory_space<semaphore_mem>>
      %dma_start3A = arith.constant 0 : i32
      %dma_start3A_37 = tpu.memref_slice %arg5[%add3A, %dma_start3A] : memref<20480x32xf32, #tpu.memory_space<hbm>> -> memref<640x32xf32, #tpu.memory_space<hbm>>
      %dma_start3A_38 = arith.constant 0 : i32
      %dma_start3A_39 = tpu.memref_slice %arg5[%add3A, %dma_start3A_38] : memref<20480x32xf32, #tpu.memory_space<hbm>> -> memref<640x32xf32, #tpu.memory_space<hbm>>
      tpu.enqueue_dma source(%arg22 : memref<640x32xf32, #tpu.memory_space<vmem>>) target(%dma_start3A_39 : memref<640x32xf32, #tpu.memory_space<hbm>>) target_semaphore(%run_scoped3A : memref<!tpu.dma_semaphore, #tpu.memory_space<semaphore_mem>>)
      %dma_wait3A = arith.constant 0 : i32
      %dma_wait3A_40 = tpu.memref_slice %arg5[%add3A, %dma_wait3A] : memref<20480x32xf32, #tpu.memory_space<hbm>> -> memref<640x32xf32, #tpu.memory_space<hbm>>
      %dma_wait3A_41 = arith.constant 0 : i32
      %dma_wait3A_42 = tpu.memref_slice %arg5[%add3A, %dma_wait3A_41] : memref<20480x32xf32, #tpu.memory_space<hbm>> -> memref<640x32xf32, #tpu.memory_space<hbm>>
      tpu.wait_dma2 semaphore(%run_scoped3A : memref<!tpu.dma_semaphore, #tpu.memory_space<semaphore_mem>>) src(%arg22 : memref<640x32xf32, #tpu.memory_space<vmem>>) dst(%dma_wait3A_42 : memref<640x32xf32, #tpu.memory_space<hbm>>)
      tpu.yield
    }) : () -> ()
    "tpu.region"() ({
      %run_scoped3A = tpu.sem_alloc : memref<!tpu.dma_semaphore, #tpu.memory_space<semaphore_mem>>
      %dma_start3A = arith.constant 0 : i32
      %dma_start3A_37 = tpu.memref_slice %arg23[%mul3A_0, %dma_start3A] : memref<10240x32xf32, #tpu.memory_space<vmem_shared>> -> memref<640x32xf32, #tpu.memory_space<vmem_shared>>
      %dma_start3A_38 = arith.constant 0 : i32
      %dma_start3A_39 = tpu.memref_slice %arg23[%mul3A_0, %dma_start3A_38] : memref<10240x32xf32, #tpu.memory_space<vmem_shared>> -> memref<640x32xf32, #tpu.memory_space<vmem_shared>>
      tpu.enqueue_dma source(%arg22 : memref<640x32xf32, #tpu.memory_space<vmem>>) target(%dma_start3A_39 : memref<640x32xf32, #tpu.memory_space<vmem_shared>>) target_semaphore(%run_scoped3A : memref<!tpu.dma_semaphore, #tpu.memory_space<semaphore_mem>>)
      %dma_wait3A = arith.constant 0 : i32
      %dma_wait3A_40 = tpu.memref_slice %arg23[%mul3A_0, %dma_wait3A] : memref<10240x32xf32, #tpu.memory_space<vmem_shared>> -> memref<640x32xf32, #tpu.memory_space<vmem_shared>>
      %dma_wait3A_41 = arith.constant 0 : i32
      %dma_wait3A_42 = tpu.memref_slice %arg23[%mul3A_0, %dma_wait3A_41] : memref<10240x32xf32, #tpu.memory_space<vmem_shared>> -> memref<640x32xf32, #tpu.memory_space<vmem_shared>>
      tpu.wait_dma2 semaphore(%run_scoped3A : memref<!tpu.dma_semaphore, #tpu.memory_space<semaphore_mem>>) src(%arg22 : memref<640x32xf32, #tpu.memory_space<vmem>>) dst(%dma_wait3A_42 : memref<640x32xf32, #tpu.memory_space<vmem_shared>>)
      tpu.yield
    }) : () -> ()
    %barrier3A_30 = arith.constant 0 : index
    tpu.barrier barrier_id(%barrier3A_30)
    "tpu.region"() ({
      %run_scoped3A = tpu.sem_alloc : memref<!tpu.dma_semaphore, #tpu.memory_space<semaphore_mem>>
      %dma_start3A = arith.constant 0 : i32
      %dma_start3A_37 = arith.constant 0 : i32
      %dma_start3A_38 = tpu.memref_slice %arg3[%arg0, %arg1, %dma_start3A, %dma_start3A_37] : memref<2x16x160x125xi32, #tpu.memory_space<hbm>> -> memref<1x1x40x125xi32, #tpu.memory_space<hbm>>
      %dma_start3A_39 = tpu.memref_squeeze %dma_start3A_38 : memref<1x1x40x125xi32, #tpu.memory_space<hbm>> -> memref<40x125xi32, #tpu.memory_space<hbm>>
      %dma_start3A_40 = arith.constant 0 : i32
      %dma_start3A_41 = arith.constant 0 : i32
      %dma_start3A_42 = tpu.memref_slice %arg3[%arg0, %arg1, %dma_start3A_40, %dma_start3A_41] : memref<2x16x160x125xi32, #tpu.memory_space<hbm>> -> memref<1x1x40x125xi32, #tpu.memory_space<hbm>>
      %dma_start3A_43 = tpu.memref_squeeze %dma_start3A_42 : memref<1x1x40x125xi32, #tpu.memory_space<hbm>> -> memref<40x125xi32, #tpu.memory_space<hbm>>
      tpu.enqueue_dma source(%dma_start3A_43 : memref<40x125xi32, #tpu.memory_space<hbm>>) target(%arg7 : memref<40x125xi32, #tpu.memory_space<vmem>>) target_semaphore(%run_scoped3A : memref<!tpu.dma_semaphore, #tpu.memory_space<semaphore_mem>>)
      %dma_wait3A = arith.constant 0 : i32
      %dma_wait3A_44 = arith.constant 0 : i32
      %dma_wait3A_45 = tpu.memref_slice %arg3[%arg0, %arg1, %dma_wait3A, %dma_wait3A_44] : memref<2x16x160x125xi32, #tpu.memory_space<hbm>> -> memref<1x1x40x125xi32, #tpu.memory_space<hbm>>
      %dma_wait3A_46 = tpu.memref_squeeze %dma_wait3A_45 : memref<1x1x40x125xi32, #tpu.memory_space<hbm>> -> memref<40x125xi32, #tpu.memory_space<hbm>>
      %dma_wait3A_47 = arith.constant 0 : i32
      %dma_wait3A_48 = arith.constant 0 : i32
      %dma_wait3A_49 = tpu.memref_slice %arg3[%arg0, %arg1, %dma_wait3A_47, %dma_wait3A_48] : memref<2x16x160x125xi32, #tpu.memory_space<hbm>> -> memref<1x1x40x125xi32, #tpu.memory_space<hbm>>
      %dma_wait3A_50 = tpu.memref_squeeze %dma_wait3A_49 : memref<1x1x40x125xi32, #tpu.memory_space<hbm>> -> memref<40x125xi32, #tpu.memory_space<hbm>>
      tpu.wait_dma2 semaphore(%run_scoped3A : memref<!tpu.dma_semaphore, #tpu.memory_space<semaphore_mem>>) src(%dma_wait3A_50 : memref<40x125xi32, #tpu.memory_space<hbm>>) dst(%arg7 : memref<40x125xi32, #tpu.memory_space<vmem>>)
      tpu.yield
    }) : () -> ()
    "tpu.region"() ({
      %run_scoped3A = tpu.sem_alloc : memref<!tpu.dma_semaphore, #tpu.memory_space<semaphore_mem>>
      %dma_start3A = arith.constant 0 : i32
      %dma_start3A_37 = arith.constant 0 : i32
      %dma_start3A_38 = tpu.memref_slice %arg4[%arg1, %dma_start3A, %dma_start3A_37] : memref<16x160x125xi32, #tpu.memory_space<hbm>> -> memref<1x40x125xi32, #tpu.memory_space<hbm>>
      %dma_start3A_39 = tpu.memref_squeeze %dma_start3A_38 : memref<1x40x125xi32, #tpu.memory_space<hbm>> -> memref<40x125xi32, #tpu.memory_space<hbm>>
      %dma_start3A_40 = arith.constant 0 : i32
      %dma_start3A_41 = arith.constant 0 : i32
      %dma_start3A_42 = tpu.memref_slice %arg4[%arg1, %dma_start3A_40, %dma_start3A_41] : memref<16x160x125xi32, #tpu.memory_space<hbm>> -> memref<1x40x125xi32, #tpu.memory_space<hbm>>
      %dma_start3A_43 = tpu.memref_squeeze %dma_start3A_42 : memref<1x40x125xi32, #tpu.memory_space<hbm>> -> memref<40x125xi32, #tpu.memory_space<hbm>>
      tpu.enqueue_dma source(%dma_start3A_43 : memref<40x125xi32, #tpu.memory_space<hbm>>) target(%arg8 : memref<40x125xi32, #tpu.memory_space<vmem>>) target_semaphore(%run_scoped3A : memref<!tpu.dma_semaphore, #tpu.memory_space<semaphore_mem>>)
      %dma_wait3A = arith.constant 0 : i32
      %dma_wait3A_44 = arith.constant 0 : i32
      %dma_wait3A_45 = tpu.memref_slice %arg4[%arg1, %dma_wait3A, %dma_wait3A_44] : memref<16x160x125xi32, #tpu.memory_space<hbm>> -> memref<1x40x125xi32, #tpu.memory_space<hbm>>
      %dma_wait3A_46 = tpu.memref_squeeze %dma_wait3A_45 : memref<1x40x125xi32, #tpu.memory_space<hbm>> -> memref<40x125xi32, #tpu.memory_space<hbm>>
      %dma_wait3A_47 = arith.constant 0 : i32
      %dma_wait3A_48 = arith.constant 0 : i32
      %dma_wait3A_49 = tpu.memref_slice %arg4[%arg1, %dma_wait3A_47, %dma_wait3A_48] : memref<16x160x125xi32, #tpu.memory_space<hbm>> -> memref<1x40x125xi32, #tpu.memory_space<hbm>>
      %dma_wait3A_50 = tpu.memref_squeeze %dma_wait3A_49 : memref<1x40x125xi32, #tpu.memory_space<hbm>> -> memref<40x125xi32, #tpu.memory_space<hbm>>
      tpu.wait_dma2 semaphore(%run_scoped3A : memref<!tpu.dma_semaphore, #tpu.memory_space<semaphore_mem>>) src(%dma_wait3A_50 : memref<40x125xi32, #tpu.memory_space<hbm>>) dst(%arg8 : memref<40x125xi32, #tpu.memory_space<vmem>>)
      tpu.yield
    }) : () -> ()
    %scan3A_31 = arith.constant 0 : i32
    %scan3A_32 = arith.constant 0 : i32
    %scan3A_33 = arith.constant 5 : i32
    %scan3A_34 = arith.addi %scan3A_32, %scan3A_33 : i32
    %scan3A_35 = arith.constant 1 : i32
    scf.for %scan3A_37 = %scan3A_32 to %scan3A_34 step %scan3A_35  : i32 {
      %scan3A_38 = arith.constant 0 : i32
      %scan3A_39 = arith.constant 0 : i32
      %scan3A_40 = arith.constant 2 : i32
      %scan3A_41 = arith.addi %scan3A_39, %scan3A_40 : i32
      %scan3A_42 = arith.constant 1 : i32
      scf.for %scan3A_54 = %scan3A_39 to %scan3A_41 step %scan3A_42  : i32 {
        %mul3A_55 = arith.constant 2 : i32
        %mul3A_56 = arith.muli %mul3A_55, %scan3A_54 : i32
        %add3A_57 = arith.constant 1 : i32
        %add3A_58 = arith.addi %mul3A_56, %add3A_57 : i32
        %mul3A_59 = arith.constant 40 : i32
        %mul3A_60 = arith.muli %add3A_58, %mul3A_59 : i32
        %dma_start3A = arith.constant 0 : i32
        %dma_start3A_61 = tpu.memref_slice %arg3[%arg0, %arg1, %mul3A_60, %dma_start3A] : memref<2x16x160x125xi32, #tpu.memory_space<hbm>> -> memref<1x1x40x125xi32, #tpu.memory_space<hbm>>
        %dma_start3A_62 = tpu.memref_squeeze %dma_start3A_61 : memref<1x1x40x125xi32, #tpu.memory_space<hbm>> -> memref<40x125xi32, #tpu.memory_space<hbm>>
        %dma_start3A_63 = arith.constant 0 : i32
        %dma_start3A_64 = tpu.memref_slice %arg3[%arg0, %arg1, %mul3A_60, %dma_start3A_63] : memref<2x16x160x125xi32, #tpu.memory_space<hbm>> -> memref<1x1x40x125xi32, #tpu.memory_space<hbm>>
        %dma_start3A_65 = tpu.memref_squeeze %dma_start3A_64 : memref<1x1x40x125xi32, #tpu.memory_space<hbm>> -> memref<40x125xi32, #tpu.memory_space<hbm>>
        tpu.enqueue_dma source(%dma_start3A_65 : memref<40x125xi32, #tpu.memory_space<hbm>>) target(%arg9 : memref<40x125xi32, #tpu.memory_space<vmem>>) target_semaphore(%arg32 : memref<!tpu.dma_semaphore, #tpu.memory_space<semaphore_mem>>)
        %mul3A_66 = arith.constant 40 : i32
        %mul3A_67 = arith.muli %add3A_58, %mul3A_66 : i32
        %dma_start3A_68 = arith.constant 0 : i32
        %dma_start3A_69 = tpu.memref_slice %arg4[%arg1, %mul3A_67, %dma_start3A_68] : memref<16x160x125xi32, #tpu.memory_space<hbm>> -> memref<1x40x125xi32, #tpu.memory_space<hbm>>
        %dma_start3A_70 = tpu.memref_squeeze %dma_start3A_69 : memref<1x40x125xi32, #tpu.memory_space<hbm>> -> memref<40x125xi32, #tpu.memory_space<hbm>>
        %dma_start3A_71 = arith.constant 0 : i32
        %dma_start3A_72 = tpu.memref_slice %arg4[%arg1, %mul3A_67, %dma_start3A_71] : memref<16x160x125xi32, #tpu.memory_space<hbm>> -> memref<1x40x125xi32, #tpu.memory_space<hbm>>
        %dma_start3A_73 = tpu.memref_squeeze %dma_start3A_72 : memref<1x40x125xi32, #tpu.memory_space<hbm>> -> memref<40x125xi32, #tpu.memory_space<hbm>>
        tpu.enqueue_dma source(%dma_start3A_73 : memref<40x125xi32, #tpu.memory_space<hbm>>) target(%arg10 : memref<40x125xi32, #tpu.memory_space<vmem>>) target_semaphore(%arg33 : memref<!tpu.dma_semaphore, #tpu.memory_space<semaphore_mem>>)
        %dma_start3A_74 = arith.constant 0 : i32
        %dma_start3A_75 = arith.constant 0 : i32
        %dma_start3A_76 = tpu.memref_slice %arg7[%dma_start3A_74, %dma_start3A_75] : memref<40x125xi32, #tpu.memory_space<vmem>> -> memref<1x125xi32, #tpu.memory_space<vmem>>
        %dma_start3A_77 = tpu.memref_squeeze %dma_start3A_76 : memref<1x125xi32, #tpu.memory_space<vmem>> -> memref<125xi32, #tpu.memory_space<vmem>>
        %dma_start3A_78 = arith.constant 0 : i32
        %dma_start3A_79 = arith.constant 0 : i32
        %dma_start3A_80 = tpu.memref_slice %arg5[%dma_start3A_78, %dma_start3A_79] : memref<20480x32xf32, #tpu.memory_space<hbm>> -> memref<20480x32xf32, #tpu.memory_space<hbm>>
        tpu.enqueue_indirect_dma source(%dma_start3A_80 : memref<20480x32xf32, #tpu.memory_space<hbm>>) target(%arg11 : memref<125x32xf32, #tpu.memory_space<vmem>>) offsets(%dma_start3A_77 : memref<125xi32, #tpu.memory_space<vmem>>) semaphore(%arg24 : memref<!tpu.dma_semaphore, #tpu.memory_space<semaphore_mem>>)
        %dma_start3A_81 = arith.constant 1 : i32
        %dma_start3A_82 = arith.constant 0 : i32
        %dma_start3A_83 = tpu.memref_slice %arg7[%dma_start3A_81, %dma_start3A_82] : memref<40x125xi32, #tpu.memory_space<vmem>> -> memref<1x125xi32, #tpu.memory_space<vmem>>
        %dma_start3A_84 = tpu.memref_squeeze %dma_start3A_83 : memref<1x125xi32, #tpu.memory_space<vmem>> -> memref<125xi32, #tpu.memory_space<vmem>>
        %dma_start3A_85 = arith.constant 0 : i32
        %dma_start3A_86 = arith.constant 0 : i32
        %dma_start3A_87 = tpu.memref_slice %arg5[%dma_start3A_85, %dma_start3A_86] : memref<20480x32xf32, #tpu.memory_space<hbm>> -> memref<20480x32xf32, #tpu.memory_space<hbm>>
        tpu.enqueue_indirect_dma source(%dma_start3A_87 : memref<20480x32xf32, #tpu.memory_space<hbm>>) target(%arg12 : memref<125x32xf32, #tpu.memory_space<vmem>>) offsets(%dma_start3A_84 : memref<125xi32, #tpu.memory_space<vmem>>) semaphore(%arg25 : memref<!tpu.dma_semaphore, #tpu.memory_space<semaphore_mem>>)
        %dma_start3A_88 = arith.constant 2 : i32
        %dma_start3A_89 = arith.constant 0 : i32
        %dma_start3A_90 = tpu.memref_slice %arg7[%dma_start3A_88, %dma_start3A_89] : memref<40x125xi32, #tpu.memory_space<vmem>> -> memref<1x125xi32, #tpu.memory_space<vmem>>
        %dma_start3A_91 = tpu.memref_squeeze %dma_start3A_90 : memref<1x125xi32, #tpu.memory_space<vmem>> -> memref<125xi32, #tpu.memory_space<vmem>>
        %dma_start3A_92 = arith.constant 0 : i32
        %dma_start3A_93 = arith.constant 0 : i32
        %dma_start3A_94 = tpu.memref_slice %arg5[%dma_start3A_92, %dma_start3A_93] : memref<20480x32xf32, #tpu.memory_space<hbm>> -> memref<20480x32xf32, #tpu.memory_space<hbm>>
        tpu.enqueue_indirect_dma source(%dma_start3A_94 : memref<20480x32xf32, #tpu.memory_space<hbm>>) target(%arg13 : memref<125x32xf32, #tpu.memory_space<vmem>>) offsets(%dma_start3A_91 : memref<125xi32, #tpu.memory_space<vmem>>) semaphore(%arg26 : memref<!tpu.dma_semaphore, #tpu.memory_space<semaphore_mem>>)
        %dma_start3A_95 = arith.constant 3 : i32
        %dma_start3A_96 = arith.constant 0 : i32
        %dma_start3A_97 = tpu.memref_slice %arg7[%dma_start3A_95, %dma_start3A_96] : memref<40x125xi32, #tpu.memory_space<vmem>> -> memref<1x125xi32, #tpu.memory_space<vmem>>
        %dma_start3A_98 = tpu.memref_squeeze %dma_start3A_97 : memref<1x125xi32, #tpu.memory_space<vmem>> -> memref<125xi32, #tpu.memory_space<vmem>>
        %dma_start3A_99 = arith.constant 0 : i32
        %dma_start3A_100 = arith.constant 0 : i32
        %dma_start3A_101 = tpu.memref_slice %arg5[%dma_start3A_99, %dma_start3A_100] : memref<20480x32xf32, #tpu.memory_space<hbm>> -> memref<20480x32xf32, #tpu.memory_space<hbm>>
        tpu.enqueue_indirect_dma source(%dma_start3A_101 : memref<20480x32xf32, #tpu.memory_space<hbm>>) target(%arg14 : memref<125x32xf32, #tpu.memory_space<vmem>>) offsets(%dma_start3A_98 : memref<125xi32, #tpu.memory_space<vmem>>) semaphore(%arg27 : memref<!tpu.dma_semaphore, #tpu.memory_space<semaphore_mem>>)
        %dma_start3A_102 = arith.constant 4 : i32
        %dma_start3A_103 = arith.constant 0 : i32
        %dma_start3A_104 = tpu.memref_slice %arg7[%dma_start3A_102, %dma_start3A_103] : memref<40x125xi32, #tpu.memory_space<vmem>> -> memref<1x125xi32, #tpu.memory_space<vmem>>
        %dma_start3A_105 = tpu.memref_squeeze %dma_start3A_104 : memref<1x125xi32, #tpu.memory_space<vmem>> -> memref<125xi32, #tpu.memory_space<vmem>>
        %dma_start3A_106 = arith.constant 0 : i32
        %dma_start3A_107 = arith.constant 0 : i32
        %dma_start3A_108 = tpu.memref_slice %arg5[%dma_start3A_106, %dma_start3A_107] : memref<20480x32xf32, #tpu.memory_space<hbm>> -> memref<20480x32xf32, #tpu.memory_space<hbm>>
        tpu.enqueue_indirect_dma source(%dma_start3A_108 : memref<20480x32xf32, #tpu.memory_space<hbm>>) target(%arg15 : memref<125x32xf32, #tpu.memory_space<vmem>>) offsets(%dma_start3A_105 : memref<125xi32, #tpu.memory_space<vmem>>) semaphore(%arg28 : memref<!tpu.dma_semaphore, #tpu.memory_space<semaphore_mem>>)
        %dma_start3A_109 = arith.constant 5 : i32
        %dma_start3A_110 = arith.constant 0 : i32
        %dma_start3A_111 = tpu.memref_slice %arg7[%dma_start3A_109, %dma_start3A_110] : memref<40x125xi32, #tpu.memory_space<vmem>> -> memref<1x125xi32, #tpu.memory_space<vmem>>
        %dma_start3A_112 = tpu.memref_squeeze %dma_start3A_111 : memref<1x125xi32, #tpu.memory_space<vmem>> -> memref<125xi32, #tpu.memory_space<vmem>>
        %dma_start3A_113 = arith.constant 0 : i32
        %dma_start3A_114 = arith.constant 0 : i32
        %dma_start3A_115 = tpu.memref_slice %arg5[%dma_start3A_113, %dma_start3A_114] : memref<20480x32xf32, #tpu.memory_space<hbm>> -> memref<20480x32xf32, #tpu.memory_space<hbm>>
        tpu.enqueue_indirect_dma source(%dma_start3A_115 : memref<20480x32xf32, #tpu.memory_space<hbm>>) target(%arg16 : memref<125x32xf32, #tpu.memory_space<vmem>>) offsets(%dma_start3A_112 : memref<125xi32, #tpu.memory_space<vmem>>) semaphore(%arg29 : memref<!tpu.dma_semaphore, #tpu.memory_space<semaphore_mem>>)
        %dma_start3A_116 = arith.constant 6 : i32
        %dma_start3A_117 = arith.constant 0 : i32
        %dma_start3A_118 = tpu.memref_slice %arg7[%dma_start3A_116, %dma_start3A_117] : memref<40x125xi32, #tpu.memory_space<vmem>> -> memref<1x125xi32, #tpu.memory_space<vmem>>
        %dma_start3A_119 = tpu.memref_squeeze %dma_start3A_118 : memref<1x125xi32, #tpu.memory_space<vmem>> -> memref<125xi32, #tpu.memory_space<vmem>>
        %dma_start3A_120 = arith.constant 0 : i32
        %dma_start3A_121 = arith.constant 0 : i32
        %dma_start3A_122 = tpu.memref_slice %arg5[%dma_start3A_120, %dma_start3A_121] : memref<20480x32xf32, #tpu.memory_space<hbm>> -> memref<20480x32xf32, #tpu.memory_space<hbm>>
        tpu.enqueue_indirect_dma source(%dma_start3A_122 : memref<20480x32xf32, #tpu.memory_space<hbm>>) target(%arg17 : memref<125x32xf32, #tpu.memory_space<vmem>>) offsets(%dma_start3A_119 : memref<125xi32, #tpu.memory_space<vmem>>) semaphore(%arg30 : memref<!tpu.dma_semaphore, #tpu.memory_space<semaphore_mem>>)
        %dma_start3A_123 = arith.constant 7 : i32
        %dma_start3A_124 = arith.constant 0 : i32
        %dma_start3A_125 = tpu.memref_slice %arg7[%dma_start3A_123, %dma_start3A_124] : memref<40x125xi32, #tpu.memory_space<vmem>> -> memref<1x125xi32, #tpu.memory_space<vmem>>
        %dma_start3A_126 = tpu.memref_squeeze %dma_start3A_125 : memref<1x125xi32, #tpu.memory_space<vmem>> -> memref<125xi32, #tpu.memory_space<vmem>>
        %dma_start3A_127 = arith.constant 0 : i32
        %dma_start3A_128 = arith.constant 0 : i32
        %dma_start3A_129 = tpu.memref_slice %arg5[%dma_start3A_127, %dma_start3A_128] : memref<20480x32xf32, #tpu.memory_space<hbm>> -> memref<20480x32xf32, #tpu.memory_space<hbm>>
        tpu.enqueue_indirect_dma source(%dma_start3A_129 : memref<20480x32xf32, #tpu.memory_space<hbm>>) target(%arg18 : memref<125x32xf32, #tpu.memory_space<vmem>>) offsets(%dma_start3A_126 : memref<125xi32, #tpu.memory_space<vmem>>) semaphore(%arg31 : memref<!tpu.dma_semaphore, #tpu.memory_space<semaphore_mem>>)
        %scan3A_130 = arith.constant 0 : i32
        %scan3A_131 = arith.constant 0 : i32
        %scan3A_132 = arith.constant 4 : i32
        %scan3A_133 = arith.addi %scan3A_131, %scan3A_132 : i32
        %scan3A_134 = arith.constant 1 : i32
        scf.for %scan3A_377 = %scan3A_131 to %scan3A_133 step %scan3A_134  : i32 {
          %mul3A_378 = arith.constant 8 : i32
          %mul3A_379 = arith.muli %scan3A_377, %mul3A_378 : i32
          %add3A_380 = arith.constant 0 : i32
          %add3A_381 = arith.addi %mul3A_379, %add3A_380 : i32
          %dma_wait3A_382 = arith.constant 0 : i32
          %dma_wait3A_383 = tpu.memref_slice %arg7[%add3A_381, %dma_wait3A_382] : memref<40x125xi32, #tpu.memory_space<vmem>> -> memref<1x125xi32, #tpu.memory_space<vmem>>
          %dma_wait3A_384 = tpu.memref_squeeze %dma_wait3A_383 : memref<1x125xi32, #tpu.memory_space<vmem>> -> memref<125xi32, #tpu.memory_space<vmem>>
          %dma_wait3A_385 = arith.constant 0 : i32
          %dma_wait3A_386 = arith.constant 0 : i32
          %dma_wait3A_387 = tpu.memref_slice %arg5[%dma_wait3A_385, %dma_wait3A_386] : memref<20480x32xf32, #tpu.memory_space<hbm>> -> memref<20480x32xf32, #tpu.memory_space<hbm>>
          tpu.wait_indirect_dma semaphore(%arg24 : memref<!tpu.dma_semaphore, #tpu.memory_space<semaphore_mem>>) src(%dma_wait3A_387 : memref<20480x32xf32, #tpu.memory_space<hbm>>) dst(%arg11 : memref<125x32xf32, #tpu.memory_space<vmem>>)
          "tpu.region"() ({
            %run_scoped3A_508 = tpu.sem_alloc : memref<!tpu.dma_semaphore, #tpu.memory_space<semaphore_mem>>
            %dma_start3A_509 = arith.constant 0 : i32
            %dma_start3A_510 = tpu.memref_slice %arg8[%add3A_381, %dma_start3A_509] : memref<40x125xi32, #tpu.memory_space<vmem>> -> memref<1x125xi32, #tpu.memory_space<vmem>>
            %dma_start3A_511 = tpu.memref_squeeze %dma_start3A_510 : memref<1x125xi32, #tpu.memory_space<vmem>> -> memref<125xi32, #tpu.memory_space<vmem>>
            %dma_start3A_512 = arith.constant 0 : i32
            %dma_start3A_513 = arith.constant 0 : i32
            %dma_start3A_514 = tpu.memref_slice %arg23[%dma_start3A_512, %dma_start3A_513] : memref<10240x32xf32, #tpu.memory_space<vmem_shared>> -> memref<10240x32xf32, #tpu.memory_space<vmem_shared>>
            tpu.enqueue_indirect_dma source(%arg11 : memref<125x32xf32, #tpu.memory_space<vmem>>) target(%dma_start3A_514 : memref<10240x32xf32, #tpu.memory_space<vmem_shared>>) offsets(%dma_start3A_511 : memref<125xi32, #tpu.memory_space<vmem>>) semaphore(%run_scoped3A_508 : memref<!tpu.dma_semaphore, #tpu.memory_space<semaphore_mem>>) {add = true}
            %dma_wait3A_515 = arith.constant 0 : i32
            %dma_wait3A_516 = tpu.memref_slice %arg8[%add3A_381, %dma_wait3A_515] : memref<40x125xi32, #tpu.memory_space<vmem>> -> memref<1x125xi32, #tpu.memory_space<vmem>>
            %dma_wait3A_517 = tpu.memref_squeeze %dma_wait3A_516 : memref<1x125xi32, #tpu.memory_space<vmem>> -> memref<125xi32, #tpu.memory_space<vmem>>
            %dma_wait3A_518 = arith.constant 0 : i32
            %dma_wait3A_519 = arith.constant 0 : i32
            %dma_wait3A_520 = tpu.memref_slice %arg23[%dma_wait3A_518, %dma_wait3A_519] : memref<10240x32xf32, #tpu.memory_space<vmem_shared>> -> memref<10240x32xf32, #tpu.memory_space<vmem_shared>>
            tpu.wait_indirect_dma semaphore(%run_scoped3A_508 : memref<!tpu.dma_semaphore, #tpu.memory_space<semaphore_mem>>) src(%arg11 : memref<125x32xf32, #tpu.memory_space<vmem>>) dst(%dma_wait3A_520 : memref<10240x32xf32, #tpu.memory_space<vmem_shared>>)
            tpu.yield
          }) : () -> ()
          %add3A_388 = arith.constant 8 : i32
          %add3A_389 = arith.addi %add3A_381, %add3A_388 : i32
          %dma_start3A_390 = arith.constant 0 : i32
          %dma_start3A_391 = tpu.memref_slice %arg7[%add3A_389, %dma_start3A_390] : memref<40x125xi32, #tpu.memory_space<vmem>> -> memref<1x125xi32, #tpu.memory_space<vmem>>
          %dma_start3A_392 = tpu.memref_squeeze %dma_start3A_391 : memref<1x125xi32, #tpu.memory_space<vmem>> -> memref<125xi32, #tpu.memory_space<vmem>>
          %dma_start3A_393 = arith.constant 0 : i32
          %dma_start3A_394 = arith.constant 0 : i32
          %dma_start3A_395 = tpu.memref_slice %arg5[%dma_start3A_393, %dma_start3A_394] : memref<20480x32xf32, #tpu.memory_space<hbm>> -> memref<20480x32xf32, #tpu.memory_space<hbm>>
          tpu.enqueue_indirect_dma source(%dma_start3A_395 : memref<20480x32xf32, #tpu.memory_space<hbm>>) target(%arg11 : memref<125x32xf32, #tpu.memory_space<vmem>>) offsets(%dma_start3A_392 : memref<125xi32, #tpu.memory_space<vmem>>) semaphore(%arg24 : memref<!tpu.dma_semaphore, #tpu.memory_space<semaphore_mem>>)
          %add3A_396 = arith.constant 1 : i32
          %add3A_397 = arith.addi %mul3A_379, %add3A_396 : i32
          %dma_wait3A_398 = arith.constant 0 : i32
          %dma_wait3A_399 = tpu.memref_slice %arg7[%add3A_397, %dma_wait3A_398] : memref<40x125xi32, #tpu.memory_space<vmem>> -> memref<1x125xi32, #tpu.memory_space<vmem>>
          %dma_wait3A_400 = tpu.memref_squeeze %dma_wait3A_399 : memref<1x125xi32, #tpu.memory_space<vmem>> -> memref<125xi32, #tpu.memory_space<vmem>>
          %dma_wait3A_401 = arith.constant 0 : i32
          %dma_wait3A_402 = arith.constant 0 : i32
          %dma_wait3A_403 = tpu.memref_slice %arg5[%dma_wait3A_401, %dma_wait3A_402] : memref<20480x32xf32, #tpu.memory_space<hbm>> -> memref<20480x32xf32, #tpu.memory_space<hbm>>
          tpu.wait_indirect_dma semaphore(%arg25 : memref<!tpu.dma_semaphore, #tpu.memory_space<semaphore_mem>>) src(%dma_wait3A_403 : memref<20480x32xf32, #tpu.memory_space<hbm>>) dst(%arg12 : memref<125x32xf32, #tpu.memory_space<vmem>>)
          "tpu.region"() ({
            %run_scoped3A_508 = tpu.sem_alloc : memref<!tpu.dma_semaphore, #tpu.memory_space<semaphore_mem>>
            %dma_start3A_509 = arith.constant 0 : i32
            %dma_start3A_510 = tpu.memref_slice %arg8[%add3A_397, %dma_start3A_509] : memref<40x125xi32, #tpu.memory_space<vmem>> -> memref<1x125xi32, #tpu.memory_space<vmem>>
            %dma_start3A_511 = tpu.memref_squeeze %dma_start3A_510 : memref<1x125xi32, #tpu.memory_space<vmem>> -> memref<125xi32, #tpu.memory_space<vmem>>
            %dma_start3A_512 = arith.constant 0 : i32
            %dma_start3A_513 = arith.constant 0 : i32
            %dma_start3A_514 = tpu.memref_slice %arg23[%dma_start3A_512, %dma_start3A_513] : memref<10240x32xf32, #tpu.memory_space<vmem_shared>> -> memref<10240x32xf32, #tpu.memory_space<vmem_shared>>
            tpu.enqueue_indirect_dma source(%arg12 : memref<125x32xf32, #tpu.memory_space<vmem>>) target(%dma_start3A_514 : memref<10240x32xf32, #tpu.memory_space<vmem_shared>>) offsets(%dma_start3A_511 : memref<125xi32, #tpu.memory_space<vmem>>) semaphore(%run_scoped3A_508 : memref<!tpu.dma_semaphore, #tpu.memory_space<semaphore_mem>>) {add = true}
            %dma_wait3A_515 = arith.constant 0 : i32
            %dma_wait3A_516 = tpu.memref_slice %arg8[%add3A_397, %dma_wait3A_515] : memref<40x125xi32, #tpu.memory_space<vmem>> -> memref<1x125xi32, #tpu.memory_space<vmem>>
            %dma_wait3A_517 = tpu.memref_squeeze %dma_wait3A_516 : memref<1x125xi32, #tpu.memory_space<vmem>> -> memref<125xi32, #tpu.memory_space<vmem>>
            %dma_wait3A_518 = arith.constant 0 : i32
            %dma_wait3A_519 = arith.constant 0 : i32
            %dma_wait3A_520 = tpu.memref_slice %arg23[%dma_wait3A_518, %dma_wait3A_519] : memref<10240x32xf32, #tpu.memory_space<vmem_shared>> -> memref<10240x32xf32, #tpu.memory_space<vmem_shared>>
            tpu.wait_indirect_dma semaphore(%run_scoped3A_508 : memref<!tpu.dma_semaphore, #tpu.memory_space<semaphore_mem>>) src(%arg12 : memref<125x32xf32, #tpu.memory_space<vmem>>) dst(%dma_wait3A_520 : memref<10240x32xf32, #tpu.memory_space<vmem_shared>>)
            tpu.yield
          }) : () -> ()
          %add3A_404 = arith.constant 8 : i32
          %add3A_405 = arith.addi %add3A_397, %add3A_404 : i32
          %dma_start3A_406 = arith.constant 0 : i32
          %dma_start3A_407 = tpu.memref_slice %arg7[%add3A_405, %dma_start3A_406] : memref<40x125xi32, #tpu.memory_space<vmem>> -> memref<1x125xi32, #tpu.memory_space<vmem>>
          %dma_start3A_408 = tpu.memref_squeeze %dma_start3A_407 : memref<1x125xi32, #tpu.memory_space<vmem>> -> memref<125xi32, #tpu.memory_space<vmem>>
          %dma_start3A_409 = arith.constant 0 : i32
          %dma_start3A_410 = arith.constant 0 : i32
          %dma_start3A_411 = tpu.memref_slice %arg5[%dma_start3A_409, %dma_start3A_410] : memref<20480x32xf32, #tpu.memory_space<hbm>> -> memref<20480x32xf32, #tpu.memory_space<hbm>>
          tpu.enqueue_indirect_dma source(%dma_start3A_411 : memref<20480x32xf32, #tpu.memory_space<hbm>>) target(%arg12 : memref<125x32xf32, #tpu.memory_space<vmem>>) offsets(%dma_start3A_408 : memref<125xi32, #tpu.memory_space<vmem>>) semaphore(%arg25 : memref<!tpu.dma_semaphore, #tpu.memory_space<semaphore_mem>>)
          %add3A_412 = arith.constant 2 : i32
          %add3A_413 = arith.addi %mul3A_379, %add3A_412 : i32
          %dma_wait3A_414 = arith.constant 0 : i32
          %dma_wait3A_415 = tpu.memref_slice %arg7[%add3A_413, %dma_wait3A_414] : memref<40x125xi32, #tpu.memory_space<vmem>> -> memref<1x125xi32, #tpu.memory_space<vmem>>
          %dma_wait3A_416 = tpu.memref_squeeze %dma_wait3A_415 : memref<1x125xi32, #tpu.memory_space<vmem>> -> memref<125xi32, #tpu.memory_space<vmem>>
          %dma_wait3A_417 = arith.constant 0 : i32
          %dma_wait3A_418 = arith.constant 0 : i32
          %dma_wait3A_419 = tpu.memref_slice %arg5[%dma_wait3A_417, %dma_wait3A_418] : memref<20480x32xf32, #tpu.memory_space<hbm>> -> memref<20480x32xf32, #tpu.memory_space<hbm>>
          tpu.wait_indirect_dma semaphore(%arg26 : memref<!tpu.dma_semaphore, #tpu.memory_space<semaphore_mem>>) src(%dma_wait3A_419 : memref<20480x32xf32, #tpu.memory_space<hbm>>) dst(%arg13 : memref<125x32xf32, #tpu.memory_space<vmem>>)
          "tpu.region"() ({
            %run_scoped3A_508 = tpu.sem_alloc : memref<!tpu.dma_semaphore, #tpu.memory_space<semaphore_mem>>
            %dma_start3A_509 = arith.constant 0 : i32
            %dma_start3A_510 = tpu.memref_slice %arg8[%add3A_413, %dma_start3A_509] : memref<40x125xi32, #tpu.memory_space<vmem>> -> memref<1x125xi32, #tpu.memory_space<vmem>>
            %dma_start3A_511 = tpu.memref_squeeze %dma_start3A_510 : memref<1x125xi32, #tpu.memory_space<vmem>> -> memref<125xi32, #tpu.memory_space<vmem>>
            %dma_start3A_512 = arith.constant 0 : i32
            %dma_start3A_513 = arith.constant 0 : i32
            %dma_start3A_514 = tpu.memref_slice %arg23[%dma_start3A_512, %dma_start3A_513] : memref<10240x32xf32, #tpu.memory_space<vmem_shared>> -> memref<10240x32xf32, #tpu.memory_space<vmem_shared>>
            tpu.enqueue_indirect_dma source(%arg13 : memref<125x32xf32, #tpu.memory_space<vmem>>) target(%dma_start3A_514 : memref<10240x32xf32, #tpu.memory_space<vmem_shared>>) offsets(%dma_start3A_511 : memref<125xi32, #tpu.memory_space<vmem>>) semaphore(%run_scoped3A_508 : memref<!tpu.dma_semaphore, #tpu.memory_space<semaphore_mem>>) {add = true}
            %dma_wait3A_515 = arith.constant 0 : i32
            %dma_wait3A_516 = tpu.memref_slice %arg8[%add3A_413, %dma_wait3A_515] : memref<40x125xi32, #tpu.memory_space<vmem>> -> memref<1x125xi32, #tpu.memory_space<vmem>>
            %dma_wait3A_517 = tpu.memref_squeeze %dma_wait3A_516 : memref<1x125xi32, #tpu.memory_space<vmem>> -> memref<125xi32, #tpu.memory_space<vmem>>
            %dma_wait3A_518 = arith.constant 0 : i32
            %dma_wait3A_519 = arith.constant 0 : i32
            %dma_wait3A_520 = tpu.memref_slice %arg23[%dma_wait3A_518, %dma_wait3A_519] : memref<10240x32xf32, #tpu.memory_space<vmem_shared>> -> memref<10240x32xf32, #tpu.memory_space<vmem_shared>>
            tpu.wait_indirect_dma semaphore(%run_scoped3A_508 : memref<!tpu.dma_semaphore, #tpu.memory_space<semaphore_mem>>) src(%arg13 : memref<125x32xf32, #tpu.memory_space<vmem>>) dst(%dma_wait3A_520 : memref<10240x32xf32, #tpu.memory_space<vmem_shared>>)
            tpu.yield
          }) : () -> ()
          %add3A_420 = arith.constant 8 : i32
          %add3A_421 = arith.addi %add3A_413, %add3A_420 : i32
          %dma_start3A_422 = arith.constant 0 : i32
          %dma_start3A_423 = tpu.memref_slice %arg7[%add3A_421, %dma_start3A_422] : memref<40x125xi32, #tpu.memory_space<vmem>> -> memref<1x125xi32, #tpu.memory_space<vmem>>
          %dma_start3A_424 = tpu.memref_squeeze %dma_start3A_423 : memref<1x125xi32, #tpu.memory_space<vmem>> -> memref<125xi32, #tpu.memory_space<vmem>>
          %dma_start3A_425 = arith.constant 0 : i32
          %dma_start3A_426 = arith.constant 0 : i32
          %dma_start3A_427 = tpu.memref_slice %arg5[%dma_start3A_425, %dma_start3A_426] : memref<20480x32xf32, #tpu.memory_space<hbm>> -> memref<20480x32xf32, #tpu.memory_space<hbm>>
          tpu.enqueue_indirect_dma source(%dma_start3A_427 : memref<20480x32xf32, #tpu.memory_space<hbm>>) target(%arg13 : memref<125x32xf32, #tpu.memory_space<vmem>>) offsets(%dma_start3A_424 : memref<125xi32, #tpu.memory_space<vmem>>) semaphore(%arg26 : memref<!tpu.dma_semaphore, #tpu.memory_space<semaphore_mem>>)
          %add3A_428 = arith.constant 3 : i32
          %add3A_429 = arith.addi %mul3A_379, %add3A_428 : i32
          %dma_wait3A_430 = arith.constant 0 : i32
          %dma_wait3A_431 = tpu.memref_slice %arg7[%add3A_429, %dma_wait3A_430] : memref<40x125xi32, #tpu.memory_space<vmem>> -> memref<1x125xi32, #tpu.memory_space<vmem>>
          %dma_wait3A_432 = tpu.memref_squeeze %dma_wait3A_431 : memref<1x125xi32, #tpu.memory_space<vmem>> -> memref<125xi32, #tpu.memory_space<vmem>>
          %dma_wait3A_433 = arith.constant 0 : i32
          %dma_wait3A_434 = arith.constant 0 : i32
          %dma_wait3A_435 = tpu.memref_slice %arg5[%dma_wait3A_433, %dma_wait3A_434] : memref<20480x32xf32, #tpu.memory_space<hbm>> -> memref<20480x32xf32, #tpu.memory_space<hbm>>
          tpu.wait_indirect_dma semaphore(%arg27 : memref<!tpu.dma_semaphore, #tpu.memory_space<semaphore_mem>>) src(%dma_wait3A_435 : memref<20480x32xf32, #tpu.memory_space<hbm>>) dst(%arg14 : memref<125x32xf32, #tpu.memory_space<vmem>>)
          "tpu.region"() ({
            %run_scoped3A_508 = tpu.sem_alloc : memref<!tpu.dma_semaphore, #tpu.memory_space<semaphore_mem>>
            %dma_start3A_509 = arith.constant 0 : i32
            %dma_start3A_510 = tpu.memref_slice %arg8[%add3A_429, %dma_start3A_509] : memref<40x125xi32, #tpu.memory_space<vmem>> -> memref<1x125xi32, #tpu.memory_space<vmem>>
            %dma_start3A_511 = tpu.memref_squeeze %dma_start3A_510 : memref<1x125xi32, #tpu.memory_space<vmem>> -> memref<125xi32, #tpu.memory_space<vmem>>
            %dma_start3A_512 = arith.constant 0 : i32
            %dma_start3A_513 = arith.constant 0 : i32
            %dma_start3A_514 = tpu.memref_slice %arg23[%dma_start3A_512, %dma_start3A_513] : memref<10240x32xf32, #tpu.memory_space<vmem_shared>> -> memref<10240x32xf32, #tpu.memory_space<vmem_shared>>
            tpu.enqueue_indirect_dma source(%arg14 : memref<125x32xf32, #tpu.memory_space<vmem>>) target(%dma_start3A_514 : memref<10240x32xf32, #tpu.memory_space<vmem_shared>>) offsets(%dma_start3A_511 : memref<125xi32, #tpu.memory_space<vmem>>) semaphore(%run_scoped3A_508 : memref<!tpu.dma_semaphore, #tpu.memory_space<semaphore_mem>>) {add = true}
            %dma_wait3A_515 = arith.constant 0 : i32
            %dma_wait3A_516 = tpu.memref_slice %arg8[%add3A_429, %dma_wait3A_515] : memref<40x125xi32, #tpu.memory_space<vmem>> -> memref<1x125xi32, #tpu.memory_space<vmem>>
            %dma_wait3A_517 = tpu.memref_squeeze %dma_wait3A_516 : memref<1x125xi32, #tpu.memory_space<vmem>> -> memref<125xi32, #tpu.memory_space<vmem>>
            %dma_wait3A_518 = arith.constant 0 : i32
            %dma_wait3A_519 = arith.constant 0 : i32
            %dma_wait3A_520 = tpu.memref_slice %arg23[%dma_wait3A_518, %dma_wait3A_519] : memref<10240x32xf32, #tpu.memory_space<vmem_shared>> -> memref<10240x32xf32, #tpu.memory_space<vmem_shared>>
            tpu.wait_indirect_dma semaphore(%run_scoped3A_508 : memref<!tpu.dma_semaphore, #tpu.memory_space<semaphore_mem>>) src(%arg14 : memref<125x32xf32, #tpu.memory_space<vmem>>) dst(%dma_wait3A_520 : memref<10240x32xf32, #tpu.memory_space<vmem_shared>>)
            tpu.yield
          }) : () -> ()
          %add3A_436 = arith.constant 8 : i32
          %add3A_437 = arith.addi %add3A_429, %add3A_436 : i32
          %dma_start3A_438 = arith.constant 0 : i32
          %dma_start3A_439 = tpu.memref_slice %arg7[%add3A_437, %dma_start3A_438] : memref<40x125xi32, #tpu.memory_space<vmem>> -> memref<1x125xi32, #tpu.memory_space<vmem>>
          %dma_start3A_440 = tpu.memref_squeeze %dma_start3A_439 : memref<1x125xi32, #tpu.memory_space<vmem>> -> memref<125xi32, #tpu.memory_space<vmem>>
          %dma_start3A_441 = arith.constant 0 : i32
          %dma_start3A_442 = arith.constant 0 : i32
          %dma_start3A_443 = tpu.memref_slice %arg5[%dma_start3A_441, %dma_start3A_442] : memref<20480x32xf32, #tpu.memory_space<hbm>> -> memref<20480x32xf32, #tpu.memory_space<hbm>>
          tpu.enqueue_indirect_dma source(%dma_start3A_443 : memref<20480x32xf32, #tpu.memory_space<hbm>>) target(%arg14 : memref<125x32xf32, #tpu.memory_space<vmem>>) offsets(%dma_start3A_440 : memref<125xi32, #tpu.memory_space<vmem>>) semaphore(%arg27 : memref<!tpu.dma_semaphore, #tpu.memory_space<semaphore_mem>>)
          %add3A_444 = arith.constant 4 : i32
          %add3A_445 = arith.addi %mul3A_379, %add3A_444 : i32
          %dma_wait3A_446 = arith.constant 0 : i32
          %dma_wait3A_447 = tpu.memref_slice %arg7[%add3A_445, %dma_wait3A_446] : memref<40x125xi32, #tpu.memory_space<vmem>> -> memref<1x125xi32, #tpu.memory_space<vmem>>
          %dma_wait3A_448 = tpu.memref_squeeze %dma_wait3A_447 : memref<1x125xi32, #tpu.memory_space<vmem>> -> memref<125xi32, #tpu.memory_space<vmem>>
          %dma_wait3A_449 = arith.constant 0 : i32
          %dma_wait3A_450 = arith.constant 0 : i32
          %dma_wait3A_451 = tpu.memref_slice %arg5[%dma_wait3A_449, %dma_wait3A_450] : memref<20480x32xf32, #tpu.memory_space<hbm>> -> memref<20480x32xf32, #tpu.memory_space<hbm>>
          tpu.wait_indirect_dma semaphore(%arg28 : memref<!tpu.dma_semaphore, #tpu.memory_space<semaphore_mem>>) src(%dma_wait3A_451 : memref<20480x32xf32, #tpu.memory_space<hbm>>) dst(%arg15 : memref<125x32xf32, #tpu.memory_space<vmem>>)
          "tpu.region"() ({
            %run_scoped3A_508 = tpu.sem_alloc : memref<!tpu.dma_semaphore, #tpu.memory_space<semaphore_mem>>
            %dma_start3A_509 = arith.constant 0 : i32
            %dma_start3A_510 = tpu.memref_slice %arg8[%add3A_445, %dma_start3A_509] : memref<40x125xi32, #tpu.memory_space<vmem>> -> memref<1x125xi32, #tpu.memory_space<vmem>>
            %dma_start3A_511 = tpu.memref_squeeze %dma_start3A_510 : memref<1x125xi32, #tpu.memory_space<vmem>> -> memref<125xi32, #tpu.memory_space<vmem>>
            %dma_start3A_512 = arith.constant 0 : i32
            %dma_start3A_513 = arith.constant 0 : i32
            %dma_start3A_514 = tpu.memref_slice %arg23[%dma_start3A_512, %dma_start3A_513] : memref<10240x32xf32, #tpu.memory_space<vmem_shared>> -> memref<10240x32xf32, #tpu.memory_space<vmem_shared>>
            tpu.enqueue_indirect_dma source(%arg15 : memref<125x32xf32, #tpu.memory_space<vmem>>) target(%dma_start3A_514 : memref<10240x32xf32, #tpu.memory_space<vmem_shared>>) offsets(%dma_start3A_511 : memref<125xi32, #tpu.memory_space<vmem>>) semaphore(%run_scoped3A_508 : memref<!tpu.dma_semaphore, #tpu.memory_space<semaphore_mem>>) {add = true}
            %dma_wait3A_515 = arith.constant 0 : i32
            %dma_wait3A_516 = tpu.memref_slice %arg8[%add3A_445, %dma_wait3A_515] : memref<40x125xi32, #tpu.memory_space<vmem>> -> memref<1x125xi32, #tpu.memory_space<vmem>>
            %dma_wait3A_517 = tpu.memref_squeeze %dma_wait3A_516 : memref<1x125xi32, #tpu.memory_space<vmem>> -> memref<125xi32, #tpu.memory_space<vmem>>
            %dma_wait3A_518 = arith.constant 0 : i32
            %dma_wait3A_519 = arith.constant 0 : i32
            %dma_wait3A_520 = tpu.memref_slice %arg23[%dma_wait3A_518, %dma_wait3A_519] : memref<10240x32xf32, #tpu.memory_space<vmem_shared>> -> memref<10240x32xf32, #tpu.memory_space<vmem_shared>>
            tpu.wait_indirect_dma semaphore(%run_scoped3A_508 : memref<!tpu.dma_semaphore, #tpu.memory_space<semaphore_mem>>) src(%arg15 : memref<125x32xf32, #tpu.memory_space<vmem>>) dst(%dma_wait3A_520 : memref<10240x32xf32, #tpu.memory_space<vmem_shared>>)
            tpu.yield
          }) : () -> ()
          %add3A_452 = arith.constant 8 : i32
          %add3A_453 = arith.addi %add3A_445, %add3A_452 : i32
          %dma_start3A_454 = arith.constant 0 : i32
          %dma_start3A_455 = tpu.memref_slice %arg7[%add3A_453, %dma_start3A_454] : memref<40x125xi32, #tpu.memory_space<vmem>> -> memref<1x125xi32, #tpu.memory_space<vmem>>
          %dma_start3A_456 = tpu.memref_squeeze %dma_start3A_455 : memref<1x125xi32, #tpu.memory_space<vmem>> -> memref<125xi32, #tpu.memory_space<vmem>>
          %dma_start3A_457 = arith.constant 0 : i32
          %dma_start3A_458 = arith.constant 0 : i32
          %dma_start3A_459 = tpu.memref_slice %arg5[%dma_start3A_457, %dma_start3A_458] : memref<20480x32xf32, #tpu.memory_space<hbm>> -> memref<20480x32xf32, #tpu.memory_space<hbm>>
          tpu.enqueue_indirect_dma source(%dma_start3A_459 : memref<20480x32xf32, #tpu.memory_space<hbm>>) target(%arg15 : memref<125x32xf32, #tpu.memory_space<vmem>>) offsets(%dma_start3A_456 : memref<125xi32, #tpu.memory_space<vmem>>) semaphore(%arg28 : memref<!tpu.dma_semaphore, #tpu.memory_space<semaphore_mem>>)
          %add3A_460 = arith.constant 5 : i32
          %add3A_461 = arith.addi %mul3A_379, %add3A_460 : i32
          %dma_wait3A_462 = arith.constant 0 : i32
          %dma_wait3A_463 = tpu.memref_slice %arg7[%add3A_461, %dma_wait3A_462] : memref<40x125xi32, #tpu.memory_space<vmem>> -> memref<1x125xi32, #tpu.memory_space<vmem>>
          %dma_wait3A_464 = tpu.memref_squeeze %dma_wait3A_463 : memref<1x125xi32, #tpu.memory_space<vmem>> -> memref<125xi32, #tpu.memory_space<vmem>>
          %dma_wait3A_465 = arith.constant 0 : i32
          %dma_wait3A_466 = arith.constant 0 : i32
          %dma_wait3A_467 = tpu.memref_slice %arg5[%dma_wait3A_465, %dma_wait3A_466] : memref<20480x32xf32, #tpu.memory_space<hbm>> -> memref<20480x32xf32, #tpu.memory_space<hbm>>
          tpu.wait_indirect_dma semaphore(%arg29 : memref<!tpu.dma_semaphore, #tpu.memory_space<semaphore_mem>>) src(%dma_wait3A_467 : memref<20480x32xf32, #tpu.memory_space<hbm>>) dst(%arg16 : memref<125x32xf32, #tpu.memory_space<vmem>>)
          "tpu.region"() ({
            %run_scoped3A_508 = tpu.sem_alloc : memref<!tpu.dma_semaphore, #tpu.memory_space<semaphore_mem>>
            %dma_start3A_509 = arith.constant 0 : i32
            %dma_start3A_510 = tpu.memref_slice %arg8[%add3A_461, %dma_start3A_509] : memref<40x125xi32, #tpu.memory_space<vmem>> -> memref<1x125xi32, #tpu.memory_space<vmem>>
            %dma_start3A_511 = tpu.memref_squeeze %dma_start3A_510 : memref<1x125xi32, #tpu.memory_space<vmem>> -> memref<125xi32, #tpu.memory_space<vmem>>
            %dma_start3A_512 = arith.constant 0 : i32
            %dma_start3A_513 = arith.constant 0 : i32
            %dma_start3A_514 = tpu.memref_slice %arg23[%dma_start3A_512, %dma_start3A_513] : memref<10240x32xf32, #tpu.memory_space<vmem_shared>> -> memref<10240x32xf32, #tpu.memory_space<vmem_shared>>
            tpu.enqueue_indirect_dma source(%arg16 : memref<125x32xf32, #tpu.memory_space<vmem>>) target(%dma_start3A_514 : memref<10240x32xf32, #tpu.memory_space<vmem_shared>>) offsets(%dma_start3A_511 : memref<125xi32, #tpu.memory_space<vmem>>) semaphore(%run_scoped3A_508 : memref<!tpu.dma_semaphore, #tpu.memory_space<semaphore_mem>>) {add = true}
            %dma_wait3A_515 = arith.constant 0 : i32
            %dma_wait3A_516 = tpu.memref_slice %arg8[%add3A_461, %dma_wait3A_515] : memref<40x125xi32, #tpu.memory_space<vmem>> -> memref<1x125xi32, #tpu.memory_space<vmem>>
            %dma_wait3A_517 = tpu.memref_squeeze %dma_wait3A_516 : memref<1x125xi32, #tpu.memory_space<vmem>> -> memref<125xi32, #tpu.memory_space<vmem>>
            %dma_wait3A_518 = arith.constant 0 : i32
            %dma_wait3A_519 = arith.constant 0 : i32
            %dma_wait3A_520 = tpu.memref_slice %arg23[%dma_wait3A_518, %dma_wait3A_519] : memref<10240x32xf32, #tpu.memory_space<vmem_shared>> -> memref<10240x32xf32, #tpu.memory_space<vmem_shared>>
            tpu.wait_indirect_dma semaphore(%run_scoped3A_508 : memref<!tpu.dma_semaphore, #tpu.memory_space<semaphore_mem>>) src(%arg16 : memref<125x32xf32, #tpu.memory_space<vmem>>) dst(%dma_wait3A_520 : memref<10240x32xf32, #tpu.memory_space<vmem_shared>>)
            tpu.yield
          }) : () -> ()
          %add3A_468 = arith.constant 8 : i32
          %add3A_469 = arith.addi %add3A_461, %add3A_468 : i32
          %dma_start3A_470 = arith.constant 0 : i32
          %dma_start3A_471 = tpu.memref_slice %arg7[%add3A_469, %dma_start3A_470] : memref<40x125xi32, #tpu.memory_space<vmem>> -> memref<1x125xi32, #tpu.memory_space<vmem>>
          %dma_start3A_472 = tpu.memref_squeeze %dma_start3A_471 : memref<1x125xi32, #tpu.memory_space<vmem>> -> memref<125xi32, #tpu.memory_space<vmem>>
          %dma_start3A_473 = arith.constant 0 : i32
          %dma_start3A_474 = arith.constant 0 : i32
          %dma_start3A_475 = tpu.memref_slice %arg5[%dma_start3A_473, %dma_start3A_474] : memref<20480x32xf32, #tpu.memory_space<hbm>> -> memref<20480x32xf32, #tpu.memory_space<hbm>>
          tpu.enqueue_indirect_dma source(%dma_start3A_475 : memref<20480x32xf32, #tpu.memory_space<hbm>>) target(%arg16 : memref<125x32xf32, #tpu.memory_space<vmem>>) offsets(%dma_start3A_472 : memref<125xi32, #tpu.memory_space<vmem>>) semaphore(%arg29 : memref<!tpu.dma_semaphore, #tpu.memory_space<semaphore_mem>>)
          %add3A_476 = arith.constant 6 : i32
          %add3A_477 = arith.addi %mul3A_379, %add3A_476 : i32
          %dma_wait3A_478 = arith.constant 0 : i32
          %dma_wait3A_479 = tpu.memref_slice %arg7[%add3A_477, %dma_wait3A_478] : memref<40x125xi32, #tpu.memory_space<vmem>> -> memref<1x125xi32, #tpu.memory_space<vmem>>
          %dma_wait3A_480 = tpu.memref_squeeze %dma_wait3A_479 : memref<1x125xi32, #tpu.memory_space<vmem>> -> memref<125xi32, #tpu.memory_space<vmem>>
          %dma_wait3A_481 = arith.constant 0 : i32
          %dma_wait3A_482 = arith.constant 0 : i32
          %dma_wait3A_483 = tpu.memref_slice %arg5[%dma_wait3A_481, %dma_wait3A_482] : memref<20480x32xf32, #tpu.memory_space<hbm>> -> memref<20480x32xf32, #tpu.memory_space<hbm>>
          tpu.wait_indirect_dma semaphore(%arg30 : memref<!tpu.dma_semaphore, #tpu.memory_space<semaphore_mem>>) src(%dma_wait3A_483 : memref<20480x32xf32, #tpu.memory_space<hbm>>) dst(%arg17 : memref<125x32xf32, #tpu.memory_space<vmem>>)
          "tpu.region"() ({
            %run_scoped3A_508 = tpu.sem_alloc : memref<!tpu.dma_semaphore, #tpu.memory_space<semaphore_mem>>
            %dma_start3A_509 = arith.constant 0 : i32
            %dma_start3A_510 = tpu.memref_slice %arg8[%add3A_477, %dma_start3A_509] : memref<40x125xi32, #tpu.memory_space<vmem>> -> memref<1x125xi32, #tpu.memory_space<vmem>>
            %dma_start3A_511 = tpu.memref_squeeze %dma_start3A_510 : memref<1x125xi32, #tpu.memory_space<vmem>> -> memref<125xi32, #tpu.memory_space<vmem>>
            %dma_start3A_512 = arith.constant 0 : i32
            %dma_start3A_513 = arith.constant 0 : i32
            %dma_start3A_514 = tpu.memref_slice %arg23[%dma_start3A_512, %dma_start3A_513] : memref<10240x32xf32, #tpu.memory_space<vmem_shared>> -> memref<10240x32xf32, #tpu.memory_space<vmem_shared>>
            tpu.enqueue_indirect_dma source(%arg17 : memref<125x32xf32, #tpu.memory_space<vmem>>) target(%dma_start3A_514 : memref<10240x32xf32, #tpu.memory_space<vmem_shared>>) offsets(%dma_start3A_511 : memref<125xi32, #tpu.memory_space<vmem>>) semaphore(%run_scoped3A_508 : memref<!tpu.dma_semaphore, #tpu.memory_space<semaphore_mem>>) {add = true}
            %dma_wait3A_515 = arith.constant 0 : i32
            %dma_wait3A_516 = tpu.memref_slice %arg8[%add3A_477, %dma_wait3A_515] : memref<40x125xi32, #tpu.memory_space<vmem>> -> memref<1x125xi32, #tpu.memory_space<vmem>>
            %dma_wait3A_517 = tpu.memref_squeeze %dma_wait3A_516 : memref<1x125xi32, #tpu.memory_space<vmem>> -> memref<125xi32, #tpu.memory_space<vmem>>
            %dma_wait3A_518 = arith.constant 0 : i32
            %dma_wait3A_519 = arith.constant 0 : i32
            %dma_wait3A_520 = tpu.memref_slice %arg23[%dma_wait3A_518, %dma_wait3A_519] : memref<10240x32xf32, #tpu.memory_space<vmem_shared>> -> memref<10240x32xf32, #tpu.memory_space<vmem_shared>>
            tpu.wait_indirect_dma semaphore(%run_scoped3A_508 : memref<!tpu.dma_semaphore, #tpu.memory_space<semaphore_mem>>) src(%arg17 : memref<125x32xf32, #tpu.memory_space<vmem>>) dst(%dma_wait3A_520 : memref<10240x32xf32, #tpu.memory_space<vmem_shared>>)
            tpu.yield
          }) : () -> ()
          %add3A_484 = arith.constant 8 : i32
          %add3A_485 = arith.addi %add3A_477, %add3A_484 : i32
          %dma_start3A_486 = arith.constant 0 : i32
          %dma_start3A_487 = tpu.memref_slice %arg7[%add3A_485, %dma_start3A_486] : memref<40x125xi32, #tpu.memory_space<vmem>> -> memref<1x125xi32, #tpu.memory_space<vmem>>
          %dma_start3A_488 = tpu.memref_squeeze %dma_start3A_487 : memref<1x125xi32, #tpu.memory_space<vmem>> -> memref<125xi32, #tpu.memory_space<vmem>>
          %dma_start3A_489 = arith.constant 0 : i32
          %dma_start3A_490 = arith.constant 0 : i32
          %dma_start3A_491 = tpu.memref_slice %arg5[%dma_start3A_489, %dma_start3A_490] : memref<20480x32xf32, #tpu.memory_space<hbm>> -> memref<20480x32xf32, #tpu.memory_space<hbm>>
          tpu.enqueue_indirect_dma source(%dma_start3A_491 : memref<20480x32xf32, #tpu.memory_space<hbm>>) target(%arg17 : memref<125x32xf32, #tpu.memory_space<vmem>>) offsets(%dma_start3A_488 : memref<125xi32, #tpu.memory_space<vmem>>) semaphore(%arg30 : memref<!tpu.dma_semaphore, #tpu.memory_space<semaphore_mem>>)
          %add3A_492 = arith.constant 7 : i32
          %add3A_493 = arith.addi %mul3A_379, %add3A_492 : i32
          %dma_wait3A_494 = arith.constant 0 : i32
          %dma_wait3A_495 = tpu.memref_slice %arg7[%add3A_493, %dma_wait3A_494] : memref<40x125xi32, #tpu.memory_space<vmem>> -> memref<1x125xi32, #tpu.memory_space<vmem>>
          %dma_wait3A_496 = tpu.memref_squeeze %dma_wait3A_495 : memref<1x125xi32, #tpu.memory_space<vmem>> -> memref<125xi32, #tpu.memory_space<vmem>>
          %dma_wait3A_497 = arith.constant 0 : i32
          %dma_wait3A_498 = arith.constant 0 : i32
          %dma_wait3A_499 = tpu.memref_slice %arg5[%dma_wait3A_497, %dma_wait3A_498] : memref<20480x32xf32, #tpu.memory_space<hbm>> -> memref<20480x32xf32, #tpu.memory_space<hbm>>
          tpu.wait_indirect_dma semaphore(%arg31 : memref<!tpu.dma_semaphore, #tpu.memory_space<semaphore_mem>>) src(%dma_wait3A_499 : memref<20480x32xf32, #tpu.memory_space<hbm>>) dst(%arg18 : memref<125x32xf32, #tpu.memory_space<vmem>>)
          "tpu.region"() ({
            %run_scoped3A_508 = tpu.sem_alloc : memref<!tpu.dma_semaphore, #tpu.memory_space<semaphore_mem>>
            %dma_start3A_509 = arith.constant 0 : i32
            %dma_start3A_510 = tpu.memref_slice %arg8[%add3A_493, %dma_start3A_509] : memref<40x125xi32, #tpu.memory_space<vmem>> -> memref<1x125xi32, #tpu.memory_space<vmem>>
            %dma_start3A_511 = tpu.memref_squeeze %dma_start3A_510 : memref<1x125xi32, #tpu.memory_space<vmem>> -> memref<125xi32, #tpu.memory_space<vmem>>
            %dma_start3A_512 = arith.constant 0 : i32
            %dma_start3A_513 = arith.constant 0 : i32
            %dma_start3A_514 = tpu.memref_slice %arg23[%dma_start3A_512, %dma_start3A_513] : memref<10240x32xf32, #tpu.memory_space<vmem_shared>> -> memref<10240x32xf32, #tpu.memory_space<vmem_shared>>
            tpu.enqueue_indirect_dma source(%arg18 : memref<125x32xf32, #tpu.memory_space<vmem>>) target(%dma_start3A_514 : memref<10240x32xf32, #tpu.memory_space<vmem_shared>>) offsets(%dma_start3A_511 : memref<125xi32, #tpu.memory_space<vmem>>) semaphore(%run_scoped3A_508 : memref<!tpu.dma_semaphore, #tpu.memory_space<semaphore_mem>>) {add = true}
            %dma_wait3A_515 = arith.constant 0 : i32
            %dma_wait3A_516 = tpu.memref_slice %arg8[%add3A_493, %dma_wait3A_515] : memref<40x125xi32, #tpu.memory_space<vmem>> -> memref<1x125xi32, #tpu.memory_space<vmem>>
            %dma_wait3A_517 = tpu.memref_squeeze %dma_wait3A_516 : memref<1x125xi32, #tpu.memory_space<vmem>> -> memref<125xi32, #tpu.memory_space<vmem>>
            %dma_wait3A_518 = arith.constant 0 : i32
            %dma_wait3A_519 = arith.constant 0 : i32
            %dma_wait3A_520 = tpu.memref_slice %arg23[%dma_wait3A_518, %dma_wait3A_519] : memref<10240x32xf32, #tpu.memory_space<vmem_shared>> -> memref<10240x32xf32, #tpu.memory_space<vmem_shared>>
            tpu.wait_indirect_dma semaphore(%run_scoped3A_508 : memref<!tpu.dma_semaphore, #tpu.memory_space<semaphore_mem>>) src(%arg18 : memref<125x32xf32, #tpu.memory_space<vmem>>) dst(%dma_wait3A_520 : memref<10240x32xf32, #tpu.memory_space<vmem_shared>>)
            tpu.yield
          }) : () -> ()
          %add3A_500 = arith.constant 8 : i32
          %add3A_501 = arith.addi %add3A_493, %add3A_500 : i32
          %dma_start3A_502 = arith.constant 0 : i32
          %dma_start3A_503 = tpu.memref_slice %arg7[%add3A_501, %dma_start3A_502] : memref<40x125xi32, #tpu.memory_space<vmem>> -> memref<1x125xi32, #tpu.memory_space<vmem>>
          %dma_start3A_504 = tpu.memref_squeeze %dma_start3A_503 : memref<1x125xi32, #tpu.memory_space<vmem>> -> memref<125xi32, #tpu.memory_space<vmem>>
          %dma_start3A_505 = arith.constant 0 : i32
          %dma_start3A_506 = arith.constant 0 : i32
          %dma_start3A_507 = tpu.memref_slice %arg5[%dma_start3A_505, %dma_start3A_506] : memref<20480x32xf32, #tpu.memory_space<hbm>> -> memref<20480x32xf32, #tpu.memory_space<hbm>>
          tpu.enqueue_indirect_dma source(%dma_start3A_507 : memref<20480x32xf32, #tpu.memory_space<hbm>>) target(%arg18 : memref<125x32xf32, #tpu.memory_space<vmem>>) offsets(%dma_start3A_504 : memref<125xi32, #tpu.memory_space<vmem>>) semaphore(%arg31 : memref<!tpu.dma_semaphore, #tpu.memory_space<semaphore_mem>>)
        }
        %scan3A_135 = arith.constant 4 : i32
        %dma_wait3A = arith.constant 32 : i32
        %dma_wait3A_136 = arith.constant 0 : i32
        %dma_wait3A_137 = tpu.memref_slice %arg7[%dma_wait3A, %dma_wait3A_136] : memref<40x125xi32, #tpu.memory_space<vmem>> -> memref<1x125xi32, #tpu.memory_space<vmem>>
        %dma_wait3A_138 = tpu.memref_squeeze %dma_wait3A_137 : memref<1x125xi32, #tpu.memory_space<vmem>> -> memref<125xi32, #tpu.memory_space<vmem>>
        %dma_wait3A_139 = arith.constant 0 : i32
        %dma_wait3A_140 = arith.constant 0 : i32
        %dma_wait3A_141 = tpu.memref_slice %arg5[%dma_wait3A_139, %dma_wait3A_140] : memref<20480x32xf32, #tpu.memory_space<hbm>> -> memref<20480x32xf32, #tpu.memory_space<hbm>>
        tpu.wait_indirect_dma semaphore(%arg24 : memref<!tpu.dma_semaphore, #tpu.memory_space<semaphore_mem>>) src(%dma_wait3A_141 : memref<20480x32xf32, #tpu.memory_space<hbm>>) dst(%arg11 : memref<125x32xf32, #tpu.memory_space<vmem>>)
        %run_scoped3A = arith.constant 32 : i32
        "tpu.region"() ({
          %run_scoped3A_377 = tpu.sem_alloc : memref<!tpu.dma_semaphore, #tpu.memory_space<semaphore_mem>>
          %dma_start3A_378 = arith.constant 0 : i32
          %dma_start3A_379 = tpu.memref_slice %arg8[%run_scoped3A, %dma_start3A_378] : memref<40x125xi32, #tpu.memory_space<vmem>> -> memref<1x125xi32, #tpu.memory_space<vmem>>
          %dma_start3A_380 = tpu.memref_squeeze %dma_start3A_379 : memref<1x125xi32, #tpu.memory_space<vmem>> -> memref<125xi32, #tpu.memory_space<vmem>>
          %dma_start3A_381 = arith.constant 0 : i32
          %dma_start3A_382 = arith.constant 0 : i32
          %dma_start3A_383 = tpu.memref_slice %arg23[%dma_start3A_381, %dma_start3A_382] : memref<10240x32xf32, #tpu.memory_space<vmem_shared>> -> memref<10240x32xf32, #tpu.memory_space<vmem_shared>>
          tpu.enqueue_indirect_dma source(%arg11 : memref<125x32xf32, #tpu.memory_space<vmem>>) target(%dma_start3A_383 : memref<10240x32xf32, #tpu.memory_space<vmem_shared>>) offsets(%dma_start3A_380 : memref<125xi32, #tpu.memory_space<vmem>>) semaphore(%run_scoped3A_377 : memref<!tpu.dma_semaphore, #tpu.memory_space<semaphore_mem>>) {add = true}
          %dma_wait3A_384 = arith.constant 0 : i32
          %dma_wait3A_385 = tpu.memref_slice %arg8[%run_scoped3A, %dma_wait3A_384] : memref<40x125xi32, #tpu.memory_space<vmem>> -> memref<1x125xi32, #tpu.memory_space<vmem>>
          %dma_wait3A_386 = tpu.memref_squeeze %dma_wait3A_385 : memref<1x125xi32, #tpu.memory_space<vmem>> -> memref<125xi32, #tpu.memory_space<vmem>>
          %dma_wait3A_387 = arith.constant 0 : i32
          %dma_wait3A_388 = arith.constant 0 : i32
          %dma_wait3A_389 = tpu.memref_slice %arg23[%dma_wait3A_387, %dma_wait3A_388] : memref<10240x32xf32, #tpu.memory_space<vmem_shared>> -> memref<10240x32xf32, #tpu.memory_space<vmem_shared>>
          tpu.wait_indirect_dma semaphore(%run_scoped3A_377 : memref<!tpu.dma_semaphore, #tpu.memory_space<semaphore_mem>>) src(%arg11 : memref<125x32xf32, #tpu.memory_space<vmem>>) dst(%dma_wait3A_389 : memref<10240x32xf32, #tpu.memory_space<vmem_shared>>)
          tpu.yield
        }) : () -> ()
        %dma_wait3A_142 = arith.constant 33 : i32
        %dma_wait3A_143 = arith.constant 0 : i32
        %dma_wait3A_144 = tpu.memref_slice %arg7[%dma_wait3A_142, %dma_wait3A_143] : memref<40x125xi32, #tpu.memory_space<vmem>> -> memref<1x125xi32, #tpu.memory_space<vmem>>
        %dma_wait3A_145 = tpu.memref_squeeze %dma_wait3A_144 : memref<1x125xi32, #tpu.memory_space<vmem>> -> memref<125xi32, #tpu.memory_space<vmem>>
        %dma_wait3A_146 = arith.constant 0 : i32
        %dma_wait3A_147 = arith.constant 0 : i32
        %dma_wait3A_148 = tpu.memref_slice %arg5[%dma_wait3A_146, %dma_wait3A_147] : memref<20480x32xf32, #tpu.memory_space<hbm>> -> memref<20480x32xf32, #tpu.memory_space<hbm>>
        tpu.wait_indirect_dma semaphore(%arg25 : memref<!tpu.dma_semaphore, #tpu.memory_space<semaphore_mem>>) src(%dma_wait3A_148 : memref<20480x32xf32, #tpu.memory_space<hbm>>) dst(%arg12 : memref<125x32xf32, #tpu.memory_space<vmem>>)
        %run_scoped3A_149 = arith.constant 33 : i32
        "tpu.region"() ({
          %run_scoped3A_377 = tpu.sem_alloc : memref<!tpu.dma_semaphore, #tpu.memory_space<semaphore_mem>>
          %dma_start3A_378 = arith.constant 0 : i32
          %dma_start3A_379 = tpu.memref_slice %arg8[%run_scoped3A_149, %dma_start3A_378] : memref<40x125xi32, #tpu.memory_space<vmem>> -> memref<1x125xi32, #tpu.memory_space<vmem>>
          %dma_start3A_380 = tpu.memref_squeeze %dma_start3A_379 : memref<1x125xi32, #tpu.memory_space<vmem>> -> memref<125xi32, #tpu.memory_space<vmem>>
          %dma_start3A_381 = arith.constant 0 : i32
          %dma_start3A_382 = arith.constant 0 : i32
          %dma_start3A_383 = tpu.memref_slice %arg23[%dma_start3A_381, %dma_start3A_382] : memref<10240x32xf32, #tpu.memory_space<vmem_shared>> -> memref<10240x32xf32, #tpu.memory_space<vmem_shared>>
          tpu.enqueue_indirect_dma source(%arg12 : memref<125x32xf32, #tpu.memory_space<vmem>>) target(%dma_start3A_383 : memref<10240x32xf32, #tpu.memory_space<vmem_shared>>) offsets(%dma_start3A_380 : memref<125xi32, #tpu.memory_space<vmem>>) semaphore(%run_scoped3A_377 : memref<!tpu.dma_semaphore, #tpu.memory_space<semaphore_mem>>) {add = true}
          %dma_wait3A_384 = arith.constant 0 : i32
          %dma_wait3A_385 = tpu.memref_slice %arg8[%run_scoped3A_149, %dma_wait3A_384] : memref<40x125xi32, #tpu.memory_space<vmem>> -> memref<1x125xi32, #tpu.memory_space<vmem>>
          %dma_wait3A_386 = tpu.memref_squeeze %dma_wait3A_385 : memref<1x125xi32, #tpu.memory_space<vmem>> -> memref<125xi32, #tpu.memory_space<vmem>>
          %dma_wait3A_387 = arith.constant 0 : i32
          %dma_wait3A_388 = arith.constant 0 : i32
          %dma_wait3A_389 = tpu.memref_slice %arg23[%dma_wait3A_387, %dma_wait3A_388] : memref<10240x32xf32, #tpu.memory_space<vmem_shared>> -> memref<10240x32xf32, #tpu.memory_space<vmem_shared>>
          tpu.wait_indirect_dma semaphore(%run_scoped3A_377 : memref<!tpu.dma_semaphore, #tpu.memory_space<semaphore_mem>>) src(%arg12 : memref<125x32xf32, #tpu.memory_space<vmem>>) dst(%dma_wait3A_389 : memref<10240x32xf32, #tpu.memory_space<vmem_shared>>)
          tpu.yield
        }) : () -> ()
        %dma_wait3A_150 = arith.constant 34 : i32
        %dma_wait3A_151 = arith.constant 0 : i32
        %dma_wait3A_152 = tpu.memref_slice %arg7[%dma_wait3A_150, %dma_wait3A_151] : memref<40x125xi32, #tpu.memory_space<vmem>> -> memref<1x125xi32, #tpu.memory_space<vmem>>
        %dma_wait3A_153 = tpu.memref_squeeze %dma_wait3A_152 : memref<1x125xi32, #tpu.memory_space<vmem>> -> memref<125xi32, #tpu.memory_space<vmem>>
        %dma_wait3A_154 = arith.constant 0 : i32
        %dma_wait3A_155 = arith.constant 0 : i32
        %dma_wait3A_156 = tpu.memref_slice %arg5[%dma_wait3A_154, %dma_wait3A_155] : memref<20480x32xf32, #tpu.memory_space<hbm>> -> memref<20480x32xf32, #tpu.memory_space<hbm>>
        tpu.wait_indirect_dma semaphore(%arg26 : memref<!tpu.dma_semaphore, #tpu.memory_space<semaphore_mem>>) src(%dma_wait3A_156 : memref<20480x32xf32, #tpu.memory_space<hbm>>) dst(%arg13 : memref<125x32xf32, #tpu.memory_space<vmem>>)
        %run_scoped3A_157 = arith.constant 34 : i32
        "tpu.region"() ({
          %run_scoped3A_377 = tpu.sem_alloc : memref<!tpu.dma_semaphore, #tpu.memory_space<semaphore_mem>>
          %dma_start3A_378 = arith.constant 0 : i32
          %dma_start3A_379 = tpu.memref_slice %arg8[%run_scoped3A_157, %dma_start3A_378] : memref<40x125xi32, #tpu.memory_space<vmem>> -> memref<1x125xi32, #tpu.memory_space<vmem>>
          %dma_start3A_380 = tpu.memref_squeeze %dma_start3A_379 : memref<1x125xi32, #tpu.memory_space<vmem>> -> memref<125xi32, #tpu.memory_space<vmem>>
          %dma_start3A_381 = arith.constant 0 : i32
          %dma_start3A_382 = arith.constant 0 : i32
          %dma_start3A_383 = tpu.memref_slice %arg23[%dma_start3A_381, %dma_start3A_382] : memref<10240x32xf32, #tpu.memory_space<vmem_shared>> -> memref<10240x32xf32, #tpu.memory_space<vmem_shared>>
          tpu.enqueue_indirect_dma source(%arg13 : memref<125x32xf32, #tpu.memory_space<vmem>>) target(%dma_start3A_383 : memref<10240x32xf32, #tpu.memory_space<vmem_shared>>) offsets(%dma_start3A_380 : memref<125xi32, #tpu.memory_space<vmem>>) semaphore(%run_scoped3A_377 : memref<!tpu.dma_semaphore, #tpu.memory_space<semaphore_mem>>) {add = true}
          %dma_wait3A_384 = arith.constant 0 : i32
          %dma_wait3A_385 = tpu.memref_slice %arg8[%run_scoped3A_157, %dma_wait3A_384] : memref<40x125xi32, #tpu.memory_space<vmem>> -> memref<1x125xi32, #tpu.memory_space<vmem>>
          %dma_wait3A_386 = tpu.memref_squeeze %dma_wait3A_385 : memref<1x125xi32, #tpu.memory_space<vmem>> -> memref<125xi32, #tpu.memory_space<vmem>>
          %dma_wait3A_387 = arith.constant 0 : i32
          %dma_wait3A_388 = arith.constant 0 : i32
          %dma_wait3A_389 = tpu.memref_slice %arg23[%dma_wait3A_387, %dma_wait3A_388] : memref<10240x32xf32, #tpu.memory_space<vmem_shared>> -> memref<10240x32xf32, #tpu.memory_space<vmem_shared>>
          tpu.wait_indirect_dma semaphore(%run_scoped3A_377 : memref<!tpu.dma_semaphore, #tpu.memory_space<semaphore_mem>>) src(%arg13 : memref<125x32xf32, #tpu.memory_space<vmem>>) dst(%dma_wait3A_389 : memref<10240x32xf32, #tpu.memory_space<vmem_shared>>)
          tpu.yield
        }) : () -> ()
        %dma_wait3A_158 = arith.constant 35 : i32
        %dma_wait3A_159 = arith.constant 0 : i32
        %dma_wait3A_160 = tpu.memref_slice %arg7[%dma_wait3A_158, %dma_wait3A_159] : memref<40x125xi32, #tpu.memory_space<vmem>> -> memref<1x125xi32, #tpu.memory_space<vmem>>
        %dma_wait3A_161 = tpu.memref_squeeze %dma_wait3A_160 : memref<1x125xi32, #tpu.memory_space<vmem>> -> memref<125xi32, #tpu.memory_space<vmem>>
        %dma_wait3A_162 = arith.constant 0 : i32
        %dma_wait3A_163 = arith.constant 0 : i32
        %dma_wait3A_164 = tpu.memref_slice %arg5[%dma_wait3A_162, %dma_wait3A_163] : memref<20480x32xf32, #tpu.memory_space<hbm>> -> memref<20480x32xf32, #tpu.memory_space<hbm>>
        tpu.wait_indirect_dma semaphore(%arg27 : memref<!tpu.dma_semaphore, #tpu.memory_space<semaphore_mem>>) src(%dma_wait3A_164 : memref<20480x32xf32, #tpu.memory_space<hbm>>) dst(%arg14 : memref<125x32xf32, #tpu.memory_space<vmem>>)
        %run_scoped3A_165 = arith.constant 35 : i32
        "tpu.region"() ({
          %run_scoped3A_377 = tpu.sem_alloc : memref<!tpu.dma_semaphore, #tpu.memory_space<semaphore_mem>>
          %dma_start3A_378 = arith.constant 0 : i32
          %dma_start3A_379 = tpu.memref_slice %arg8[%run_scoped3A_165, %dma_start3A_378] : memref<40x125xi32, #tpu.memory_space<vmem>> -> memref<1x125xi32, #tpu.memory_space<vmem>>
          %dma_start3A_380 = tpu.memref_squeeze %dma_start3A_379 : memref<1x125xi32, #tpu.memory_space<vmem>> -> memref<125xi32, #tpu.memory_space<vmem>>
          %dma_start3A_381 = arith.constant 0 : i32
          %dma_start3A_382 = arith.constant 0 : i32
          %dma_start3A_383 = tpu.memref_slice %arg23[%dma_start3A_381, %dma_start3A_382] : memref<10240x32xf32, #tpu.memory_space<vmem_shared>> -> memref<10240x32xf32, #tpu.memory_space<vmem_shared>>
          tpu.enqueue_indirect_dma source(%arg14 : memref<125x32xf32, #tpu.memory_space<vmem>>) target(%dma_start3A_383 : memref<10240x32xf32, #tpu.memory_space<vmem_shared>>) offsets(%dma_start3A_380 : memref<125xi32, #tpu.memory_space<vmem>>) semaphore(%run_scoped3A_377 : memref<!tpu.dma_semaphore, #tpu.memory_space<semaphore_mem>>) {add = true}
          %dma_wait3A_384 = arith.constant 0 : i32
          %dma_wait3A_385 = tpu.memref_slice %arg8[%run_scoped3A_165, %dma_wait3A_384] : memref<40x125xi32, #tpu.memory_space<vmem>> -> memref<1x125xi32, #tpu.memory_space<vmem>>
          %dma_wait3A_386 = tpu.memref_squeeze %dma_wait3A_385 : memref<1x125xi32, #tpu.memory_space<vmem>> -> memref<125xi32, #tpu.memory_space<vmem>>
          %dma_wait3A_387 = arith.constant 0 : i32
          %dma_wait3A_388 = arith.constant 0 : i32
          %dma_wait3A_389 = tpu.memref_slice %arg23[%dma_wait3A_387, %dma_wait3A_388] : memref<10240x32xf32, #tpu.memory_space<vmem_shared>> -> memref<10240x32xf32, #tpu.memory_space<vmem_shared>>
          tpu.wait_indirect_dma semaphore(%run_scoped3A_377 : memref<!tpu.dma_semaphore, #tpu.memory_space<semaphore_mem>>) src(%arg14 : memref<125x32xf32, #tpu.memory_space<vmem>>) dst(%dma_wait3A_389 : memref<10240x32xf32, #tpu.memory_space<vmem_shared>>)
          tpu.yield
        }) : () -> ()
        %dma_wait3A_166 = arith.constant 36 : i32
        %dma_wait3A_167 = arith.constant 0 : i32
        %dma_wait3A_168 = tpu.memref_slice %arg7[%dma_wait3A_166, %dma_wait3A_167] : memref<40x125xi32, #tpu.memory_space<vmem>> -> memref<1x125xi32, #tpu.memory_space<vmem>>
        %dma_wait3A_169 = tpu.memref_squeeze %dma_wait3A_168 : memref<1x125xi32, #tpu.memory_space<vmem>> -> memref<125xi32, #tpu.memory_space<vmem>>
        %dma_wait3A_170 = arith.constant 0 : i32
        %dma_wait3A_171 = arith.constant 0 : i32
        %dma_wait3A_172 = tpu.memref_slice %arg5[%dma_wait3A_170, %dma_wait3A_171] : memref<20480x32xf32, #tpu.memory_space<hbm>> -> memref<20480x32xf32, #tpu.memory_space<hbm>>
        tpu.wait_indirect_dma semaphore(%arg28 : memref<!tpu.dma_semaphore, #tpu.memory_space<semaphore_mem>>) src(%dma_wait3A_172 : memref<20480x32xf32, #tpu.memory_space<hbm>>) dst(%arg15 : memref<125x32xf32, #tpu.memory_space<vmem>>)
        %run_scoped3A_173 = arith.constant 36 : i32
        "tpu.region"() ({
          %run_scoped3A_377 = tpu.sem_alloc : memref<!tpu.dma_semaphore, #tpu.memory_space<semaphore_mem>>
          %dma_start3A_378 = arith.constant 0 : i32
          %dma_start3A_379 = tpu.memref_slice %arg8[%run_scoped3A_173, %dma_start3A_378] : memref<40x125xi32, #tpu.memory_space<vmem>> -> memref<1x125xi32, #tpu.memory_space<vmem>>
          %dma_start3A_380 = tpu.memref_squeeze %dma_start3A_379 : memref<1x125xi32, #tpu.memory_space<vmem>> -> memref<125xi32, #tpu.memory_space<vmem>>
          %dma_start3A_381 = arith.constant 0 : i32
          %dma_start3A_382 = arith.constant 0 : i32
          %dma_start3A_383 = tpu.memref_slice %arg23[%dma_start3A_381, %dma_start3A_382] : memref<10240x32xf32, #tpu.memory_space<vmem_shared>> -> memref<10240x32xf32, #tpu.memory_space<vmem_shared>>
          tpu.enqueue_indirect_dma source(%arg15 : memref<125x32xf32, #tpu.memory_space<vmem>>) target(%dma_start3A_383 : memref<10240x32xf32, #tpu.memory_space<vmem_shared>>) offsets(%dma_start3A_380 : memref<125xi32, #tpu.memory_space<vmem>>) semaphore(%run_scoped3A_377 : memref<!tpu.dma_semaphore, #tpu.memory_space<semaphore_mem>>) {add = true}
          %dma_wait3A_384 = arith.constant 0 : i32
          %dma_wait3A_385 = tpu.memref_slice %arg8[%run_scoped3A_173, %dma_wait3A_384] : memref<40x125xi32, #tpu.memory_space<vmem>> -> memref<1x125xi32, #tpu.memory_space<vmem>>
          %dma_wait3A_386 = tpu.memref_squeeze %dma_wait3A_385 : memref<1x125xi32, #tpu.memory_space<vmem>> -> memref<125xi32, #tpu.memory_space<vmem>>
          %dma_wait3A_387 = arith.constant 0 : i32
          %dma_wait3A_388 = arith.constant 0 : i32
          %dma_wait3A_389 = tpu.memref_slice %arg23[%dma_wait3A_387, %dma_wait3A_388] : memref<10240x32xf32, #tpu.memory_space<vmem_shared>> -> memref<10240x32xf32, #tpu.memory_space<vmem_shared>>
          tpu.wait_indirect_dma semaphore(%run_scoped3A_377 : memref<!tpu.dma_semaphore, #tpu.memory_space<semaphore_mem>>) src(%arg15 : memref<125x32xf32, #tpu.memory_space<vmem>>) dst(%dma_wait3A_389 : memref<10240x32xf32, #tpu.memory_space<vmem_shared>>)
          tpu.yield
        }) : () -> ()
        %dma_wait3A_174 = arith.constant 37 : i32
        %dma_wait3A_175 = arith.constant 0 : i32
        %dma_wait3A_176 = tpu.memref_slice %arg7[%dma_wait3A_174, %dma_wait3A_175] : memref<40x125xi32, #tpu.memory_space<vmem>> -> memref<1x125xi32, #tpu.memory_space<vmem>>
        %dma_wait3A_177 = tpu.memref_squeeze %dma_wait3A_176 : memref<1x125xi32, #tpu.memory_space<vmem>> -> memref<125xi32, #tpu.memory_space<vmem>>
        %dma_wait3A_178 = arith.constant 0 : i32
        %dma_wait3A_179 = arith.constant 0 : i32
        %dma_wait3A_180 = tpu.memref_slice %arg5[%dma_wait3A_178, %dma_wait3A_179] : memref<20480x32xf32, #tpu.memory_space<hbm>> -> memref<20480x32xf32, #tpu.memory_space<hbm>>
        tpu.wait_indirect_dma semaphore(%arg29 : memref<!tpu.dma_semaphore, #tpu.memory_space<semaphore_mem>>) src(%dma_wait3A_180 : memref<20480x32xf32, #tpu.memory_space<hbm>>) dst(%arg16 : memref<125x32xf32, #tpu.memory_space<vmem>>)
        %run_scoped3A_181 = arith.constant 37 : i32
        "tpu.region"() ({
          %run_scoped3A_377 = tpu.sem_alloc : memref<!tpu.dma_semaphore, #tpu.memory_space<semaphore_mem>>
          %dma_start3A_378 = arith.constant 0 : i32
          %dma_start3A_379 = tpu.memref_slice %arg8[%run_scoped3A_181, %dma_start3A_378] : memref<40x125xi32, #tpu.memory_space<vmem>> -> memref<1x125xi32, #tpu.memory_space<vmem>>
          %dma_start3A_380 = tpu.memref_squeeze %dma_start3A_379 : memref<1x125xi32, #tpu.memory_space<vmem>> -> memref<125xi32, #tpu.memory_space<vmem>>
          %dma_start3A_381 = arith.constant 0 : i32
          %dma_start3A_382 = arith.constant 0 : i32
          %dma_start3A_383 = tpu.memref_slice %arg23[%dma_start3A_381, %dma_start3A_382] : memref<10240x32xf32, #tpu.memory_space<vmem_shared>> -> memref<10240x32xf32, #tpu.memory_space<vmem_shared>>
          tpu.enqueue_indirect_dma source(%arg16 : memref<125x32xf32, #tpu.memory_space<vmem>>) target(%dma_start3A_383 : memref<10240x32xf32, #tpu.memory_space<vmem_shared>>) offsets(%dma_start3A_380 : memref<125xi32, #tpu.memory_space<vmem>>) semaphore(%run_scoped3A_377 : memref<!tpu.dma_semaphore, #tpu.memory_space<semaphore_mem>>) {add = true}
          %dma_wait3A_384 = arith.constant 0 : i32
          %dma_wait3A_385 = tpu.memref_slice %arg8[%run_scoped3A_181, %dma_wait3A_384] : memref<40x125xi32, #tpu.memory_space<vmem>> -> memref<1x125xi32, #tpu.memory_space<vmem>>
          %dma_wait3A_386 = tpu.memref_squeeze %dma_wait3A_385 : memref<1x125xi32, #tpu.memory_space<vmem>> -> memref<125xi32, #tpu.memory_space<vmem>>
          %dma_wait3A_387 = arith.constant 0 : i32
          %dma_wait3A_388 = arith.constant 0 : i32
          %dma_wait3A_389 = tpu.memref_slice %arg23[%dma_wait3A_387, %dma_wait3A_388] : memref<10240x32xf32, #tpu.memory_space<vmem_shared>> -> memref<10240x32xf32, #tpu.memory_space<vmem_shared>>
          tpu.wait_indirect_dma semaphore(%run_scoped3A_377 : memref<!tpu.dma_semaphore, #tpu.memory_space<semaphore_mem>>) src(%arg16 : memref<125x32xf32, #tpu.memory_space<vmem>>) dst(%dma_wait3A_389 : memref<10240x32xf32, #tpu.memory_space<vmem_shared>>)
          tpu.yield
        }) : () -> ()
        %dma_wait3A_182 = arith.constant 38 : i32
        %dma_wait3A_183 = arith.constant 0 : i32
        %dma_wait3A_184 = tpu.memref_slice %arg7[%dma_wait3A_182, %dma_wait3A_183] : memref<40x125xi32, #tpu.memory_space<vmem>> -> memref<1x125xi32, #tpu.memory_space<vmem>>
        %dma_wait3A_185 = tpu.memref_squeeze %dma_wait3A_184 : memref<1x125xi32, #tpu.memory_space<vmem>> -> memref<125xi32, #tpu.memory_space<vmem>>
        %dma_wait3A_186 = arith.constant 0 : i32
        %dma_wait3A_187 = arith.constant 0 : i32
        %dma_wait3A_188 = tpu.memref_slice %arg5[%dma_wait3A_186, %dma_wait3A_187] : memref<20480x32xf32, #tpu.memory_space<hbm>> -> memref<20480x32xf32, #tpu.memory_space<hbm>>
        tpu.wait_indirect_dma semaphore(%arg30 : memref<!tpu.dma_semaphore, #tpu.memory_space<semaphore_mem>>) src(%dma_wait3A_188 : memref<20480x32xf32, #tpu.memory_space<hbm>>) dst(%arg17 : memref<125x32xf32, #tpu.memory_space<vmem>>)
        %run_scoped3A_189 = arith.constant 38 : i32
        "tpu.region"() ({
          %run_scoped3A_377 = tpu.sem_alloc : memref<!tpu.dma_semaphore, #tpu.memory_space<semaphore_mem>>
          %dma_start3A_378 = arith.constant 0 : i32
          %dma_start3A_379 = tpu.memref_slice %arg8[%run_scoped3A_189, %dma_start3A_378] : memref<40x125xi32, #tpu.memory_space<vmem>> -> memref<1x125xi32, #tpu.memory_space<vmem>>
          %dma_start3A_380 = tpu.memref_squeeze %dma_start3A_379 : memref<1x125xi32, #tpu.memory_space<vmem>> -> memref<125xi32, #tpu.memory_space<vmem>>
          %dma_start3A_381 = arith.constant 0 : i32
          %dma_start3A_382 = arith.constant 0 : i32
          %dma_start3A_383 = tpu.memref_slice %arg23[%dma_start3A_381, %dma_start3A_382] : memref<10240x32xf32, #tpu.memory_space<vmem_shared>> -> memref<10240x32xf32, #tpu.memory_space<vmem_shared>>
          tpu.enqueue_indirect_dma source(%arg17 : memref<125x32xf32, #tpu.memory_space<vmem>>) target(%dma_start3A_383 : memref<10240x32xf32, #tpu.memory_space<vmem_shared>>) offsets(%dma_start3A_380 : memref<125xi32, #tpu.memory_space<vmem>>) semaphore(%run_scoped3A_377 : memref<!tpu.dma_semaphore, #tpu.memory_space<semaphore_mem>>) {add = true}
          %dma_wait3A_384 = arith.constant 0 : i32
          %dma_wait3A_385 = tpu.memref_slice %arg8[%run_scoped3A_189, %dma_wait3A_384] : memref<40x125xi32, #tpu.memory_space<vmem>> -> memref<1x125xi32, #tpu.memory_space<vmem>>
          %dma_wait3A_386 = tpu.memref_squeeze %dma_wait3A_385 : memref<1x125xi32, #tpu.memory_space<vmem>> -> memref<125xi32, #tpu.memory_space<vmem>>
          %dma_wait3A_387 = arith.constant 0 : i32
          %dma_wait3A_388 = arith.constant 0 : i32
          %dma_wait3A_389 = tpu.memref_slice %arg23[%dma_wait3A_387, %dma_wait3A_388] : memref<10240x32xf32, #tpu.memory_space<vmem_shared>> -> memref<10240x32xf32, #tpu.memory_space<vmem_shared>>
          tpu.wait_indirect_dma semaphore(%run_scoped3A_377 : memref<!tpu.dma_semaphore, #tpu.memory_space<semaphore_mem>>) src(%arg17 : memref<125x32xf32, #tpu.memory_space<vmem>>) dst(%dma_wait3A_389 : memref<10240x32xf32, #tpu.memory_space<vmem_shared>>)
          tpu.yield
        }) : () -> ()
        %dma_wait3A_190 = arith.constant 39 : i32
        %dma_wait3A_191 = arith.constant 0 : i32
        %dma_wait3A_192 = tpu.memref_slice %arg7[%dma_wait3A_190, %dma_wait3A_191] : memref<40x125xi32, #tpu.memory_space<vmem>> -> memref<1x125xi32, #tpu.memory_space<vmem>>
        %dma_wait3A_193 = tpu.memref_squeeze %dma_wait3A_192 : memref<1x125xi32, #tpu.memory_space<vmem>> -> memref<125xi32, #tpu.memory_space<vmem>>
        %dma_wait3A_194 = arith.constant 0 : i32
        %dma_wait3A_195 = arith.constant 0 : i32
        %dma_wait3A_196 = tpu.memref_slice %arg5[%dma_wait3A_194, %dma_wait3A_195] : memref<20480x32xf32, #tpu.memory_space<hbm>> -> memref<20480x32xf32, #tpu.memory_space<hbm>>
        tpu.wait_indirect_dma semaphore(%arg31 : memref<!tpu.dma_semaphore, #tpu.memory_space<semaphore_mem>>) src(%dma_wait3A_196 : memref<20480x32xf32, #tpu.memory_space<hbm>>) dst(%arg18 : memref<125x32xf32, #tpu.memory_space<vmem>>)
        %run_scoped3A_197 = arith.constant 39 : i32
        "tpu.region"() ({
          %run_scoped3A_377 = tpu.sem_alloc : memref<!tpu.dma_semaphore, #tpu.memory_space<semaphore_mem>>
          %dma_start3A_378 = arith.constant 0 : i32
          %dma_start3A_379 = tpu.memref_slice %arg8[%run_scoped3A_197, %dma_start3A_378] : memref<40x125xi32, #tpu.memory_space<vmem>> -> memref<1x125xi32, #tpu.memory_space<vmem>>
          %dma_start3A_380 = tpu.memref_squeeze %dma_start3A_379 : memref<1x125xi32, #tpu.memory_space<vmem>> -> memref<125xi32, #tpu.memory_space<vmem>>
          %dma_start3A_381 = arith.constant 0 : i32
          %dma_start3A_382 = arith.constant 0 : i32
          %dma_start3A_383 = tpu.memref_slice %arg23[%dma_start3A_381, %dma_start3A_382] : memref<10240x32xf32, #tpu.memory_space<vmem_shared>> -> memref<10240x32xf32, #tpu.memory_space<vmem_shared>>
          tpu.enqueue_indirect_dma source(%arg18 : memref<125x32xf32, #tpu.memory_space<vmem>>) target(%dma_start3A_383 : memref<10240x32xf32, #tpu.memory_space<vmem_shared>>) offsets(%dma_start3A_380 : memref<125xi32, #tpu.memory_space<vmem>>) semaphore(%run_scoped3A_377 : memref<!tpu.dma_semaphore, #tpu.memory_space<semaphore_mem>>) {add = true}
          %dma_wait3A_384 = arith.constant 0 : i32
          %dma_wait3A_385 = tpu.memref_slice %arg8[%run_scoped3A_197, %dma_wait3A_384] : memref<40x125xi32, #tpu.memory_space<vmem>> -> memref<1x125xi32, #tpu.memory_space<vmem>>
          %dma_wait3A_386 = tpu.memref_squeeze %dma_wait3A_385 : memref<1x125xi32, #tpu.memory_space<vmem>> -> memref<125xi32, #tpu.memory_space<vmem>>
          %dma_wait3A_387 = arith.constant 0 : i32
          %dma_wait3A_388 = arith.constant 0 : i32
          %dma_wait3A_389 = tpu.memref_slice %arg23[%dma_wait3A_387, %dma_wait3A_388] : memref<10240x32xf32, #tpu.memory_space<vmem_shared>> -> memref<10240x32xf32, #tpu.memory_space<vmem_shared>>
          tpu.wait_indirect_dma semaphore(%run_scoped3A_377 : memref<!tpu.dma_semaphore, #tpu.memory_space<semaphore_mem>>) src(%arg18 : memref<125x32xf32, #tpu.memory_space<vmem>>) dst(%dma_wait3A_389 : memref<10240x32xf32, #tpu.memory_space<vmem_shared>>)
          tpu.yield
        }) : () -> ()
        %add3A_198 = arith.constant 1 : i32
        %add3A_199 = arith.addi %mul3A_56, %add3A_198 : i32
        %mul3A_200 = arith.constant 40 : i32
        %mul3A_201 = arith.muli %add3A_199, %mul3A_200 : i32
        %dma_wait3A_202 = arith.constant 0 : i32
        %dma_wait3A_203 = tpu.memref_slice %arg3[%arg0, %arg1, %mul3A_201, %dma_wait3A_202] : memref<2x16x160x125xi32, #tpu.memory_space<hbm>> -> memref<1x1x40x125xi32, #tpu.memory_space<hbm>>
        %dma_wait3A_204 = tpu.memref_squeeze %dma_wait3A_203 : memref<1x1x40x125xi32, #tpu.memory_space<hbm>> -> memref<40x125xi32, #tpu.memory_space<hbm>>
        %dma_wait3A_205 = arith.constant 0 : i32
        %dma_wait3A_206 = tpu.memref_slice %arg3[%arg0, %arg1, %mul3A_201, %dma_wait3A_205] : memref<2x16x160x125xi32, #tpu.memory_space<hbm>> -> memref<1x1x40x125xi32, #tpu.memory_space<hbm>>
        %dma_wait3A_207 = tpu.memref_squeeze %dma_wait3A_206 : memref<1x1x40x125xi32, #tpu.memory_space<hbm>> -> memref<40x125xi32, #tpu.memory_space<hbm>>
        tpu.wait_dma2 semaphore(%arg32 : memref<!tpu.dma_semaphore, #tpu.memory_space<semaphore_mem>>) src(%dma_wait3A_207 : memref<40x125xi32, #tpu.memory_space<hbm>>) dst(%arg9 : memref<40x125xi32, #tpu.memory_space<vmem>>)
        %mul3A_208 = arith.constant 40 : i32
        %mul3A_209 = arith.muli %add3A_199, %mul3A_208 : i32
        %dma_wait3A_210 = arith.constant 0 : i32
        %dma_wait3A_211 = tpu.memref_slice %arg4[%arg1, %mul3A_209, %dma_wait3A_210] : memref<16x160x125xi32, #tpu.memory_space<hbm>> -> memref<1x40x125xi32, #tpu.memory_space<hbm>>
        %dma_wait3A_212 = tpu.memref_squeeze %dma_wait3A_211 : memref<1x40x125xi32, #tpu.memory_space<hbm>> -> memref<40x125xi32, #tpu.memory_space<hbm>>
        %dma_wait3A_213 = arith.constant 0 : i32
        %dma_wait3A_214 = tpu.memref_slice %arg4[%arg1, %mul3A_209, %dma_wait3A_213] : memref<16x160x125xi32, #tpu.memory_space<hbm>> -> memref<1x40x125xi32, #tpu.memory_space<hbm>>
        %dma_wait3A_215 = tpu.memref_squeeze %dma_wait3A_214 : memref<1x40x125xi32, #tpu.memory_space<hbm>> -> memref<40x125xi32, #tpu.memory_space<hbm>>
        tpu.wait_dma2 semaphore(%arg33 : memref<!tpu.dma_semaphore, #tpu.memory_space<semaphore_mem>>) src(%dma_wait3A_215 : memref<40x125xi32, #tpu.memory_space<hbm>>) dst(%arg10 : memref<40x125xi32, #tpu.memory_space<vmem>>)
        %lt3A = arith.constant 1 : i32
        %lt3A_216 = arith.cmpi slt, %scan3A_54, %lt3A : i32
        %add3A_217 = arith.constant 2 : i32
        %add3A_218 = arith.addi %mul3A_56, %add3A_217 : i32
        %jit3A = arith.constant 0 : i32
        %select_n3A = arith.select %lt3A_216, %add3A_218, %jit3A : i32
        %mul3A_219 = arith.constant 40 : i32
        %mul3A_220 = arith.muli %select_n3A, %mul3A_219 : i32
        %dma_start3A_221 = arith.constant 0 : i32
        %dma_start3A_222 = tpu.memref_slice %arg3[%arg0, %arg1, %mul3A_220, %dma_start3A_221] : memref<2x16x160x125xi32, #tpu.memory_space<hbm>> -> memref<1x1x40x125xi32, #tpu.memory_space<hbm>>
        %dma_start3A_223 = tpu.memref_squeeze %dma_start3A_222 : memref<1x1x40x125xi32, #tpu.memory_space<hbm>> -> memref<40x125xi32, #tpu.memory_space<hbm>>
        %dma_start3A_224 = arith.constant 0 : i32
        %dma_start3A_225 = tpu.memref_slice %arg3[%arg0, %arg1, %mul3A_220, %dma_start3A_224] : memref<2x16x160x125xi32, #tpu.memory_space<hbm>> -> memref<1x1x40x125xi32, #tpu.memory_space<hbm>>
        %dma_start3A_226 = tpu.memref_squeeze %dma_start3A_225 : memref<1x1x40x125xi32, #tpu.memory_space<hbm>> -> memref<40x125xi32, #tpu.memory_space<hbm>>
        tpu.enqueue_dma source(%dma_start3A_226 : memref<40x125xi32, #tpu.memory_space<hbm>>) target(%arg7 : memref<40x125xi32, #tpu.memory_space<vmem>>) target_semaphore(%arg32 : memref<!tpu.dma_semaphore, #tpu.memory_space<semaphore_mem>>)
        %mul3A_227 = arith.constant 40 : i32
        %mul3A_228 = arith.muli %select_n3A, %mul3A_227 : i32
        %dma_start3A_229 = arith.constant 0 : i32
        %dma_start3A_230 = tpu.memref_slice %arg4[%arg1, %mul3A_228, %dma_start3A_229] : memref<16x160x125xi32, #tpu.memory_space<hbm>> -> memref<1x40x125xi32, #tpu.memory_space<hbm>>
        %dma_start3A_231 = tpu.memref_squeeze %dma_start3A_230 : memref<1x40x125xi32, #tpu.memory_space<hbm>> -> memref<40x125xi32, #tpu.memory_space<hbm>>
        %dma_start3A_232 = arith.constant 0 : i32
        %dma_start3A_233 = tpu.memref_slice %arg4[%arg1, %mul3A_228, %dma_start3A_232] : memref<16x160x125xi32, #tpu.memory_space<hbm>> -> memref<1x40x125xi32, #tpu.memory_space<hbm>>
        %dma_start3A_234 = tpu.memref_squeeze %dma_start3A_233 : memref<1x40x125xi32, #tpu.memory_space<hbm>> -> memref<40x125xi32, #tpu.memory_space<hbm>>
        tpu.enqueue_dma source(%dma_start3A_234 : memref<40x125xi32, #tpu.memory_space<hbm>>) target(%arg8 : memref<40x125xi32, #tpu.memory_space<vmem>>) target_semaphore(%arg33 : memref<!tpu.dma_semaphore, #tpu.memory_space<semaphore_mem>>)
        %dma_start3A_235 = arith.constant 0 : i32
        %dma_start3A_236 = arith.constant 0 : i32
        %dma_start3A_237 = tpu.memref_slice %arg9[%dma_start3A_235, %dma_start3A_236] : memref<40x125xi32, #tpu.memory_space<vmem>> -> memref<1x125xi32, #tpu.memory_space<vmem>>
        %dma_start3A_238 = tpu.memref_squeeze %dma_start3A_237 : memref<1x125xi32, #tpu.memory_space<vmem>> -> memref<125xi32, #tpu.memory_space<vmem>>
        %dma_start3A_239 = arith.constant 0 : i32
        %dma_start3A_240 = arith.constant 0 : i32
        %dma_start3A_241 = tpu.memref_slice %arg5[%dma_start3A_239, %dma_start3A_240] : memref<20480x32xf32, #tpu.memory_space<hbm>> -> memref<20480x32xf32, #tpu.memory_space<hbm>>
        tpu.enqueue_indirect_dma source(%dma_start3A_241 : memref<20480x32xf32, #tpu.memory_space<hbm>>) target(%arg11 : memref<125x32xf32, #tpu.memory_space<vmem>>) offsets(%dma_start3A_238 : memref<125xi32, #tpu.memory_space<vmem>>) semaphore(%arg24 : memref<!tpu.dma_semaphore, #tpu.memory_space<semaphore_mem>>)
        %dma_start3A_242 = arith.constant 1 : i32
        %dma_start3A_243 = arith.constant 0 : i32
        %dma_start3A_244 = tpu.memref_slice %arg9[%dma_start3A_242, %dma_start3A_243] : memref<40x125xi32, #tpu.memory_space<vmem>> -> memref<1x125xi32, #tpu.memory_space<vmem>>
        %dma_start3A_245 = tpu.memref_squeeze %dma_start3A_244 : memref<1x125xi32, #tpu.memory_space<vmem>> -> memref<125xi32, #tpu.memory_space<vmem>>
        %dma_start3A_246 = arith.constant 0 : i32
        %dma_start3A_247 = arith.constant 0 : i32
        %dma_start3A_248 = tpu.memref_slice %arg5[%dma_start3A_246, %dma_start3A_247] : memref<20480x32xf32, #tpu.memory_space<hbm>> -> memref<20480x32xf32, #tpu.memory_space<hbm>>
        tpu.enqueue_indirect_dma source(%dma_start3A_248 : memref<20480x32xf32, #tpu.memory_space<hbm>>) target(%arg12 : memref<125x32xf32, #tpu.memory_space<vmem>>) offsets(%dma_start3A_245 : memref<125xi32, #tpu.memory_space<vmem>>) semaphore(%arg25 : memref<!tpu.dma_semaphore, #tpu.memory_space<semaphore_mem>>)
        %dma_start3A_249 = arith.constant 2 : i32
        %dma_start3A_250 = arith.constant 0 : i32
        %dma_start3A_251 = tpu.memref_slice %arg9[%dma_start3A_249, %dma_start3A_250] : memref<40x125xi32, #tpu.memory_space<vmem>> -> memref<1x125xi32, #tpu.memory_space<vmem>>
        %dma_start3A_252 = tpu.memref_squeeze %dma_start3A_251 : memref<1x125xi32, #tpu.memory_space<vmem>> -> memref<125xi32, #tpu.memory_space<vmem>>
        %dma_start3A_253 = arith.constant 0 : i32
        %dma_start3A_254 = arith.constant 0 : i32
        %dma_start3A_255 = tpu.memref_slice %arg5[%dma_start3A_253, %dma_start3A_254] : memref<20480x32xf32, #tpu.memory_space<hbm>> -> memref<20480x32xf32, #tpu.memory_space<hbm>>
        tpu.enqueue_indirect_dma source(%dma_start3A_255 : memref<20480x32xf32, #tpu.memory_space<hbm>>) target(%arg13 : memref<125x32xf32, #tpu.memory_space<vmem>>) offsets(%dma_start3A_252 : memref<125xi32, #tpu.memory_space<vmem>>) semaphore(%arg26 : memref<!tpu.dma_semaphore, #tpu.memory_space<semaphore_mem>>)
        %dma_start3A_256 = arith.constant 3 : i32
        %dma_start3A_257 = arith.constant 0 : i32
        %dma_start3A_258 = tpu.memref_slice %arg9[%dma_start3A_256, %dma_start3A_257] : memref<40x125xi32, #tpu.memory_space<vmem>> -> memref<1x125xi32, #tpu.memory_space<vmem>>
        %dma_start3A_259 = tpu.memref_squeeze %dma_start3A_258 : memref<1x125xi32, #tpu.memory_space<vmem>> -> memref<125xi32, #tpu.memory_space<vmem>>
        %dma_start3A_260 = arith.constant 0 : i32
        %dma_start3A_261 = arith.constant 0 : i32
        %dma_start3A_262 = tpu.memref_slice %arg5[%dma_start3A_260, %dma_start3A_261] : memref<20480x32xf32, #tpu.memory_space<hbm>> -> memref<20480x32xf32, #tpu.memory_space<hbm>>
        tpu.enqueue_indirect_dma source(%dma_start3A_262 : memref<20480x32xf32, #tpu.memory_space<hbm>>) target(%arg14 : memref<125x32xf32, #tpu.memory_space<vmem>>) offsets(%dma_start3A_259 : memref<125xi32, #tpu.memory_space<vmem>>) semaphore(%arg27 : memref<!tpu.dma_semaphore, #tpu.memory_space<semaphore_mem>>)
        %dma_start3A_263 = arith.constant 4 : i32
        %dma_start3A_264 = arith.constant 0 : i32
        %dma_start3A_265 = tpu.memref_slice %arg9[%dma_start3A_263, %dma_start3A_264] : memref<40x125xi32, #tpu.memory_space<vmem>> -> memref<1x125xi32, #tpu.memory_space<vmem>>
        %dma_start3A_266 = tpu.memref_squeeze %dma_start3A_265 : memref<1x125xi32, #tpu.memory_space<vmem>> -> memref<125xi32, #tpu.memory_space<vmem>>
        %dma_start3A_267 = arith.constant 0 : i32
        %dma_start3A_268 = arith.constant 0 : i32
        %dma_start3A_269 = tpu.memref_slice %arg5[%dma_start3A_267, %dma_start3A_268] : memref<20480x32xf32, #tpu.memory_space<hbm>> -> memref<20480x32xf32, #tpu.memory_space<hbm>>
        tpu.enqueue_indirect_dma source(%dma_start3A_269 : memref<20480x32xf32, #tpu.memory_space<hbm>>) target(%arg15 : memref<125x32xf32, #tpu.memory_space<vmem>>) offsets(%dma_start3A_266 : memref<125xi32, #tpu.memory_space<vmem>>) semaphore(%arg28 : memref<!tpu.dma_semaphore, #tpu.memory_space<semaphore_mem>>)
        %dma_start3A_270 = arith.constant 5 : i32
        %dma_start3A_271 = arith.constant 0 : i32
        %dma_start3A_272 = tpu.memref_slice %arg9[%dma_start3A_270, %dma_start3A_271] : memref<40x125xi32, #tpu.memory_space<vmem>> -> memref<1x125xi32, #tpu.memory_space<vmem>>
        %dma_start3A_273 = tpu.memref_squeeze %dma_start3A_272 : memref<1x125xi32, #tpu.memory_space<vmem>> -> memref<125xi32, #tpu.memory_space<vmem>>
        %dma_start3A_274 = arith.constant 0 : i32
        %dma_start3A_275 = arith.constant 0 : i32
        %dma_start3A_276 = tpu.memref_slice %arg5[%dma_start3A_274, %dma_start3A_275] : memref<20480x32xf32, #tpu.memory_space<hbm>> -> memref<20480x32xf32, #tpu.memory_space<hbm>>
        tpu.enqueue_indirect_dma source(%dma_start3A_276 : memref<20480x32xf32, #tpu.memory_space<hbm>>) target(%arg16 : memref<125x32xf32, #tpu.memory_space<vmem>>) offsets(%dma_start3A_273 : memref<125xi32, #tpu.memory_space<vmem>>) semaphore(%arg29 : memref<!tpu.dma_semaphore, #tpu.memory_space<semaphore_mem>>)
        %dma_start3A_277 = arith.constant 6 : i32
        %dma_start3A_278 = arith.constant 0 : i32
        %dma_start3A_279 = tpu.memref_slice %arg9[%dma_start3A_277, %dma_start3A_278] : memref<40x125xi32, #tpu.memory_space<vmem>> -> memref<1x125xi32, #tpu.memory_space<vmem>>
        %dma_start3A_280 = tpu.memref_squeeze %dma_start3A_279 : memref<1x125xi32, #tpu.memory_space<vmem>> -> memref<125xi32, #tpu.memory_space<vmem>>
        %dma_start3A_281 = arith.constant 0 : i32
        %dma_start3A_282 = arith.constant 0 : i32
        %dma_start3A_283 = tpu.memref_slice %arg5[%dma_start3A_281, %dma_start3A_282] : memref<20480x32xf32, #tpu.memory_space<hbm>> -> memref<20480x32xf32, #tpu.memory_space<hbm>>
        tpu.enqueue_indirect_dma source(%dma_start3A_283 : memref<20480x32xf32, #tpu.memory_space<hbm>>) target(%arg17 : memref<125x32xf32, #tpu.memory_space<vmem>>) offsets(%dma_start3A_280 : memref<125xi32, #tpu.memory_space<vmem>>) semaphore(%arg30 : memref<!tpu.dma_semaphore, #tpu.memory_space<semaphore_mem>>)
        %dma_start3A_284 = arith.constant 7 : i32
        %dma_start3A_285 = arith.constant 0 : i32
        %dma_start3A_286 = tpu.memref_slice %arg9[%dma_start3A_284, %dma_start3A_285] : memref<40x125xi32, #tpu.memory_space<vmem>> -> memref<1x125xi32, #tpu.memory_space<vmem>>
        %dma_start3A_287 = tpu.memref_squeeze %dma_start3A_286 : memref<1x125xi32, #tpu.memory_space<vmem>> -> memref<125xi32, #tpu.memory_space<vmem>>
        %dma_start3A_288 = arith.constant 0 : i32
        %dma_start3A_289 = arith.constant 0 : i32
        %dma_start3A_290 = tpu.memref_slice %arg5[%dma_start3A_288, %dma_start3A_289] : memref<20480x32xf32, #tpu.memory_space<hbm>> -> memref<20480x32xf32, #tpu.memory_space<hbm>>
        tpu.enqueue_indirect_dma source(%dma_start3A_290 : memref<20480x32xf32, #tpu.memory_space<hbm>>) target(%arg18 : memref<125x32xf32, #tpu.memory_space<vmem>>) offsets(%dma_start3A_287 : memref<125xi32, #tpu.memory_space<vmem>>) semaphore(%arg31 : memref<!tpu.dma_semaphore, #tpu.memory_space<semaphore_mem>>)
        %scan3A_291 = arith.constant 0 : i32
        %scan3A_292 = arith.constant 0 : i32
        %scan3A_293 = arith.constant 4 : i32
        %scan3A_294 = arith.addi %scan3A_292, %scan3A_293 : i32
        %scan3A_295 = arith.constant 1 : i32
        scf.for %scan3A_377 = %scan3A_292 to %scan3A_294 step %scan3A_295  : i32 {
          %mul3A_378 = arith.constant 8 : i32
          %mul3A_379 = arith.muli %scan3A_377, %mul3A_378 : i32
          %add3A_380 = arith.constant 0 : i32
          %add3A_381 = arith.addi %mul3A_379, %add3A_380 : i32
          %dma_wait3A_382 = arith.constant 0 : i32
          %dma_wait3A_383 = tpu.memref_slice %arg9[%add3A_381, %dma_wait3A_382] : memref<40x125xi32, #tpu.memory_space<vmem>> -> memref<1x125xi32, #tpu.memory_space<vmem>>
          %dma_wait3A_384 = tpu.memref_squeeze %dma_wait3A_383 : memref<1x125xi32, #tpu.memory_space<vmem>> -> memref<125xi32, #tpu.memory_space<vmem>>
          %dma_wait3A_385 = arith.constant 0 : i32
          %dma_wait3A_386 = arith.constant 0 : i32
          %dma_wait3A_387 = tpu.memref_slice %arg5[%dma_wait3A_385, %dma_wait3A_386] : memref<20480x32xf32, #tpu.memory_space<hbm>> -> memref<20480x32xf32, #tpu.memory_space<hbm>>
          tpu.wait_indirect_dma semaphore(%arg24 : memref<!tpu.dma_semaphore, #tpu.memory_space<semaphore_mem>>) src(%dma_wait3A_387 : memref<20480x32xf32, #tpu.memory_space<hbm>>) dst(%arg11 : memref<125x32xf32, #tpu.memory_space<vmem>>)
          "tpu.region"() ({
            %run_scoped3A_508 = tpu.sem_alloc : memref<!tpu.dma_semaphore, #tpu.memory_space<semaphore_mem>>
            %dma_start3A_509 = arith.constant 0 : i32
            %dma_start3A_510 = tpu.memref_slice %arg10[%add3A_381, %dma_start3A_509] : memref<40x125xi32, #tpu.memory_space<vmem>> -> memref<1x125xi32, #tpu.memory_space<vmem>>
            %dma_start3A_511 = tpu.memref_squeeze %dma_start3A_510 : memref<1x125xi32, #tpu.memory_space<vmem>> -> memref<125xi32, #tpu.memory_space<vmem>>
            %dma_start3A_512 = arith.constant 0 : i32
            %dma_start3A_513 = arith.constant 0 : i32
            %dma_start3A_514 = tpu.memref_slice %arg23[%dma_start3A_512, %dma_start3A_513] : memref<10240x32xf32, #tpu.memory_space<vmem_shared>> -> memref<10240x32xf32, #tpu.memory_space<vmem_shared>>
            tpu.enqueue_indirect_dma source(%arg11 : memref<125x32xf32, #tpu.memory_space<vmem>>) target(%dma_start3A_514 : memref<10240x32xf32, #tpu.memory_space<vmem_shared>>) offsets(%dma_start3A_511 : memref<125xi32, #tpu.memory_space<vmem>>) semaphore(%run_scoped3A_508 : memref<!tpu.dma_semaphore, #tpu.memory_space<semaphore_mem>>) {add = true}
            %dma_wait3A_515 = arith.constant 0 : i32
            %dma_wait3A_516 = tpu.memref_slice %arg10[%add3A_381, %dma_wait3A_515] : memref<40x125xi32, #tpu.memory_space<vmem>> -> memref<1x125xi32, #tpu.memory_space<vmem>>
            %dma_wait3A_517 = tpu.memref_squeeze %dma_wait3A_516 : memref<1x125xi32, #tpu.memory_space<vmem>> -> memref<125xi32, #tpu.memory_space<vmem>>
            %dma_wait3A_518 = arith.constant 0 : i32
            %dma_wait3A_519 = arith.constant 0 : i32
            %dma_wait3A_520 = tpu.memref_slice %arg23[%dma_wait3A_518, %dma_wait3A_519] : memref<10240x32xf32, #tpu.memory_space<vmem_shared>> -> memref<10240x32xf32, #tpu.memory_space<vmem_shared>>
            tpu.wait_indirect_dma semaphore(%run_scoped3A_508 : memref<!tpu.dma_semaphore, #tpu.memory_space<semaphore_mem>>) src(%arg11 : memref<125x32xf32, #tpu.memory_space<vmem>>) dst(%dma_wait3A_520 : memref<10240x32xf32, #tpu.memory_space<vmem_shared>>)
            tpu.yield
          }) : () -> ()
          %add3A_388 = arith.constant 8 : i32
          %add3A_389 = arith.addi %add3A_381, %add3A_388 : i32
          %dma_start3A_390 = arith.constant 0 : i32
          %dma_start3A_391 = tpu.memref_slice %arg9[%add3A_389, %dma_start3A_390] : memref<40x125xi32, #tpu.memory_space<vmem>> -> memref<1x125xi32, #tpu.memory_space<vmem>>
          %dma_start3A_392 = tpu.memref_squeeze %dma_start3A_391 : memref<1x125xi32, #tpu.memory_space<vmem>> -> memref<125xi32, #tpu.memory_space<vmem>>
          %dma_start3A_393 = arith.constant 0 : i32
          %dma_start3A_394 = arith.constant 0 : i32
          %dma_start3A_395 = tpu.memref_slice %arg5[%dma_start3A_393, %dma_start3A_394] : memref<20480x32xf32, #tpu.memory_space<hbm>> -> memref<20480x32xf32, #tpu.memory_space<hbm>>
          tpu.enqueue_indirect_dma source(%dma_start3A_395 : memref<20480x32xf32, #tpu.memory_space<hbm>>) target(%arg11 : memref<125x32xf32, #tpu.memory_space<vmem>>) offsets(%dma_start3A_392 : memref<125xi32, #tpu.memory_space<vmem>>) semaphore(%arg24 : memref<!tpu.dma_semaphore, #tpu.memory_space<semaphore_mem>>)
          %add3A_396 = arith.constant 1 : i32
          %add3A_397 = arith.addi %mul3A_379, %add3A_396 : i32
          %dma_wait3A_398 = arith.constant 0 : i32
          %dma_wait3A_399 = tpu.memref_slice %arg9[%add3A_397, %dma_wait3A_398] : memref<40x125xi32, #tpu.memory_space<vmem>> -> memref<1x125xi32, #tpu.memory_space<vmem>>
          %dma_wait3A_400 = tpu.memref_squeeze %dma_wait3A_399 : memref<1x125xi32, #tpu.memory_space<vmem>> -> memref<125xi32, #tpu.memory_space<vmem>>
          %dma_wait3A_401 = arith.constant 0 : i32
          %dma_wait3A_402 = arith.constant 0 : i32
          %dma_wait3A_403 = tpu.memref_slice %arg5[%dma_wait3A_401, %dma_wait3A_402] : memref<20480x32xf32, #tpu.memory_space<hbm>> -> memref<20480x32xf32, #tpu.memory_space<hbm>>
          tpu.wait_indirect_dma semaphore(%arg25 : memref<!tpu.dma_semaphore, #tpu.memory_space<semaphore_mem>>) src(%dma_wait3A_403 : memref<20480x32xf32, #tpu.memory_space<hbm>>) dst(%arg12 : memref<125x32xf32, #tpu.memory_space<vmem>>)
          "tpu.region"() ({
            %run_scoped3A_508 = tpu.sem_alloc : memref<!tpu.dma_semaphore, #tpu.memory_space<semaphore_mem>>
            %dma_start3A_509 = arith.constant 0 : i32
            %dma_start3A_510 = tpu.memref_slice %arg10[%add3A_397, %dma_start3A_509] : memref<40x125xi32, #tpu.memory_space<vmem>> -> memref<1x125xi32, #tpu.memory_space<vmem>>
            %dma_start3A_511 = tpu.memref_squeeze %dma_start3A_510 : memref<1x125xi32, #tpu.memory_space<vmem>> -> memref<125xi32, #tpu.memory_space<vmem>>
            %dma_start3A_512 = arith.constant 0 : i32
            %dma_start3A_513 = arith.constant 0 : i32
            %dma_start3A_514 = tpu.memref_slice %arg23[%dma_start3A_512, %dma_start3A_513] : memref<10240x32xf32, #tpu.memory_space<vmem_shared>> -> memref<10240x32xf32, #tpu.memory_space<vmem_shared>>
            tpu.enqueue_indirect_dma source(%arg12 : memref<125x32xf32, #tpu.memory_space<vmem>>) target(%dma_start3A_514 : memref<10240x32xf32, #tpu.memory_space<vmem_shared>>) offsets(%dma_start3A_511 : memref<125xi32, #tpu.memory_space<vmem>>) semaphore(%run_scoped3A_508 : memref<!tpu.dma_semaphore, #tpu.memory_space<semaphore_mem>>) {add = true}
            %dma_wait3A_515 = arith.constant 0 : i32
            %dma_wait3A_516 = tpu.memref_slice %arg10[%add3A_397, %dma_wait3A_515] : memref<40x125xi32, #tpu.memory_space<vmem>> -> memref<1x125xi32, #tpu.memory_space<vmem>>
            %dma_wait3A_517 = tpu.memref_squeeze %dma_wait3A_516 : memref<1x125xi32, #tpu.memory_space<vmem>> -> memref<125xi32, #tpu.memory_space<vmem>>
            %dma_wait3A_518 = arith.constant 0 : i32
            %dma_wait3A_519 = arith.constant 0 : i32
            %dma_wait3A_520 = tpu.memref_slice %arg23[%dma_wait3A_518, %dma_wait3A_519] : memref<10240x32xf32, #tpu.memory_space<vmem_shared>> -> memref<10240x32xf32, #tpu.memory_space<vmem_shared>>
            tpu.wait_indirect_dma semaphore(%run_scoped3A_508 : memref<!tpu.dma_semaphore, #tpu.memory_space<semaphore_mem>>) src(%arg12 : memref<125x32xf32, #tpu.memory_space<vmem>>) dst(%dma_wait3A_520 : memref<10240x32xf32, #tpu.memory_space<vmem_shared>>)
            tpu.yield
          }) : () -> ()
          %add3A_404 = arith.constant 8 : i32
          %add3A_405 = arith.addi %add3A_397, %add3A_404 : i32
          %dma_start3A_406 = arith.constant 0 : i32
          %dma_start3A_407 = tpu.memref_slice %arg9[%add3A_405, %dma_start3A_406] : memref<40x125xi32, #tpu.memory_space<vmem>> -> memref<1x125xi32, #tpu.memory_space<vmem>>
          %dma_start3A_408 = tpu.memref_squeeze %dma_start3A_407 : memref<1x125xi32, #tpu.memory_space<vmem>> -> memref<125xi32, #tpu.memory_space<vmem>>
          %dma_start3A_409 = arith.constant 0 : i32
          %dma_start3A_410 = arith.constant 0 : i32
          %dma_start3A_411 = tpu.memref_slice %arg5[%dma_start3A_409, %dma_start3A_410] : memref<20480x32xf32, #tpu.memory_space<hbm>> -> memref<20480x32xf32, #tpu.memory_space<hbm>>
          tpu.enqueue_indirect_dma source(%dma_start3A_411 : memref<20480x32xf32, #tpu.memory_space<hbm>>) target(%arg12 : memref<125x32xf32, #tpu.memory_space<vmem>>) offsets(%dma_start3A_408 : memref<125xi32, #tpu.memory_space<vmem>>) semaphore(%arg25 : memref<!tpu.dma_semaphore, #tpu.memory_space<semaphore_mem>>)
          %add3A_412 = arith.constant 2 : i32
          %add3A_413 = arith.addi %mul3A_379, %add3A_412 : i32
          %dma_wait3A_414 = arith.constant 0 : i32
          %dma_wait3A_415 = tpu.memref_slice %arg9[%add3A_413, %dma_wait3A_414] : memref<40x125xi32, #tpu.memory_space<vmem>> -> memref<1x125xi32, #tpu.memory_space<vmem>>
          %dma_wait3A_416 = tpu.memref_squeeze %dma_wait3A_415 : memref<1x125xi32, #tpu.memory_space<vmem>> -> memref<125xi32, #tpu.memory_space<vmem>>
          %dma_wait3A_417 = arith.constant 0 : i32
          %dma_wait3A_418 = arith.constant 0 : i32
          %dma_wait3A_419 = tpu.memref_slice %arg5[%dma_wait3A_417, %dma_wait3A_418] : memref<20480x32xf32, #tpu.memory_space<hbm>> -> memref<20480x32xf32, #tpu.memory_space<hbm>>
          tpu.wait_indirect_dma semaphore(%arg26 : memref<!tpu.dma_semaphore, #tpu.memory_space<semaphore_mem>>) src(%dma_wait3A_419 : memref<20480x32xf32, #tpu.memory_space<hbm>>) dst(%arg13 : memref<125x32xf32, #tpu.memory_space<vmem>>)
          "tpu.region"() ({
            %run_scoped3A_508 = tpu.sem_alloc : memref<!tpu.dma_semaphore, #tpu.memory_space<semaphore_mem>>
            %dma_start3A_509 = arith.constant 0 : i32
            %dma_start3A_510 = tpu.memref_slice %arg10[%add3A_413, %dma_start3A_509] : memref<40x125xi32, #tpu.memory_space<vmem>> -> memref<1x125xi32, #tpu.memory_space<vmem>>
            %dma_start3A_511 = tpu.memref_squeeze %dma_start3A_510 : memref<1x125xi32, #tpu.memory_space<vmem>> -> memref<125xi32, #tpu.memory_space<vmem>>
            %dma_start3A_512 = arith.constant 0 : i32
            %dma_start3A_513 = arith.constant 0 : i32
            %dma_start3A_514 = tpu.memref_slice %arg23[%dma_start3A_512, %dma_start3A_513] : memref<10240x32xf32, #tpu.memory_space<vmem_shared>> -> memref<10240x32xf32, #tpu.memory_space<vmem_shared>>
            tpu.enqueue_indirect_dma source(%arg13 : memref<125x32xf32, #tpu.memory_space<vmem>>) target(%dma_start3A_514 : memref<10240x32xf32, #tpu.memory_space<vmem_shared>>) offsets(%dma_start3A_511 : memref<125xi32, #tpu.memory_space<vmem>>) semaphore(%run_scoped3A_508 : memref<!tpu.dma_semaphore, #tpu.memory_space<semaphore_mem>>) {add = true}
            %dma_wait3A_515 = arith.constant 0 : i32
            %dma_wait3A_516 = tpu.memref_slice %arg10[%add3A_413, %dma_wait3A_515] : memref<40x125xi32, #tpu.memory_space<vmem>> -> memref<1x125xi32, #tpu.memory_space<vmem>>
            %dma_wait3A_517 = tpu.memref_squeeze %dma_wait3A_516 : memref<1x125xi32, #tpu.memory_space<vmem>> -> memref<125xi32, #tpu.memory_space<vmem>>
            %dma_wait3A_518 = arith.constant 0 : i32
            %dma_wait3A_519 = arith.constant 0 : i32
            %dma_wait3A_520 = tpu.memref_slice %arg23[%dma_wait3A_518, %dma_wait3A_519] : memref<10240x32xf32, #tpu.memory_space<vmem_shared>> -> memref<10240x32xf32, #tpu.memory_space<vmem_shared>>
            tpu.wait_indirect_dma semaphore(%run_scoped3A_508 : memref<!tpu.dma_semaphore, #tpu.memory_space<semaphore_mem>>) src(%arg13 : memref<125x32xf32, #tpu.memory_space<vmem>>) dst(%dma_wait3A_520 : memref<10240x32xf32, #tpu.memory_space<vmem_shared>>)
            tpu.yield
          }) : () -> ()
          %add3A_420 = arith.constant 8 : i32
          %add3A_421 = arith.addi %add3A_413, %add3A_420 : i32
          %dma_start3A_422 = arith.constant 0 : i32
          %dma_start3A_423 = tpu.memref_slice %arg9[%add3A_421, %dma_start3A_422] : memref<40x125xi32, #tpu.memory_space<vmem>> -> memref<1x125xi32, #tpu.memory_space<vmem>>
          %dma_start3A_424 = tpu.memref_squeeze %dma_start3A_423 : memref<1x125xi32, #tpu.memory_space<vmem>> -> memref<125xi32, #tpu.memory_space<vmem>>
          %dma_start3A_425 = arith.constant 0 : i32
          %dma_start3A_426 = arith.constant 0 : i32
          %dma_start3A_427 = tpu.memref_slice %arg5[%dma_start3A_425, %dma_start3A_426] : memref<20480x32xf32, #tpu.memory_space<hbm>> -> memref<20480x32xf32, #tpu.memory_space<hbm>>
          tpu.enqueue_indirect_dma source(%dma_start3A_427 : memref<20480x32xf32, #tpu.memory_space<hbm>>) target(%arg13 : memref<125x32xf32, #tpu.memory_space<vmem>>) offsets(%dma_start3A_424 : memref<125xi32, #tpu.memory_space<vmem>>) semaphore(%arg26 : memref<!tpu.dma_semaphore, #tpu.memory_space<semaphore_mem>>)
          %add3A_428 = arith.constant 3 : i32
          %add3A_429 = arith.addi %mul3A_379, %add3A_428 : i32
          %dma_wait3A_430 = arith.constant 0 : i32
          %dma_wait3A_431 = tpu.memref_slice %arg9[%add3A_429, %dma_wait3A_430] : memref<40x125xi32, #tpu.memory_space<vmem>> -> memref<1x125xi32, #tpu.memory_space<vmem>>
          %dma_wait3A_432 = tpu.memref_squeeze %dma_wait3A_431 : memref<1x125xi32, #tpu.memory_space<vmem>> -> memref<125xi32, #tpu.memory_space<vmem>>
          %dma_wait3A_433 = arith.constant 0 : i32
          %dma_wait3A_434 = arith.constant 0 : i32
          %dma_wait3A_435 = tpu.memref_slice %arg5[%dma_wait3A_433, %dma_wait3A_434] : memref<20480x32xf32, #tpu.memory_space<hbm>> -> memref<20480x32xf32, #tpu.memory_space<hbm>>
          tpu.wait_indirect_dma semaphore(%arg27 : memref<!tpu.dma_semaphore, #tpu.memory_space<semaphore_mem>>) src(%dma_wait3A_435 : memref<20480x32xf32, #tpu.memory_space<hbm>>) dst(%arg14 : memref<125x32xf32, #tpu.memory_space<vmem>>)
          "tpu.region"() ({
            %run_scoped3A_508 = tpu.sem_alloc : memref<!tpu.dma_semaphore, #tpu.memory_space<semaphore_mem>>
            %dma_start3A_509 = arith.constant 0 : i32
            %dma_start3A_510 = tpu.memref_slice %arg10[%add3A_429, %dma_start3A_509] : memref<40x125xi32, #tpu.memory_space<vmem>> -> memref<1x125xi32, #tpu.memory_space<vmem>>
            %dma_start3A_511 = tpu.memref_squeeze %dma_start3A_510 : memref<1x125xi32, #tpu.memory_space<vmem>> -> memref<125xi32, #tpu.memory_space<vmem>>
            %dma_start3A_512 = arith.constant 0 : i32
            %dma_start3A_513 = arith.constant 0 : i32
            %dma_start3A_514 = tpu.memref_slice %arg23[%dma_start3A_512, %dma_start3A_513] : memref<10240x32xf32, #tpu.memory_space<vmem_shared>> -> memref<10240x32xf32, #tpu.memory_space<vmem_shared>>
            tpu.enqueue_indirect_dma source(%arg14 : memref<125x32xf32, #tpu.memory_space<vmem>>) target(%dma_start3A_514 : memref<10240x32xf32, #tpu.memory_space<vmem_shared>>) offsets(%dma_start3A_511 : memref<125xi32, #tpu.memory_space<vmem>>) semaphore(%run_scoped3A_508 : memref<!tpu.dma_semaphore, #tpu.memory_space<semaphore_mem>>) {add = true}
            %dma_wait3A_515 = arith.constant 0 : i32
            %dma_wait3A_516 = tpu.memref_slice %arg10[%add3A_429, %dma_wait3A_515] : memref<40x125xi32, #tpu.memory_space<vmem>> -> memref<1x125xi32, #tpu.memory_space<vmem>>
            %dma_wait3A_517 = tpu.memref_squeeze %dma_wait3A_516 : memref<1x125xi32, #tpu.memory_space<vmem>> -> memref<125xi32, #tpu.memory_space<vmem>>
            %dma_wait3A_518 = arith.constant 0 : i32
            %dma_wait3A_519 = arith.constant 0 : i32
            %dma_wait3A_520 = tpu.memref_slice %arg23[%dma_wait3A_518, %dma_wait3A_519] : memref<10240x32xf32, #tpu.memory_space<vmem_shared>> -> memref<10240x32xf32, #tpu.memory_space<vmem_shared>>
            tpu.wait_indirect_dma semaphore(%run_scoped3A_508 : memref<!tpu.dma_semaphore, #tpu.memory_space<semaphore_mem>>) src(%arg14 : memref<125x32xf32, #tpu.memory_space<vmem>>) dst(%dma_wait3A_520 : memref<10240x32xf32, #tpu.memory_space<vmem_shared>>)
            tpu.yield
          }) : () -> ()
          %add3A_436 = arith.constant 8 : i32
          %add3A_437 = arith.addi %add3A_429, %add3A_436 : i32
          %dma_start3A_438 = arith.constant 0 : i32
          %dma_start3A_439 = tpu.memref_slice %arg9[%add3A_437, %dma_start3A_438] : memref<40x125xi32, #tpu.memory_space<vmem>> -> memref<1x125xi32, #tpu.memory_space<vmem>>
          %dma_start3A_440 = tpu.memref_squeeze %dma_start3A_439 : memref<1x125xi32, #tpu.memory_space<vmem>> -> memref<125xi32, #tpu.memory_space<vmem>>
          %dma_start3A_441 = arith.constant 0 : i32
          %dma_start3A_442 = arith.constant 0 : i32
          %dma_start3A_443 = tpu.memref_slice %arg5[%dma_start3A_441, %dma_start3A_442] : memref<20480x32xf32, #tpu.memory_space<hbm>> -> memref<20480x32xf32, #tpu.memory_space<hbm>>
          tpu.enqueue_indirect_dma source(%dma_start3A_443 : memref<20480x32xf32, #tpu.memory_space<hbm>>) target(%arg14 : memref<125x32xf32, #tpu.memory_space<vmem>>) offsets(%dma_start3A_440 : memref<125xi32, #tpu.memory_space<vmem>>) semaphore(%arg27 : memref<!tpu.dma_semaphore, #tpu.memory_space<semaphore_mem>>)
          %add3A_444 = arith.constant 4 : i32
          %add3A_445 = arith.addi %mul3A_379, %add3A_444 : i32
          %dma_wait3A_446 = arith.constant 0 : i32
          %dma_wait3A_447 = tpu.memref_slice %arg9[%add3A_445, %dma_wait3A_446] : memref<40x125xi32, #tpu.memory_space<vmem>> -> memref<1x125xi32, #tpu.memory_space<vmem>>
          %dma_wait3A_448 = tpu.memref_squeeze %dma_wait3A_447 : memref<1x125xi32, #tpu.memory_space<vmem>> -> memref<125xi32, #tpu.memory_space<vmem>>
          %dma_wait3A_449 = arith.constant 0 : i32
          %dma_wait3A_450 = arith.constant 0 : i32
          %dma_wait3A_451 = tpu.memref_slice %arg5[%dma_wait3A_449, %dma_wait3A_450] : memref<20480x32xf32, #tpu.memory_space<hbm>> -> memref<20480x32xf32, #tpu.memory_space<hbm>>
          tpu.wait_indirect_dma semaphore(%arg28 : memref<!tpu.dma_semaphore, #tpu.memory_space<semaphore_mem>>) src(%dma_wait3A_451 : memref<20480x32xf32, #tpu.memory_space<hbm>>) dst(%arg15 : memref<125x32xf32, #tpu.memory_space<vmem>>)
          "tpu.region"() ({
            %run_scoped3A_508 = tpu.sem_alloc : memref<!tpu.dma_semaphore, #tpu.memory_space<semaphore_mem>>
            %dma_start3A_509 = arith.constant 0 : i32
            %dma_start3A_510 = tpu.memref_slice %arg10[%add3A_445, %dma_start3A_509] : memref<40x125xi32, #tpu.memory_space<vmem>> -> memref<1x125xi32, #tpu.memory_space<vmem>>
            %dma_start3A_511 = tpu.memref_squeeze %dma_start3A_510 : memref<1x125xi32, #tpu.memory_space<vmem>> -> memref<125xi32, #tpu.memory_space<vmem>>
            %dma_start3A_512 = arith.constant 0 : i32
            %dma_start3A_513 = arith.constant 0 : i32
            %dma_start3A_514 = tpu.memref_slice %arg23[%dma_start3A_512, %dma_start3A_513] : memref<10240x32xf32, #tpu.memory_space<vmem_shared>> -> memref<10240x32xf32, #tpu.memory_space<vmem_shared>>
            tpu.enqueue_indirect_dma source(%arg15 : memref<125x32xf32, #tpu.memory_space<vmem>>) target(%dma_start3A_514 : memref<10240x32xf32, #tpu.memory_space<vmem_shared>>) offsets(%dma_start3A_511 : memref<125xi32, #tpu.memory_space<vmem>>) semaphore(%run_scoped3A_508 : memref<!tpu.dma_semaphore, #tpu.memory_space<semaphore_mem>>) {add = true}
            %dma_wait3A_515 = arith.constant 0 : i32
            %dma_wait3A_516 = tpu.memref_slice %arg10[%add3A_445, %dma_wait3A_515] : memref<40x125xi32, #tpu.memory_space<vmem>> -> memref<1x125xi32, #tpu.memory_space<vmem>>
            %dma_wait3A_517 = tpu.memref_squeeze %dma_wait3A_516 : memref<1x125xi32, #tpu.memory_space<vmem>> -> memref<125xi32, #tpu.memory_space<vmem>>
            %dma_wait3A_518 = arith.constant 0 : i32
            %dma_wait3A_519 = arith.constant 0 : i32
            %dma_wait3A_520 = tpu.memref_slice %arg23[%dma_wait3A_518, %dma_wait3A_519] : memref<10240x32xf32, #tpu.memory_space<vmem_shared>> -> memref<10240x32xf32, #tpu.memory_space<vmem_shared>>
            tpu.wait_indirect_dma semaphore(%run_scoped3A_508 : memref<!tpu.dma_semaphore, #tpu.memory_space<semaphore_mem>>) src(%arg15 : memref<125x32xf32, #tpu.memory_space<vmem>>) dst(%dma_wait3A_520 : memref<10240x32xf32, #tpu.memory_space<vmem_shared>>)
            tpu.yield
          }) : () -> ()
          %add3A_452 = arith.constant 8 : i32
          %add3A_453 = arith.addi %add3A_445, %add3A_452 : i32
          %dma_start3A_454 = arith.constant 0 : i32
          %dma_start3A_455 = tpu.memref_slice %arg9[%add3A_453, %dma_start3A_454] : memref<40x125xi32, #tpu.memory_space<vmem>> -> memref<1x125xi32, #tpu.memory_space<vmem>>
          %dma_start3A_456 = tpu.memref_squeeze %dma_start3A_455 : memref<1x125xi32, #tpu.memory_space<vmem>> -> memref<125xi32, #tpu.memory_space<vmem>>
          %dma_start3A_457 = arith.constant 0 : i32
          %dma_start3A_458 = arith.constant 0 : i32
          %dma_start3A_459 = tpu.memref_slice %arg5[%dma_start3A_457, %dma_start3A_458] : memref<20480x32xf32, #tpu.memory_space<hbm>> -> memref<20480x32xf32, #tpu.memory_space<hbm>>
          tpu.enqueue_indirect_dma source(%dma_start3A_459 : memref<20480x32xf32, #tpu.memory_space<hbm>>) target(%arg15 : memref<125x32xf32, #tpu.memory_space<vmem>>) offsets(%dma_start3A_456 : memref<125xi32, #tpu.memory_space<vmem>>) semaphore(%arg28 : memref<!tpu.dma_semaphore, #tpu.memory_space<semaphore_mem>>)
          %add3A_460 = arith.constant 5 : i32
          %add3A_461 = arith.addi %mul3A_379, %add3A_460 : i32
          %dma_wait3A_462 = arith.constant 0 : i32
          %dma_wait3A_463 = tpu.memref_slice %arg9[%add3A_461, %dma_wait3A_462] : memref<40x125xi32, #tpu.memory_space<vmem>> -> memref<1x125xi32, #tpu.memory_space<vmem>>
          %dma_wait3A_464 = tpu.memref_squeeze %dma_wait3A_463 : memref<1x125xi32, #tpu.memory_space<vmem>> -> memref<125xi32, #tpu.memory_space<vmem>>
          %dma_wait3A_465 = arith.constant 0 : i32
          %dma_wait3A_466 = arith.constant 0 : i32
          %dma_wait3A_467 = tpu.memref_slice %arg5[%dma_wait3A_465, %dma_wait3A_466] : memref<20480x32xf32, #tpu.memory_space<hbm>> -> memref<20480x32xf32, #tpu.memory_space<hbm>>
          tpu.wait_indirect_dma semaphore(%arg29 : memref<!tpu.dma_semaphore, #tpu.memory_space<semaphore_mem>>) src(%dma_wait3A_467 : memref<20480x32xf32, #tpu.memory_space<hbm>>) dst(%arg16 : memref<125x32xf32, #tpu.memory_space<vmem>>)
          "tpu.region"() ({
            %run_scoped3A_508 = tpu.sem_alloc : memref<!tpu.dma_semaphore, #tpu.memory_space<semaphore_mem>>
            %dma_start3A_509 = arith.constant 0 : i32
            %dma_start3A_510 = tpu.memref_slice %arg10[%add3A_461, %dma_start3A_509] : memref<40x125xi32, #tpu.memory_space<vmem>> -> memref<1x125xi32, #tpu.memory_space<vmem>>
            %dma_start3A_511 = tpu.memref_squeeze %dma_start3A_510 : memref<1x125xi32, #tpu.memory_space<vmem>> -> memref<125xi32, #tpu.memory_space<vmem>>
            %dma_start3A_512 = arith.constant 0 : i32
            %dma_start3A_513 = arith.constant 0 : i32
            %dma_start3A_514 = tpu.memref_slice %arg23[%dma_start3A_512, %dma_start3A_513] : memref<10240x32xf32, #tpu.memory_space<vmem_shared>> -> memref<10240x32xf32, #tpu.memory_space<vmem_shared>>
            tpu.enqueue_indirect_dma source(%arg16 : memref<125x32xf32, #tpu.memory_space<vmem>>) target(%dma_start3A_514 : memref<10240x32xf32, #tpu.memory_space<vmem_shared>>) offsets(%dma_start3A_511 : memref<125xi32, #tpu.memory_space<vmem>>) semaphore(%run_scoped3A_508 : memref<!tpu.dma_semaphore, #tpu.memory_space<semaphore_mem>>) {add = true}
            %dma_wait3A_515 = arith.constant 0 : i32
            %dma_wait3A_516 = tpu.memref_slice %arg10[%add3A_461, %dma_wait3A_515] : memref<40x125xi32, #tpu.memory_space<vmem>> -> memref<1x125xi32, #tpu.memory_space<vmem>>
            %dma_wait3A_517 = tpu.memref_squeeze %dma_wait3A_516 : memref<1x125xi32, #tpu.memory_space<vmem>> -> memref<125xi32, #tpu.memory_space<vmem>>
            %dma_wait3A_518 = arith.constant 0 : i32
            %dma_wait3A_519 = arith.constant 0 : i32
            %dma_wait3A_520 = tpu.memref_slice %arg23[%dma_wait3A_518, %dma_wait3A_519] : memref<10240x32xf32, #tpu.memory_space<vmem_shared>> -> memref<10240x32xf32, #tpu.memory_space<vmem_shared>>
            tpu.wait_indirect_dma semaphore(%run_scoped3A_508 : memref<!tpu.dma_semaphore, #tpu.memory_space<semaphore_mem>>) src(%arg16 : memref<125x32xf32, #tpu.memory_space<vmem>>) dst(%dma_wait3A_520 : memref<10240x32xf32, #tpu.memory_space<vmem_shared>>)
            tpu.yield
          }) : () -> ()
          %add3A_468 = arith.constant 8 : i32
          %add3A_469 = arith.addi %add3A_461, %add3A_468 : i32
          %dma_start3A_470 = arith.constant 0 : i32
          %dma_start3A_471 = tpu.memref_slice %arg9[%add3A_469, %dma_start3A_470] : memref<40x125xi32, #tpu.memory_space<vmem>> -> memref<1x125xi32, #tpu.memory_space<vmem>>
          %dma_start3A_472 = tpu.memref_squeeze %dma_start3A_471 : memref<1x125xi32, #tpu.memory_space<vmem>> -> memref<125xi32, #tpu.memory_space<vmem>>
          %dma_start3A_473 = arith.constant 0 : i32
          %dma_start3A_474 = arith.constant 0 : i32
          %dma_start3A_475 = tpu.memref_slice %arg5[%dma_start3A_473, %dma_start3A_474] : memref<20480x32xf32, #tpu.memory_space<hbm>> -> memref<20480x32xf32, #tpu.memory_space<hbm>>
          tpu.enqueue_indirect_dma source(%dma_start3A_475 : memref<20480x32xf32, #tpu.memory_space<hbm>>) target(%arg16 : memref<125x32xf32, #tpu.memory_space<vmem>>) offsets(%dma_start3A_472 : memref<125xi32, #tpu.memory_space<vmem>>) semaphore(%arg29 : memref<!tpu.dma_semaphore, #tpu.memory_space<semaphore_mem>>)
          %add3A_476 = arith.constant 6 : i32
          %add3A_477 = arith.addi %mul3A_379, %add3A_476 : i32
          %dma_wait3A_478 = arith.constant 0 : i32
          %dma_wait3A_479 = tpu.memref_slice %arg9[%add3A_477, %dma_wait3A_478] : memref<40x125xi32, #tpu.memory_space<vmem>> -> memref<1x125xi32, #tpu.memory_space<vmem>>
          %dma_wait3A_480 = tpu.memref_squeeze %dma_wait3A_479 : memref<1x125xi32, #tpu.memory_space<vmem>> -> memref<125xi32, #tpu.memory_space<vmem>>
          %dma_wait3A_481 = arith.constant 0 : i32
          %dma_wait3A_482 = arith.constant 0 : i32
          %dma_wait3A_483 = tpu.memref_slice %arg5[%dma_wait3A_481, %dma_wait3A_482] : memref<20480x32xf32, #tpu.memory_space<hbm>> -> memref<20480x32xf32, #tpu.memory_space<hbm>>
          tpu.wait_indirect_dma semaphore(%arg30 : memref<!tpu.dma_semaphore, #tpu.memory_space<semaphore_mem>>) src(%dma_wait3A_483 : memref<20480x32xf32, #tpu.memory_space<hbm>>) dst(%arg17 : memref<125x32xf32, #tpu.memory_space<vmem>>)
          "tpu.region"() ({
            %run_scoped3A_508 = tpu.sem_alloc : memref<!tpu.dma_semaphore, #tpu.memory_space<semaphore_mem>>
            %dma_start3A_509 = arith.constant 0 : i32
            %dma_start3A_510 = tpu.memref_slice %arg10[%add3A_477, %dma_start3A_509] : memref<40x125xi32, #tpu.memory_space<vmem>> -> memref<1x125xi32, #tpu.memory_space<vmem>>
            %dma_start3A_511 = tpu.memref_squeeze %dma_start3A_510 : memref<1x125xi32, #tpu.memory_space<vmem>> -> memref<125xi32, #tpu.memory_space<vmem>>
            %dma_start3A_512 = arith.constant 0 : i32
            %dma_start3A_513 = arith.constant 0 : i32
            %dma_start3A_514 = tpu.memref_slice %arg23[%dma_start3A_512, %dma_start3A_513] : memref<10240x32xf32, #tpu.memory_space<vmem_shared>> -> memref<10240x32xf32, #tpu.memory_space<vmem_shared>>
            tpu.enqueue_indirect_dma source(%arg17 : memref<125x32xf32, #tpu.memory_space<vmem>>) target(%dma_start3A_514 : memref<10240x32xf32, #tpu.memory_space<vmem_shared>>) offsets(%dma_start3A_511 : memref<125xi32, #tpu.memory_space<vmem>>) semaphore(%run_scoped3A_508 : memref<!tpu.dma_semaphore, #tpu.memory_space<semaphore_mem>>) {add = true}
            %dma_wait3A_515 = arith.constant 0 : i32
            %dma_wait3A_516 = tpu.memref_slice %arg10[%add3A_477, %dma_wait3A_515] : memref<40x125xi32, #tpu.memory_space<vmem>> -> memref<1x125xi32, #tpu.memory_space<vmem>>
            %dma_wait3A_517 = tpu.memref_squeeze %dma_wait3A_516 : memref<1x125xi32, #tpu.memory_space<vmem>> -> memref<125xi32, #tpu.memory_space<vmem>>
            %dma_wait3A_518 = arith.constant 0 : i32
            %dma_wait3A_519 = arith.constant 0 : i32
            %dma_wait3A_520 = tpu.memref_slice %arg23[%dma_wait3A_518, %dma_wait3A_519] : memref<10240x32xf32, #tpu.memory_space<vmem_shared>> -> memref<10240x32xf32, #tpu.memory_space<vmem_shared>>
            tpu.wait_indirect_dma semaphore(%run_scoped3A_508 : memref<!tpu.dma_semaphore, #tpu.memory_space<semaphore_mem>>) src(%arg17 : memref<125x32xf32, #tpu.memory_space<vmem>>) dst(%dma_wait3A_520 : memref<10240x32xf32, #tpu.memory_space<vmem_shared>>)
            tpu.yield
          }) : () -> ()
          %add3A_484 = arith.constant 8 : i32
          %add3A_485 = arith.addi %add3A_477, %add3A_484 : i32
          %dma_start3A_486 = arith.constant 0 : i32
          %dma_start3A_487 = tpu.memref_slice %arg9[%add3A_485, %dma_start3A_486] : memref<40x125xi32, #tpu.memory_space<vmem>> -> memref<1x125xi32, #tpu.memory_space<vmem>>
          %dma_start3A_488 = tpu.memref_squeeze %dma_start3A_487 : memref<1x125xi32, #tpu.memory_space<vmem>> -> memref<125xi32, #tpu.memory_space<vmem>>
          %dma_start3A_489 = arith.constant 0 : i32
          %dma_start3A_490 = arith.constant 0 : i32
          %dma_start3A_491 = tpu.memref_slice %arg5[%dma_start3A_489, %dma_start3A_490] : memref<20480x32xf32, #tpu.memory_space<hbm>> -> memref<20480x32xf32, #tpu.memory_space<hbm>>
          tpu.enqueue_indirect_dma source(%dma_start3A_491 : memref<20480x32xf32, #tpu.memory_space<hbm>>) target(%arg17 : memref<125x32xf32, #tpu.memory_space<vmem>>) offsets(%dma_start3A_488 : memref<125xi32, #tpu.memory_space<vmem>>) semaphore(%arg30 : memref<!tpu.dma_semaphore, #tpu.memory_space<semaphore_mem>>)
          %add3A_492 = arith.constant 7 : i32
          %add3A_493 = arith.addi %mul3A_379, %add3A_492 : i32
          %dma_wait3A_494 = arith.constant 0 : i32
          %dma_wait3A_495 = tpu.memref_slice %arg9[%add3A_493, %dma_wait3A_494] : memref<40x125xi32, #tpu.memory_space<vmem>> -> memref<1x125xi32, #tpu.memory_space<vmem>>
          %dma_wait3A_496 = tpu.memref_squeeze %dma_wait3A_495 : memref<1x125xi32, #tpu.memory_space<vmem>> -> memref<125xi32, #tpu.memory_space<vmem>>
          %dma_wait3A_497 = arith.constant 0 : i32
          %dma_wait3A_498 = arith.constant 0 : i32
          %dma_wait3A_499 = tpu.memref_slice %arg5[%dma_wait3A_497, %dma_wait3A_498] : memref<20480x32xf32, #tpu.memory_space<hbm>> -> memref<20480x32xf32, #tpu.memory_space<hbm>>
          tpu.wait_indirect_dma semaphore(%arg31 : memref<!tpu.dma_semaphore, #tpu.memory_space<semaphore_mem>>) src(%dma_wait3A_499 : memref<20480x32xf32, #tpu.memory_space<hbm>>) dst(%arg18 : memref<125x32xf32, #tpu.memory_space<vmem>>)
          "tpu.region"() ({
            %run_scoped3A_508 = tpu.sem_alloc : memref<!tpu.dma_semaphore, #tpu.memory_space<semaphore_mem>>
            %dma_start3A_509 = arith.constant 0 : i32
            %dma_start3A_510 = tpu.memref_slice %arg10[%add3A_493, %dma_start3A_509] : memref<40x125xi32, #tpu.memory_space<vmem>> -> memref<1x125xi32, #tpu.memory_space<vmem>>
            %dma_start3A_511 = tpu.memref_squeeze %dma_start3A_510 : memref<1x125xi32, #tpu.memory_space<vmem>> -> memref<125xi32, #tpu.memory_space<vmem>>
            %dma_start3A_512 = arith.constant 0 : i32
            %dma_start3A_513 = arith.constant 0 : i32
            %dma_start3A_514 = tpu.memref_slice %arg23[%dma_start3A_512, %dma_start3A_513] : memref<10240x32xf32, #tpu.memory_space<vmem_shared>> -> memref<10240x32xf32, #tpu.memory_space<vmem_shared>>
            tpu.enqueue_indirect_dma source(%arg18 : memref<125x32xf32, #tpu.memory_space<vmem>>) target(%dma_start3A_514 : memref<10240x32xf32, #tpu.memory_space<vmem_shared>>) offsets(%dma_start3A_511 : memref<125xi32, #tpu.memory_space<vmem>>) semaphore(%run_scoped3A_508 : memref<!tpu.dma_semaphore, #tpu.memory_space<semaphore_mem>>) {add = true}
            %dma_wait3A_515 = arith.constant 0 : i32
            %dma_wait3A_516 = tpu.memref_slice %arg10[%add3A_493, %dma_wait3A_515] : memref<40x125xi32, #tpu.memory_space<vmem>> -> memref<1x125xi32, #tpu.memory_space<vmem>>
            %dma_wait3A_517 = tpu.memref_squeeze %dma_wait3A_516 : memref<1x125xi32, #tpu.memory_space<vmem>> -> memref<125xi32, #tpu.memory_space<vmem>>
            %dma_wait3A_518 = arith.constant 0 : i32
            %dma_wait3A_519 = arith.constant 0 : i32
            %dma_wait3A_520 = tpu.memref_slice %arg23[%dma_wait3A_518, %dma_wait3A_519] : memref<10240x32xf32, #tpu.memory_space<vmem_shared>> -> memref<10240x32xf32, #tpu.memory_space<vmem_shared>>
            tpu.wait_indirect_dma semaphore(%run_scoped3A_508 : memref<!tpu.dma_semaphore, #tpu.memory_space<semaphore_mem>>) src(%arg18 : memref<125x32xf32, #tpu.memory_space<vmem>>) dst(%dma_wait3A_520 : memref<10240x32xf32, #tpu.memory_space<vmem_shared>>)
            tpu.yield
          }) : () -> ()
          %add3A_500 = arith.constant 8 : i32
          %add3A_501 = arith.addi %add3A_493, %add3A_500 : i32
          %dma_start3A_502 = arith.constant 0 : i32
          %dma_start3A_503 = tpu.memref_slice %arg9[%add3A_501, %dma_start3A_502] : memref<40x125xi32, #tpu.memory_space<vmem>> -> memref<1x125xi32, #tpu.memory_space<vmem>>
          %dma_start3A_504 = tpu.memref_squeeze %dma_start3A_503 : memref<1x125xi32, #tpu.memory_space<vmem>> -> memref<125xi32, #tpu.memory_space<vmem>>
          %dma_start3A_505 = arith.constant 0 : i32
          %dma_start3A_506 = arith.constant 0 : i32
          %dma_start3A_507 = tpu.memref_slice %arg5[%dma_start3A_505, %dma_start3A_506] : memref<20480x32xf32, #tpu.memory_space<hbm>> -> memref<20480x32xf32, #tpu.memory_space<hbm>>
          tpu.enqueue_indirect_dma source(%dma_start3A_507 : memref<20480x32xf32, #tpu.memory_space<hbm>>) target(%arg18 : memref<125x32xf32, #tpu.memory_space<vmem>>) offsets(%dma_start3A_504 : memref<125xi32, #tpu.memory_space<vmem>>) semaphore(%arg31 : memref<!tpu.dma_semaphore, #tpu.memory_space<semaphore_mem>>)
        }
        %scan3A_296 = arith.constant 4 : i32
        %dma_wait3A_297 = arith.constant 32 : i32
        %dma_wait3A_298 = arith.constant 0 : i32
        %dma_wait3A_299 = tpu.memref_slice %arg9[%dma_wait3A_297, %dma_wait3A_298] : memref<40x125xi32, #tpu.memory_space<vmem>> -> memref<1x125xi32, #tpu.memory_space<vmem>>
        %dma_wait3A_300 = tpu.memref_squeeze %dma_wait3A_299 : memref<1x125xi32, #tpu.memory_space<vmem>> -> memref<125xi32, #tpu.memory_space<vmem>>
        %dma_wait3A_301 = arith.constant 0 : i32
        %dma_wait3A_302 = arith.constant 0 : i32
        %dma_wait3A_303 = tpu.memref_slice %arg5[%dma_wait3A_301, %dma_wait3A_302] : memref<20480x32xf32, #tpu.memory_space<hbm>> -> memref<20480x32xf32, #tpu.memory_space<hbm>>
        tpu.wait_indirect_dma semaphore(%arg24 : memref<!tpu.dma_semaphore, #tpu.memory_space<semaphore_mem>>) src(%dma_wait3A_303 : memref<20480x32xf32, #tpu.memory_space<hbm>>) dst(%arg11 : memref<125x32xf32, #tpu.memory_space<vmem>>)
        %run_scoped3A_304 = arith.constant 32 : i32
        "tpu.region"() ({
          %run_scoped3A_377 = tpu.sem_alloc : memref<!tpu.dma_semaphore, #tpu.memory_space<semaphore_mem>>
          %dma_start3A_378 = arith.constant 0 : i32
          %dma_start3A_379 = tpu.memref_slice %arg10[%run_scoped3A_304, %dma_start3A_378] : memref<40x125xi32, #tpu.memory_space<vmem>> -> memref<1x125xi32, #tpu.memory_space<vmem>>
          %dma_start3A_380 = tpu.memref_squeeze %dma_start3A_379 : memref<1x125xi32, #tpu.memory_space<vmem>> -> memref<125xi32, #tpu.memory_space<vmem>>
          %dma_start3A_381 = arith.constant 0 : i32
          %dma_start3A_382 = arith.constant 0 : i32
          %dma_start3A_383 = tpu.memref_slice %arg23[%dma_start3A_381, %dma_start3A_382] : memref<10240x32xf32, #tpu.memory_space<vmem_shared>> -> memref<10240x32xf32, #tpu.memory_space<vmem_shared>>
          tpu.enqueue_indirect_dma source(%arg11 : memref<125x32xf32, #tpu.memory_space<vmem>>) target(%dma_start3A_383 : memref<10240x32xf32, #tpu.memory_space<vmem_shared>>) offsets(%dma_start3A_380 : memref<125xi32, #tpu.memory_space<vmem>>) semaphore(%run_scoped3A_377 : memref<!tpu.dma_semaphore, #tpu.memory_space<semaphore_mem>>) {add = true}
          %dma_wait3A_384 = arith.constant 0 : i32
          %dma_wait3A_385 = tpu.memref_slice %arg10[%run_scoped3A_304, %dma_wait3A_384] : memref<40x125xi32, #tpu.memory_space<vmem>> -> memref<1x125xi32, #tpu.memory_space<vmem>>
          %dma_wait3A_386 = tpu.memref_squeeze %dma_wait3A_385 : memref<1x125xi32, #tpu.memory_space<vmem>> -> memref<125xi32, #tpu.memory_space<vmem>>
          %dma_wait3A_387 = arith.constant 0 : i32
          %dma_wait3A_388 = arith.constant 0 : i32
          %dma_wait3A_389 = tpu.memref_slice %arg23[%dma_wait3A_387, %dma_wait3A_388] : memref<10240x32xf32, #tpu.memory_space<vmem_shared>> -> memref<10240x32xf32, #tpu.memory_space<vmem_shared>>
          tpu.wait_indirect_dma semaphore(%run_scoped3A_377 : memref<!tpu.dma_semaphore, #tpu.memory_space<semaphore_mem>>) src(%arg11 : memref<125x32xf32, #tpu.memory_space<vmem>>) dst(%dma_wait3A_389 : memref<10240x32xf32, #tpu.memory_space<vmem_shared>>)
          tpu.yield
        }) : () -> ()
        %dma_wait3A_305 = arith.constant 33 : i32
        %dma_wait3A_306 = arith.constant 0 : i32
        %dma_wait3A_307 = tpu.memref_slice %arg9[%dma_wait3A_305, %dma_wait3A_306] : memref<40x125xi32, #tpu.memory_space<vmem>> -> memref<1x125xi32, #tpu.memory_space<vmem>>
        %dma_wait3A_308 = tpu.memref_squeeze %dma_wait3A_307 : memref<1x125xi32, #tpu.memory_space<vmem>> -> memref<125xi32, #tpu.memory_space<vmem>>
        %dma_wait3A_309 = arith.constant 0 : i32
        %dma_wait3A_310 = arith.constant 0 : i32
        %dma_wait3A_311 = tpu.memref_slice %arg5[%dma_wait3A_309, %dma_wait3A_310] : memref<20480x32xf32, #tpu.memory_space<hbm>> -> memref<20480x32xf32, #tpu.memory_space<hbm>>
        tpu.wait_indirect_dma semaphore(%arg25 : memref<!tpu.dma_semaphore, #tpu.memory_space<semaphore_mem>>) src(%dma_wait3A_311 : memref<20480x32xf32, #tpu.memory_space<hbm>>) dst(%arg12 : memref<125x32xf32, #tpu.memory_space<vmem>>)
        %run_scoped3A_312 = arith.constant 33 : i32
        "tpu.region"() ({
          %run_scoped3A_377 = tpu.sem_alloc : memref<!tpu.dma_semaphore, #tpu.memory_space<semaphore_mem>>
          %dma_start3A_378 = arith.constant 0 : i32
          %dma_start3A_379 = tpu.memref_slice %arg10[%run_scoped3A_312, %dma_start3A_378] : memref<40x125xi32, #tpu.memory_space<vmem>> -> memref<1x125xi32, #tpu.memory_space<vmem>>
          %dma_start3A_380 = tpu.memref_squeeze %dma_start3A_379 : memref<1x125xi32, #tpu.memory_space<vmem>> -> memref<125xi32, #tpu.memory_space<vmem>>
          %dma_start3A_381 = arith.constant 0 : i32
          %dma_start3A_382 = arith.constant 0 : i32
          %dma_start3A_383 = tpu.memref_slice %arg23[%dma_start3A_381, %dma_start3A_382] : memref<10240x32xf32, #tpu.memory_space<vmem_shared>> -> memref<10240x32xf32, #tpu.memory_space<vmem_shared>>
          tpu.enqueue_indirect_dma source(%arg12 : memref<125x32xf32, #tpu.memory_space<vmem>>) target(%dma_start3A_383 : memref<10240x32xf32, #tpu.memory_space<vmem_shared>>) offsets(%dma_start3A_380 : memref<125xi32, #tpu.memory_space<vmem>>) semaphore(%run_scoped3A_377 : memref<!tpu.dma_semaphore, #tpu.memory_space<semaphore_mem>>) {add = true}
          %dma_wait3A_384 = arith.constant 0 : i32
          %dma_wait3A_385 = tpu.memref_slice %arg10[%run_scoped3A_312, %dma_wait3A_384] : memref<40x125xi32, #tpu.memory_space<vmem>> -> memref<1x125xi32, #tpu.memory_space<vmem>>
          %dma_wait3A_386 = tpu.memref_squeeze %dma_wait3A_385 : memref<1x125xi32, #tpu.memory_space<vmem>> -> memref<125xi32, #tpu.memory_space<vmem>>
          %dma_wait3A_387 = arith.constant 0 : i32
          %dma_wait3A_388 = arith.constant 0 : i32
          %dma_wait3A_389 = tpu.memref_slice %arg23[%dma_wait3A_387, %dma_wait3A_388] : memref<10240x32xf32, #tpu.memory_space<vmem_shared>> -> memref<10240x32xf32, #tpu.memory_space<vmem_shared>>
          tpu.wait_indirect_dma semaphore(%run_scoped3A_377 : memref<!tpu.dma_semaphore, #tpu.memory_space<semaphore_mem>>) src(%arg12 : memref<125x32xf32, #tpu.memory_space<vmem>>) dst(%dma_wait3A_389 : memref<10240x32xf32, #tpu.memory_space<vmem_shared>>)
          tpu.yield
        }) : () -> ()
        %dma_wait3A_313 = arith.constant 34 : i32
        %dma_wait3A_314 = arith.constant 0 : i32
        %dma_wait3A_315 = tpu.memref_slice %arg9[%dma_wait3A_313, %dma_wait3A_314] : memref<40x125xi32, #tpu.memory_space<vmem>> -> memref<1x125xi32, #tpu.memory_space<vmem>>
        %dma_wait3A_316 = tpu.memref_squeeze %dma_wait3A_315 : memref<1x125xi32, #tpu.memory_space<vmem>> -> memref<125xi32, #tpu.memory_space<vmem>>
        %dma_wait3A_317 = arith.constant 0 : i32
        %dma_wait3A_318 = arith.constant 0 : i32
        %dma_wait3A_319 = tpu.memref_slice %arg5[%dma_wait3A_317, %dma_wait3A_318] : memref<20480x32xf32, #tpu.memory_space<hbm>> -> memref<20480x32xf32, #tpu.memory_space<hbm>>
        tpu.wait_indirect_dma semaphore(%arg26 : memref<!tpu.dma_semaphore, #tpu.memory_space<semaphore_mem>>) src(%dma_wait3A_319 : memref<20480x32xf32, #tpu.memory_space<hbm>>) dst(%arg13 : memref<125x32xf32, #tpu.memory_space<vmem>>)
        %run_scoped3A_320 = arith.constant 34 : i32
        "tpu.region"() ({
          %run_scoped3A_377 = tpu.sem_alloc : memref<!tpu.dma_semaphore, #tpu.memory_space<semaphore_mem>>
          %dma_start3A_378 = arith.constant 0 : i32
          %dma_start3A_379 = tpu.memref_slice %arg10[%run_scoped3A_320, %dma_start3A_378] : memref<40x125xi32, #tpu.memory_space<vmem>> -> memref<1x125xi32, #tpu.memory_space<vmem>>
          %dma_start3A_380 = tpu.memref_squeeze %dma_start3A_379 : memref<1x125xi32, #tpu.memory_space<vmem>> -> memref<125xi32, #tpu.memory_space<vmem>>
          %dma_start3A_381 = arith.constant 0 : i32
          %dma_start3A_382 = arith.constant 0 : i32
          %dma_start3A_383 = tpu.memref_slice %arg23[%dma_start3A_381, %dma_start3A_382] : memref<10240x32xf32, #tpu.memory_space<vmem_shared>> -> memref<10240x32xf32, #tpu.memory_space<vmem_shared>>
          tpu.enqueue_indirect_dma source(%arg13 : memref<125x32xf32, #tpu.memory_space<vmem>>) target(%dma_start3A_383 : memref<10240x32xf32, #tpu.memory_space<vmem_shared>>) offsets(%dma_start3A_380 : memref<125xi32, #tpu.memory_space<vmem>>) semaphore(%run_scoped3A_377 : memref<!tpu.dma_semaphore, #tpu.memory_space<semaphore_mem>>) {add = true}
          %dma_wait3A_384 = arith.constant 0 : i32
          %dma_wait3A_385 = tpu.memref_slice %arg10[%run_scoped3A_320, %dma_wait3A_384] : memref<40x125xi32, #tpu.memory_space<vmem>> -> memref<1x125xi32, #tpu.memory_space<vmem>>
          %dma_wait3A_386 = tpu.memref_squeeze %dma_wait3A_385 : memref<1x125xi32, #tpu.memory_space<vmem>> -> memref<125xi32, #tpu.memory_space<vmem>>
          %dma_wait3A_387 = arith.constant 0 : i32
          %dma_wait3A_388 = arith.constant 0 : i32
          %dma_wait3A_389 = tpu.memref_slice %arg23[%dma_wait3A_387, %dma_wait3A_388] : memref<10240x32xf32, #tpu.memory_space<vmem_shared>> -> memref<10240x32xf32, #tpu.memory_space<vmem_shared>>
          tpu.wait_indirect_dma semaphore(%run_scoped3A_377 : memref<!tpu.dma_semaphore, #tpu.memory_space<semaphore_mem>>) src(%arg13 : memref<125x32xf32, #tpu.memory_space<vmem>>) dst(%dma_wait3A_389 : memref<10240x32xf32, #tpu.memory_space<vmem_shared>>)
          tpu.yield
        }) : () -> ()
        %dma_wait3A_321 = arith.constant 35 : i32
        %dma_wait3A_322 = arith.constant 0 : i32
        %dma_wait3A_323 = tpu.memref_slice %arg9[%dma_wait3A_321, %dma_wait3A_322] : memref<40x125xi32, #tpu.memory_space<vmem>> -> memref<1x125xi32, #tpu.memory_space<vmem>>
        %dma_wait3A_324 = tpu.memref_squeeze %dma_wait3A_323 : memref<1x125xi32, #tpu.memory_space<vmem>> -> memref<125xi32, #tpu.memory_space<vmem>>
        %dma_wait3A_325 = arith.constant 0 : i32
        %dma_wait3A_326 = arith.constant 0 : i32
        %dma_wait3A_327 = tpu.memref_slice %arg5[%dma_wait3A_325, %dma_wait3A_326] : memref<20480x32xf32, #tpu.memory_space<hbm>> -> memref<20480x32xf32, #tpu.memory_space<hbm>>
        tpu.wait_indirect_dma semaphore(%arg27 : memref<!tpu.dma_semaphore, #tpu.memory_space<semaphore_mem>>) src(%dma_wait3A_327 : memref<20480x32xf32, #tpu.memory_space<hbm>>) dst(%arg14 : memref<125x32xf32, #tpu.memory_space<vmem>>)
        %run_scoped3A_328 = arith.constant 35 : i32
        "tpu.region"() ({
          %run_scoped3A_377 = tpu.sem_alloc : memref<!tpu.dma_semaphore, #tpu.memory_space<semaphore_mem>>
          %dma_start3A_378 = arith.constant 0 : i32
          %dma_start3A_379 = tpu.memref_slice %arg10[%run_scoped3A_328, %dma_start3A_378] : memref<40x125xi32, #tpu.memory_space<vmem>> -> memref<1x125xi32, #tpu.memory_space<vmem>>
          %dma_start3A_380 = tpu.memref_squeeze %dma_start3A_379 : memref<1x125xi32, #tpu.memory_space<vmem>> -> memref<125xi32, #tpu.memory_space<vmem>>
          %dma_start3A_381 = arith.constant 0 : i32
          %dma_start3A_382 = arith.constant 0 : i32
          %dma_start3A_383 = tpu.memref_slice %arg23[%dma_start3A_381, %dma_start3A_382] : memref<10240x32xf32, #tpu.memory_space<vmem_shared>> -> memref<10240x32xf32, #tpu.memory_space<vmem_shared>>
          tpu.enqueue_indirect_dma source(%arg14 : memref<125x32xf32, #tpu.memory_space<vmem>>) target(%dma_start3A_383 : memref<10240x32xf32, #tpu.memory_space<vmem_shared>>) offsets(%dma_start3A_380 : memref<125xi32, #tpu.memory_space<vmem>>) semaphore(%run_scoped3A_377 : memref<!tpu.dma_semaphore, #tpu.memory_space<semaphore_mem>>) {add = true}
          %dma_wait3A_384 = arith.constant 0 : i32
          %dma_wait3A_385 = tpu.memref_slice %arg10[%run_scoped3A_328, %dma_wait3A_384] : memref<40x125xi32, #tpu.memory_space<vmem>> -> memref<1x125xi32, #tpu.memory_space<vmem>>
          %dma_wait3A_386 = tpu.memref_squeeze %dma_wait3A_385 : memref<1x125xi32, #tpu.memory_space<vmem>> -> memref<125xi32, #tpu.memory_space<vmem>>
          %dma_wait3A_387 = arith.constant 0 : i32
          %dma_wait3A_388 = arith.constant 0 : i32
          %dma_wait3A_389 = tpu.memref_slice %arg23[%dma_wait3A_387, %dma_wait3A_388] : memref<10240x32xf32, #tpu.memory_space<vmem_shared>> -> memref<10240x32xf32, #tpu.memory_space<vmem_shared>>
          tpu.wait_indirect_dma semaphore(%run_scoped3A_377 : memref<!tpu.dma_semaphore, #tpu.memory_space<semaphore_mem>>) src(%arg14 : memref<125x32xf32, #tpu.memory_space<vmem>>) dst(%dma_wait3A_389 : memref<10240x32xf32, #tpu.memory_space<vmem_shared>>)
          tpu.yield
        }) : () -> ()
        %dma_wait3A_329 = arith.constant 36 : i32
        %dma_wait3A_330 = arith.constant 0 : i32
        %dma_wait3A_331 = tpu.memref_slice %arg9[%dma_wait3A_329, %dma_wait3A_330] : memref<40x125xi32, #tpu.memory_space<vmem>> -> memref<1x125xi32, #tpu.memory_space<vmem>>
        %dma_wait3A_332 = tpu.memref_squeeze %dma_wait3A_331 : memref<1x125xi32, #tpu.memory_space<vmem>> -> memref<125xi32, #tpu.memory_space<vmem>>
        %dma_wait3A_333 = arith.constant 0 : i32
        %dma_wait3A_334 = arith.constant 0 : i32
        %dma_wait3A_335 = tpu.memref_slice %arg5[%dma_wait3A_333, %dma_wait3A_334] : memref<20480x32xf32, #tpu.memory_space<hbm>> -> memref<20480x32xf32, #tpu.memory_space<hbm>>
        tpu.wait_indirect_dma semaphore(%arg28 : memref<!tpu.dma_semaphore, #tpu.memory_space<semaphore_mem>>) src(%dma_wait3A_335 : memref<20480x32xf32, #tpu.memory_space<hbm>>) dst(%arg15 : memref<125x32xf32, #tpu.memory_space<vmem>>)
        %run_scoped3A_336 = arith.constant 36 : i32
        "tpu.region"() ({
          %run_scoped3A_377 = tpu.sem_alloc : memref<!tpu.dma_semaphore, #tpu.memory_space<semaphore_mem>>
          %dma_start3A_378 = arith.constant 0 : i32
          %dma_start3A_379 = tpu.memref_slice %arg10[%run_scoped3A_336, %dma_start3A_378] : memref<40x125xi32, #tpu.memory_space<vmem>> -> memref<1x125xi32, #tpu.memory_space<vmem>>
          %dma_start3A_380 = tpu.memref_squeeze %dma_start3A_379 : memref<1x125xi32, #tpu.memory_space<vmem>> -> memref<125xi32, #tpu.memory_space<vmem>>
          %dma_start3A_381 = arith.constant 0 : i32
          %dma_start3A_382 = arith.constant 0 : i32
          %dma_start3A_383 = tpu.memref_slice %arg23[%dma_start3A_381, %dma_start3A_382] : memref<10240x32xf32, #tpu.memory_space<vmem_shared>> -> memref<10240x32xf32, #tpu.memory_space<vmem_shared>>
          tpu.enqueue_indirect_dma source(%arg15 : memref<125x32xf32, #tpu.memory_space<vmem>>) target(%dma_start3A_383 : memref<10240x32xf32, #tpu.memory_space<vmem_shared>>) offsets(%dma_start3A_380 : memref<125xi32, #tpu.memory_space<vmem>>) semaphore(%run_scoped3A_377 : memref<!tpu.dma_semaphore, #tpu.memory_space<semaphore_mem>>) {add = true}
          %dma_wait3A_384 = arith.constant 0 : i32
          %dma_wait3A_385 = tpu.memref_slice %arg10[%run_scoped3A_336, %dma_wait3A_384] : memref<40x125xi32, #tpu.memory_space<vmem>> -> memref<1x125xi32, #tpu.memory_space<vmem>>
          %dma_wait3A_386 = tpu.memref_squeeze %dma_wait3A_385 : memref<1x125xi32, #tpu.memory_space<vmem>> -> memref<125xi32, #tpu.memory_space<vmem>>
          %dma_wait3A_387 = arith.constant 0 : i32
          %dma_wait3A_388 = arith.constant 0 : i32
          %dma_wait3A_389 = tpu.memref_slice %arg23[%dma_wait3A_387, %dma_wait3A_388] : memref<10240x32xf32, #tpu.memory_space<vmem_shared>> -> memref<10240x32xf32, #tpu.memory_space<vmem_shared>>
          tpu.wait_indirect_dma semaphore(%run_scoped3A_377 : memref<!tpu.dma_semaphore, #tpu.memory_space<semaphore_mem>>) src(%arg15 : memref<125x32xf32, #tpu.memory_space<vmem>>) dst(%dma_wait3A_389 : memref<10240x32xf32, #tpu.memory_space<vmem_shared>>)
          tpu.yield
        }) : () -> ()
        %dma_wait3A_337 = arith.constant 37 : i32
        %dma_wait3A_338 = arith.constant 0 : i32
        %dma_wait3A_339 = tpu.memref_slice %arg9[%dma_wait3A_337, %dma_wait3A_338] : memref<40x125xi32, #tpu.memory_space<vmem>> -> memref<1x125xi32, #tpu.memory_space<vmem>>
        %dma_wait3A_340 = tpu.memref_squeeze %dma_wait3A_339 : memref<1x125xi32, #tpu.memory_space<vmem>> -> memref<125xi32, #tpu.memory_space<vmem>>
        %dma_wait3A_341 = arith.constant 0 : i32
        %dma_wait3A_342 = arith.constant 0 : i32
        %dma_wait3A_343 = tpu.memref_slice %arg5[%dma_wait3A_341, %dma_wait3A_342] : memref<20480x32xf32, #tpu.memory_space<hbm>> -> memref<20480x32xf32, #tpu.memory_space<hbm>>
        tpu.wait_indirect_dma semaphore(%arg29 : memref<!tpu.dma_semaphore, #tpu.memory_space<semaphore_mem>>) src(%dma_wait3A_343 : memref<20480x32xf32, #tpu.memory_space<hbm>>) dst(%arg16 : memref<125x32xf32, #tpu.memory_space<vmem>>)
        %run_scoped3A_344 = arith.constant 37 : i32
        "tpu.region"() ({
          %run_scoped3A_377 = tpu.sem_alloc : memref<!tpu.dma_semaphore, #tpu.memory_space<semaphore_mem>>
          %dma_start3A_378 = arith.constant 0 : i32
          %dma_start3A_379 = tpu.memref_slice %arg10[%run_scoped3A_344, %dma_start3A_378] : memref<40x125xi32, #tpu.memory_space<vmem>> -> memref<1x125xi32, #tpu.memory_space<vmem>>
          %dma_start3A_380 = tpu.memref_squeeze %dma_start3A_379 : memref<1x125xi32, #tpu.memory_space<vmem>> -> memref<125xi32, #tpu.memory_space<vmem>>
          %dma_start3A_381 = arith.constant 0 : i32
          %dma_start3A_382 = arith.constant 0 : i32
          %dma_start3A_383 = tpu.memref_slice %arg23[%dma_start3A_381, %dma_start3A_382] : memref<10240x32xf32, #tpu.memory_space<vmem_shared>> -> memref<10240x32xf32, #tpu.memory_space<vmem_shared>>
          tpu.enqueue_indirect_dma source(%arg16 : memref<125x32xf32, #tpu.memory_space<vmem>>) target(%dma_start3A_383 : memref<10240x32xf32, #tpu.memory_space<vmem_shared>>) offsets(%dma_start3A_380 : memref<125xi32, #tpu.memory_space<vmem>>) semaphore(%run_scoped3A_377 : memref<!tpu.dma_semaphore, #tpu.memory_space<semaphore_mem>>) {add = true}
          %dma_wait3A_384 = arith.constant 0 : i32
          %dma_wait3A_385 = tpu.memref_slice %arg10[%run_scoped3A_344, %dma_wait3A_384] : memref<40x125xi32, #tpu.memory_space<vmem>> -> memref<1x125xi32, #tpu.memory_space<vmem>>
          %dma_wait3A_386 = tpu.memref_squeeze %dma_wait3A_385 : memref<1x125xi32, #tpu.memory_space<vmem>> -> memref<125xi32, #tpu.memory_space<vmem>>
          %dma_wait3A_387 = arith.constant 0 : i32
          %dma_wait3A_388 = arith.constant 0 : i32
          %dma_wait3A_389 = tpu.memref_slice %arg23[%dma_wait3A_387, %dma_wait3A_388] : memref<10240x32xf32, #tpu.memory_space<vmem_shared>> -> memref<10240x32xf32, #tpu.memory_space<vmem_shared>>
          tpu.wait_indirect_dma semaphore(%run_scoped3A_377 : memref<!tpu.dma_semaphore, #tpu.memory_space<semaphore_mem>>) src(%arg16 : memref<125x32xf32, #tpu.memory_space<vmem>>) dst(%dma_wait3A_389 : memref<10240x32xf32, #tpu.memory_space<vmem_shared>>)
          tpu.yield
        }) : () -> ()
        %dma_wait3A_345 = arith.constant 38 : i32
        %dma_wait3A_346 = arith.constant 0 : i32
        %dma_wait3A_347 = tpu.memref_slice %arg9[%dma_wait3A_345, %dma_wait3A_346] : memref<40x125xi32, #tpu.memory_space<vmem>> -> memref<1x125xi32, #tpu.memory_space<vmem>>
        %dma_wait3A_348 = tpu.memref_squeeze %dma_wait3A_347 : memref<1x125xi32, #tpu.memory_space<vmem>> -> memref<125xi32, #tpu.memory_space<vmem>>
        %dma_wait3A_349 = arith.constant 0 : i32
        %dma_wait3A_350 = arith.constant 0 : i32
        %dma_wait3A_351 = tpu.memref_slice %arg5[%dma_wait3A_349, %dma_wait3A_350] : memref<20480x32xf32, #tpu.memory_space<hbm>> -> memref<20480x32xf32, #tpu.memory_space<hbm>>
        tpu.wait_indirect_dma semaphore(%arg30 : memref<!tpu.dma_semaphore, #tpu.memory_space<semaphore_mem>>) src(%dma_wait3A_351 : memref<20480x32xf32, #tpu.memory_space<hbm>>) dst(%arg17 : memref<125x32xf32, #tpu.memory_space<vmem>>)
        %run_scoped3A_352 = arith.constant 38 : i32
        "tpu.region"() ({
          %run_scoped3A_377 = tpu.sem_alloc : memref<!tpu.dma_semaphore, #tpu.memory_space<semaphore_mem>>
          %dma_start3A_378 = arith.constant 0 : i32
          %dma_start3A_379 = tpu.memref_slice %arg10[%run_scoped3A_352, %dma_start3A_378] : memref<40x125xi32, #tpu.memory_space<vmem>> -> memref<1x125xi32, #tpu.memory_space<vmem>>
          %dma_start3A_380 = tpu.memref_squeeze %dma_start3A_379 : memref<1x125xi32, #tpu.memory_space<vmem>> -> memref<125xi32, #tpu.memory_space<vmem>>
          %dma_start3A_381 = arith.constant 0 : i32
          %dma_start3A_382 = arith.constant 0 : i32
          %dma_start3A_383 = tpu.memref_slice %arg23[%dma_start3A_381, %dma_start3A_382] : memref<10240x32xf32, #tpu.memory_space<vmem_shared>> -> memref<10240x32xf32, #tpu.memory_space<vmem_shared>>
          tpu.enqueue_indirect_dma source(%arg17 : memref<125x32xf32, #tpu.memory_space<vmem>>) target(%dma_start3A_383 : memref<10240x32xf32, #tpu.memory_space<vmem_shared>>) offsets(%dma_start3A_380 : memref<125xi32, #tpu.memory_space<vmem>>) semaphore(%run_scoped3A_377 : memref<!tpu.dma_semaphore, #tpu.memory_space<semaphore_mem>>) {add = true}
          %dma_wait3A_384 = arith.constant 0 : i32
          %dma_wait3A_385 = tpu.memref_slice %arg10[%run_scoped3A_352, %dma_wait3A_384] : memref<40x125xi32, #tpu.memory_space<vmem>> -> memref<1x125xi32, #tpu.memory_space<vmem>>
          %dma_wait3A_386 = tpu.memref_squeeze %dma_wait3A_385 : memref<1x125xi32, #tpu.memory_space<vmem>> -> memref<125xi32, #tpu.memory_space<vmem>>
          %dma_wait3A_387 = arith.constant 0 : i32
          %dma_wait3A_388 = arith.constant 0 : i32
          %dma_wait3A_389 = tpu.memref_slice %arg23[%dma_wait3A_387, %dma_wait3A_388] : memref<10240x32xf32, #tpu.memory_space<vmem_shared>> -> memref<10240x32xf32, #tpu.memory_space<vmem_shared>>
          tpu.wait_indirect_dma semaphore(%run_scoped3A_377 : memref<!tpu.dma_semaphore, #tpu.memory_space<semaphore_mem>>) src(%arg17 : memref<125x32xf32, #tpu.memory_space<vmem>>) dst(%dma_wait3A_389 : memref<10240x32xf32, #tpu.memory_space<vmem_shared>>)
          tpu.yield
        }) : () -> ()
        %dma_wait3A_353 = arith.constant 39 : i32
        %dma_wait3A_354 = arith.constant 0 : i32
        %dma_wait3A_355 = tpu.memref_slice %arg9[%dma_wait3A_353, %dma_wait3A_354] : memref<40x125xi32, #tpu.memory_space<vmem>> -> memref<1x125xi32, #tpu.memory_space<vmem>>
        %dma_wait3A_356 = tpu.memref_squeeze %dma_wait3A_355 : memref<1x125xi32, #tpu.memory_space<vmem>> -> memref<125xi32, #tpu.memory_space<vmem>>
        %dma_wait3A_357 = arith.constant 0 : i32
        %dma_wait3A_358 = arith.constant 0 : i32
        %dma_wait3A_359 = tpu.memref_slice %arg5[%dma_wait3A_357, %dma_wait3A_358] : memref<20480x32xf32, #tpu.memory_space<hbm>> -> memref<20480x32xf32, #tpu.memory_space<hbm>>
        tpu.wait_indirect_dma semaphore(%arg31 : memref<!tpu.dma_semaphore, #tpu.memory_space<semaphore_mem>>) src(%dma_wait3A_359 : memref<20480x32xf32, #tpu.memory_space<hbm>>) dst(%arg18 : memref<125x32xf32, #tpu.memory_space<vmem>>)
        %run_scoped3A_360 = arith.constant 39 : i32
        "tpu.region"() ({
          %run_scoped3A_377 = tpu.sem_alloc : memref<!tpu.dma_semaphore, #tpu.memory_space<semaphore_mem>>
          %dma_start3A_378 = arith.constant 0 : i32
          %dma_start3A_379 = tpu.memref_slice %arg10[%run_scoped3A_360, %dma_start3A_378] : memref<40x125xi32, #tpu.memory_space<vmem>> -> memref<1x125xi32, #tpu.memory_space<vmem>>
          %dma_start3A_380 = tpu.memref_squeeze %dma_start3A_379 : memref<1x125xi32, #tpu.memory_space<vmem>> -> memref<125xi32, #tpu.memory_space<vmem>>
          %dma_start3A_381 = arith.constant 0 : i32
          %dma_start3A_382 = arith.constant 0 : i32
          %dma_start3A_383 = tpu.memref_slice %arg23[%dma_start3A_381, %dma_start3A_382] : memref<10240x32xf32, #tpu.memory_space<vmem_shared>> -> memref<10240x32xf32, #tpu.memory_space<vmem_shared>>
          tpu.enqueue_indirect_dma source(%arg18 : memref<125x32xf32, #tpu.memory_space<vmem>>) target(%dma_start3A_383 : memref<10240x32xf32, #tpu.memory_space<vmem_shared>>) offsets(%dma_start3A_380 : memref<125xi32, #tpu.memory_space<vmem>>) semaphore(%run_scoped3A_377 : memref<!tpu.dma_semaphore, #tpu.memory_space<semaphore_mem>>) {add = true}
          %dma_wait3A_384 = arith.constant 0 : i32
          %dma_wait3A_385 = tpu.memref_slice %arg10[%run_scoped3A_360, %dma_wait3A_384] : memref<40x125xi32, #tpu.memory_space<vmem>> -> memref<1x125xi32, #tpu.memory_space<vmem>>
          %dma_wait3A_386 = tpu.memref_squeeze %dma_wait3A_385 : memref<1x125xi32, #tpu.memory_space<vmem>> -> memref<125xi32, #tpu.memory_space<vmem>>
          %dma_wait3A_387 = arith.constant 0 : i32
          %dma_wait3A_388 = arith.constant 0 : i32
          %dma_wait3A_389 = tpu.memref_slice %arg23[%dma_wait3A_387, %dma_wait3A_388] : memref<10240x32xf32, #tpu.memory_space<vmem_shared>> -> memref<10240x32xf32, #tpu.memory_space<vmem_shared>>
          tpu.wait_indirect_dma semaphore(%run_scoped3A_377 : memref<!tpu.dma_semaphore, #tpu.memory_space<semaphore_mem>>) src(%arg18 : memref<125x32xf32, #tpu.memory_space<vmem>>) dst(%dma_wait3A_389 : memref<10240x32xf32, #tpu.memory_space<vmem_shared>>)
          tpu.yield
        }) : () -> ()
        %mul3A_361 = arith.constant 40 : i32
        %mul3A_362 = arith.muli %select_n3A, %mul3A_361 : i32
        %dma_wait3A_363 = arith.constant 0 : i32
        %dma_wait3A_364 = tpu.memref_slice %arg3[%arg0, %arg1, %mul3A_362, %dma_wait3A_363] : memref<2x16x160x125xi32, #tpu.memory_space<hbm>> -> memref<1x1x40x125xi32, #tpu.memory_space<hbm>>
        %dma_wait3A_365 = tpu.memref_squeeze %dma_wait3A_364 : memref<1x1x40x125xi32, #tpu.memory_space<hbm>> -> memref<40x125xi32, #tpu.memory_space<hbm>>
        %dma_wait3A_366 = arith.constant 0 : i32
        %dma_wait3A_367 = tpu.memref_slice %arg3[%arg0, %arg1, %mul3A_362, %dma_wait3A_366] : memref<2x16x160x125xi32, #tpu.memory_space<hbm>> -> memref<1x1x40x125xi32, #tpu.memory_space<hbm>>
        %dma_wait3A_368 = tpu.memref_squeeze %dma_wait3A_367 : memref<1x1x40x125xi32, #tpu.memory_space<hbm>> -> memref<40x125xi32, #tpu.memory_space<hbm>>
        tpu.wait_dma2 semaphore(%arg32 : memref<!tpu.dma_semaphore, #tpu.memory_space<semaphore_mem>>) src(%dma_wait3A_368 : memref<40x125xi32, #tpu.memory_space<hbm>>) dst(%arg7 : memref<40x125xi32, #tpu.memory_space<vmem>>)
        %mul3A_369 = arith.constant 40 : i32
        %mul3A_370 = arith.muli %select_n3A, %mul3A_369 : i32
        %dma_wait3A_371 = arith.constant 0 : i32
        %dma_wait3A_372 = tpu.memref_slice %arg4[%arg1, %mul3A_370, %dma_wait3A_371] : memref<16x160x125xi32, #tpu.memory_space<hbm>> -> memref<1x40x125xi32, #tpu.memory_space<hbm>>
        %dma_wait3A_373 = tpu.memref_squeeze %dma_wait3A_372 : memref<1x40x125xi32, #tpu.memory_space<hbm>> -> memref<40x125xi32, #tpu.memory_space<hbm>>
        %dma_wait3A_374 = arith.constant 0 : i32
        %dma_wait3A_375 = tpu.memref_slice %arg4[%arg1, %mul3A_370, %dma_wait3A_374] : memref<16x160x125xi32, #tpu.memory_space<hbm>> -> memref<1x40x125xi32, #tpu.memory_space<hbm>>
        %dma_wait3A_376 = tpu.memref_squeeze %dma_wait3A_375 : memref<1x40x125xi32, #tpu.memory_space<hbm>> -> memref<40x125xi32, #tpu.memory_space<hbm>>
        tpu.wait_dma2 semaphore(%arg33 : memref<!tpu.dma_semaphore, #tpu.memory_space<semaphore_mem>>) src(%dma_wait3A_376 : memref<40x125xi32, #tpu.memory_space<hbm>>) dst(%arg8 : memref<40x125xi32, #tpu.memory_space<vmem>>)
      }
      %scan3A_43 = arith.constant 2 : i32
      %barrier3A_44 = arith.constant 0 : index
      tpu.barrier barrier_id(%barrier3A_44)
      "tpu.region"() ({
        %run_scoped3A = tpu.sem_alloc : memref<!tpu.dma_semaphore, #tpu.memory_space<semaphore_mem>>
        %dma_start3A = arith.constant 0 : i32
        %dma_start3A_54 = tpu.memref_slice %arg23[%mul3A_0, %dma_start3A] : memref<10240x32xf32, #tpu.memory_space<vmem_shared>> -> memref<640x32xf32, #tpu.memory_space<vmem_shared>>
        %dma_start3A_55 = arith.constant 0 : i32
        %dma_start3A_56 = tpu.memref_slice %arg23[%mul3A_0, %dma_start3A_55] : memref<10240x32xf32, #tpu.memory_space<vmem_shared>> -> memref<640x32xf32, #tpu.memory_space<vmem_shared>>
        tpu.enqueue_dma source(%dma_start3A_56 : memref<640x32xf32, #tpu.memory_space<vmem_shared>>) target(%arg22 : memref<640x32xf32, #tpu.memory_space<vmem>>) target_semaphore(%run_scoped3A : memref<!tpu.dma_semaphore, #tpu.memory_space<semaphore_mem>>)
        %dma_wait3A = arith.constant 0 : i32
        %dma_wait3A_57 = tpu.memref_slice %arg23[%mul3A_0, %dma_wait3A] : memref<10240x32xf32, #tpu.memory_space<vmem_shared>> -> memref<640x32xf32, #tpu.memory_space<vmem_shared>>
        %dma_wait3A_58 = arith.constant 0 : i32
        %dma_wait3A_59 = tpu.memref_slice %arg23[%mul3A_0, %dma_wait3A_58] : memref<10240x32xf32, #tpu.memory_space<vmem_shared>> -> memref<640x32xf32, #tpu.memory_space<vmem_shared>>
        tpu.wait_dma2 semaphore(%run_scoped3A : memref<!tpu.dma_semaphore, #tpu.memory_space<semaphore_mem>>) src(%dma_wait3A_59 : memref<640x32xf32, #tpu.memory_space<vmem_shared>>) dst(%arg22 : memref<640x32xf32, #tpu.memory_space<vmem>>)
        tpu.yield
      }) : () -> ()
      %eq3A = arith.constant 4 : i32
      %eq3A_45 = arith.cmpi eq, %scan3A_37, %eq3A : i32
      %scan3A_46 = arith.constant 0 : i32
      %scan3A_47 = arith.constant 0 : i32
      %scan3A_48 = arith.constant 640 : i32
      %scan3A_49 = arith.addi %scan3A_47, %scan3A_48 : i32
      %scan3A_50 = arith.constant 1 : i32
      scf.for %scan3A_54 = %scan3A_47 to %scan3A_49 step %scan3A_50  : i32 {
        %get3A = arith.index_cast %scan3A_54 : i32 to index
        %get3A_55 = arith.constant 0 : index
        %get3A_56 = tpu.vector_load %arg20[%get3A, %get3A_55] {strides = array<i32>} : memref<640x16xf32, #tpu.memory_space<vmem>>, vector<1x16xf32>,
        %get3A_57 = vector.shape_cast %get3A_56 : vector<1x16xf32> to vector<16xf32>
        %get3A_58 = arith.index_cast %scan3A_54 : i32 to index
        %get3A_59 = arith.constant 0 : index
        %get3A_60 = tpu.vector_load %arg22[%get3A_58, %get3A_59] {strides = array<i32>} : memref<640x32xf32, #tpu.memory_space<vmem>>, vector<1x16xf32>,
        %get3A_61 = vector.shape_cast %get3A_60 : vector<1x16xf32> to vector<16xf32>
        %get3A_62 = arith.index_cast %scan3A_54 : i32 to index
        %get3A_63 = arith.constant 16 : index
        %get3A_64 = tpu.vector_load %arg22[%get3A_62, %get3A_63] {strides = array<i32>} : memref<640x32xf32, #tpu.memory_space<vmem>>, vector<1x16xf32>,
        %get3A_65 = vector.shape_cast %get3A_64 : vector<1x16xf32> to vector<16xf32>
        %get3A_66 = arith.index_cast %scan3A_54 : i32 to index
        %get3A_67 = arith.constant 0 : index
        %get3A_68 = tpu.vector_load %arg21[%get3A_66, %get3A_67] {strides = array<i32>} : memref<640x32xf32, #tpu.memory_space<vmem>>, vector<1x16xf32>,
        %get3A_69 = vector.shape_cast %get3A_68 : vector<1x16xf32> to vector<16xf32>
        %get3A_70 = arith.index_cast %scan3A_54 : i32 to index
        %get3A_71 = arith.constant 16 : index
        %get3A_72 = tpu.vector_load %arg21[%get3A_70, %get3A_71] {strides = array<i32>} : memref<640x32xf32, #tpu.memory_space<vmem>>, vector<1x16xf32>,
        %get3A_73 = vector.shape_cast %get3A_72 : vector<1x16xf32> to vector<16xf32>
        %mul3A_74 = arith.constant 0.899999976 : f32
        %mul3A_75 = vector.broadcast %mul3A_74 : f32 to vector<16xf32>
        %mul3A_76 = arith.mulf %mul3A_75, %get3A_57 : vector<16xf32>
        %mul3A_77 = arith.mulf %mul3A_76, %get3A_61 : vector<16xf32>
        %mul3A_78 = arith.constant 0.899999976 : f32
        %mul3A_79 = vector.broadcast %mul3A_78 : f32 to vector<16xf32>
        %mul3A_80 = arith.mulf %mul3A_79, %get3A_57 : vector<16xf32>
        %mul3A_81 = arith.mulf %mul3A_80, %get3A_65 : vector<16xf32>
        %add3A_82 = arith.addf %mul3A_77, %get3A_69 : vector<16xf32>
        %add3A_83 = arith.addf %mul3A_77, %get3A_69 : vector<16xf32>
        %mul3A_84 = arith.mulf %get3A_57, %add3A_83 : vector<16xf32>
        %select_n3A = arith.select %eq3A_45, %add3A_82, %mul3A_84 : vector<16xf32>
        %swap3A = arith.index_cast %scan3A_54 : i32 to index
        %swap3A_85 = arith.constant 0 : index
        %swap3A_86 = tpu.vector_load %arg22[%swap3A, %swap3A_85] {strides = array<i32>} : memref<640x32xf32, #tpu.memory_space<vmem>>, vector<1x16xf32>,
        %swap3A_87 = vector.shape_cast %swap3A_86 : vector<1x16xf32> to vector<16xf32>
        %swap3A_88 = vector.shape_cast %select_n3A : vector<16xf32> to vector<1x16xf32>
        tpu.vector_store %arg22[%swap3A, %swap3A_85], %swap3A_88 {strides = array<i32>} : memref<640x32xf32, #tpu.memory_space<vmem>>, vector<1x16xf32>,
        %add3A_89 = arith.addf %mul3A_81, %get3A_73 : vector<16xf32>
        %add3A_90 = arith.addf %mul3A_81, %get3A_73 : vector<16xf32>
        %mul3A_91 = arith.mulf %get3A_57, %add3A_90 : vector<16xf32>
        %select_n3A_92 = arith.select %eq3A_45, %add3A_89, %mul3A_91 : vector<16xf32>
        %swap3A_93 = arith.index_cast %scan3A_54 : i32 to index
        %swap3A_94 = arith.constant 16 : index
        %swap3A_95 = tpu.vector_load %arg22[%swap3A_93, %swap3A_94] {strides = array<i32>} : memref<640x32xf32, #tpu.memory_space<vmem>>, vector<1x16xf32>,
        %swap3A_96 = vector.shape_cast %swap3A_95 : vector<1x16xf32> to vector<16xf32>
        %swap3A_97 = vector.shape_cast %select_n3A_92 : vector<16xf32> to vector<1x16xf32>
        tpu.vector_store %arg22[%swap3A_93, %swap3A_94], %swap3A_97 {strides = array<i32>} : memref<640x32xf32, #tpu.memory_space<vmem>>, vector<1x16xf32>,
      }
      %scan3A_51 = arith.constant 640 : i32
      "tpu.region"() ({
        %run_scoped3A = tpu.sem_alloc : memref<!tpu.dma_semaphore, #tpu.memory_space<semaphore_mem>>
        %dma_start3A = arith.constant 0 : i32
        %dma_start3A_54 = tpu.memref_slice %arg5[%add3A, %dma_start3A] : memref<20480x32xf32, #tpu.memory_space<hbm>> -> memref<640x32xf32, #tpu.memory_space<hbm>>
        %dma_start3A_55 = arith.constant 0 : i32
        %dma_start3A_56 = tpu.memref_slice %arg5[%add3A, %dma_start3A_55] : memref<20480x32xf32, #tpu.memory_space<hbm>> -> memref<640x32xf32, #tpu.memory_space<hbm>>
        tpu.enqueue_dma source(%arg22 : memref<640x32xf32, #tpu.memory_space<vmem>>) target(%dma_start3A_56 : memref<640x32xf32, #tpu.memory_space<hbm>>) target_semaphore(%run_scoped3A : memref<!tpu.dma_semaphore, #tpu.memory_space<semaphore_mem>>)
        %dma_wait3A = arith.constant 0 : i32
        %dma_wait3A_57 = tpu.memref_slice %arg5[%add3A, %dma_wait3A] : memref<20480x32xf32, #tpu.memory_space<hbm>> -> memref<640x32xf32, #tpu.memory_space<hbm>>
        %dma_wait3A_58 = arith.constant 0 : i32
        %dma_wait3A_59 = tpu.memref_slice %arg5[%add3A, %dma_wait3A_58] : memref<20480x32xf32, #tpu.memory_space<hbm>> -> memref<640x32xf32, #tpu.memory_space<hbm>>
        tpu.wait_dma2 semaphore(%run_scoped3A : memref<!tpu.dma_semaphore, #tpu.memory_space<semaphore_mem>>) src(%arg22 : memref<640x32xf32, #tpu.memory_space<vmem>>) dst(%dma_wait3A_59 : memref<640x32xf32, #tpu.memory_space<hbm>>)
        tpu.yield
      }) : () -> ()
      %convert_element_type3A = arith.extui %eq3A_45 : i1 to i32
      %cond3A = arith.constant 0 : i32
      %cond3A_52 = arith.cmpi ne, %convert_element_type3A, %cond3A : i32
      scf.if %cond3A_52 {
        %mul3A_54 = arith.constant 32 : i32
        %mul3A_55 = arith.muli %arg0, %mul3A_54 : i32
        "tpu.region"() ({
          %run_scoped3A = tpu.sem_alloc : memref<!tpu.dma_semaphore, #tpu.memory_space<semaphore_mem>>
          %dma_start3A = tpu.memref_slice %arg6[%mul3A_0, %mul3A_55] : memref<10240x64xf32, #tpu.memory_space<hbm>> -> memref<640x32xf32, #tpu.memory_space<hbm>>
          %dma_start3A_56 = tpu.memref_slice %arg6[%mul3A_0, %mul3A_55] : memref<10240x64xf32, #tpu.memory_space<hbm>> -> memref<640x32xf32, #tpu.memory_space<hbm>>
          tpu.enqueue_dma source(%arg22 : memref<640x32xf32, #tpu.memory_space<vmem>>) target(%dma_start3A_56 : memref<640x32xf32, #tpu.memory_space<hbm>>) target_semaphore(%run_scoped3A : memref<!tpu.dma_semaphore, #tpu.memory_space<semaphore_mem>>)
          %dma_wait3A = tpu.memref_slice %arg6[%mul3A_0, %mul3A_55] : memref<10240x64xf32, #tpu.memory_space<hbm>> -> memref<640x32xf32, #tpu.memory_space<hbm>>
          %dma_wait3A_57 = tpu.memref_slice %arg6[%mul3A_0, %mul3A_55] : memref<10240x64xf32, #tpu.memory_space<hbm>> -> memref<640x32xf32, #tpu.memory_space<hbm>>
          tpu.wait_dma2 semaphore(%run_scoped3A : memref<!tpu.dma_semaphore, #tpu.memory_space<semaphore_mem>>) src(%arg22 : memref<640x32xf32, #tpu.memory_space<vmem>>) dst(%dma_wait3A_57 : memref<640x32xf32, #tpu.memory_space<hbm>>)
          tpu.yield
        }) : () -> ()
      } else {
      }
      "tpu.region"() ({
        %run_scoped3A = tpu.sem_alloc : memref<!tpu.dma_semaphore, #tpu.memory_space<semaphore_mem>>
        %dma_start3A = arith.constant 0 : i32
        %dma_start3A_54 = tpu.memref_slice %arg23[%mul3A_0, %dma_start3A] : memref<10240x32xf32, #tpu.memory_space<vmem_shared>> -> memref<640x32xf32, #tpu.memory_space<vmem_shared>>
        %dma_start3A_55 = arith.constant 0 : i32
        %dma_start3A_56 = tpu.memref_slice %arg23[%mul3A_0, %dma_start3A_55] : memref<10240x32xf32, #tpu.memory_space<vmem_shared>> -> memref<640x32xf32, #tpu.memory_space<vmem_shared>>
        tpu.enqueue_dma source(%arg22 : memref<640x32xf32, #tpu.memory_space<vmem>>) target(%dma_start3A_56 : memref<640x32xf32, #tpu.memory_space<vmem_shared>>) target_semaphore(%run_scoped3A : memref<!tpu.dma_semaphore, #tpu.memory_space<semaphore_mem>>)
        %dma_wait3A = arith.constant 0 : i32
        %dma_wait3A_57 = tpu.memref_slice %arg23[%mul3A_0, %dma_wait3A] : memref<10240x32xf32, #tpu.memory_space<vmem_shared>> -> memref<640x32xf32, #tpu.memory_space<vmem_shared>>
        %dma_wait3A_58 = arith.constant 0 : i32
        %dma_wait3A_59 = tpu.memref_slice %arg23[%mul3A_0, %dma_wait3A_58] : memref<10240x32xf32, #tpu.memory_space<vmem_shared>> -> memref<640x32xf32, #tpu.memory_space<vmem_shared>>
        tpu.wait_dma2 semaphore(%run_scoped3A : memref<!tpu.dma_semaphore, #tpu.memory_space<semaphore_mem>>) src(%arg22 : memref<640x32xf32, #tpu.memory_space<vmem>>) dst(%dma_wait3A_59 : memref<640x32xf32, #tpu.memory_space<vmem_shared>>)
        tpu.yield
      }) : () -> ()
      %barrier3A_53 = arith.constant 0 : index
      tpu.barrier barrier_id(%barrier3A_53)
    }
    %scan3A_36 = arith.constant 5 : i32
    return
  }
}

module attributes {stable_mosaic.version = 14 : i64} {
  func.func @_mlp_body(%arg0: i32, %arg1: i32, %arg2: memref<1024x128xf32, #tpu.memory_space<vmem>>, %arg3: memref<128x128xf32, #tpu.memory_space<vmem>>, %arg4: memref<1x128xf32, #tpu.memory_space<vmem>>, %arg5: memref<1x32x128xf32, #tpu.memory_space<vmem>>, %arg6: memref<1x1x32xf32, #tpu.memory_space<vmem>>, %arg7: memref<1x1024x32xf32, #tpu.memory_space<vmem>>) attributes {dimension_semantics = [#tpu.dimension_semantics<arbitrary>, #tpu.dimension_semantics<arbitrary>], iteration_bounds = array<i64: 2, 10>, scalar_prefetch = 0 : i64, scratch_operands = 0 : i64, tpu.core_type = #tpu.core_type<tc>, window_params = [{transform_indices = @transform_0, window_bounds = array<i64: 1024, 128>}, {pipeline_mode = #tpu.pipeline_mode<synchronous>, transform_indices = @transform_1, window_bounds = array<i64: 128, 128>}, {pipeline_mode = #tpu.pipeline_mode<synchronous>, transform_indices = @transform_2, window_bounds = array<i64: 1, 128>}, {transform_indices = @transform_3, window_bounds = array<i64: 1, 32, 128>}, {transform_indices = @transform_4, window_bounds = array<i64: 1, 1, 32>}, {transform_indices = @transform_5, window_bounds = array<i64: 1, 1024, 32>}]} {
    %get3A = arith.constant 0 : index
    %get3A_0 = arith.constant 0 : index
    %get3A_1 = vector.load %arg2[%get3A, %get3A_0] : memref<1024x128xf32, #tpu.memory_space<vmem>>, vector<1024x128xf32>
    %get3A_2 = arith.constant 0 : index
    %get3A_3 = arith.constant 0 : index
    %get3A_4 = vector.load %arg3[%get3A_2, %get3A_3] : memref<128x128xf32, #tpu.memory_space<vmem>>, vector<128x128xf32>
    %dot_general3A = arith.constant dense<0.000000e+00> : vector<1024x128xf32>
    %dot_general3A_5 = tpu.matmul %get3A_1, %get3A_4, %dot_general3A {dimension_numbers = #tpu.dot_dimension_numbers<[1], [1], [0], [0], [0, 0, 1, 0], [], []>, transpose_lhs_hint = false} : vector<1024x128xf32>, vector<128x128xf32>, vector<1024x128xf32> -> vector<1024x128xf32>
    %get3A_6 = arith.constant 0 : index
    %get3A_7 = arith.constant 0 : index
    %get3A_8 = vector.load %arg4[%get3A_6, %get3A_7] : memref<1x128xf32, #tpu.memory_space<vmem>>, vector<1x128xf32>
    %add3A = vector.broadcast %get3A_8 : vector<1x128xf32> to vector<1024x128xf32>
    %add3A_9 = arith.addf %dot_general3A_5, %add3A : vector<1024x128xf32>
    %max3A = arith.constant 0.000000e+00 : f32
    %max3A_10 = vector.broadcast %max3A : f32 to vector<1024x128xf32>
    %max3A_11 = arith.maximumf %add3A_9, %max3A_10 : vector<1024x128xf32>
    %get3A_12 = arith.constant 0 : index
    %get3A_13 = arith.constant 0 : index
    %get3A_14 = arith.constant 0 : index
    %get3A_15 = vector.load %arg5[%get3A_12, %get3A_13, %get3A_14] : memref<1x32x128xf32, #tpu.memory_space<vmem>>, vector<1x32x128xf32>
    %get3A_16 = vector.shape_cast %get3A_15 : vector<1x32x128xf32> to vector<32x128xf32>
    %dot_general3A_17 = arith.constant dense<0.000000e+00> : vector<1024x32xf32>
    %dot_general3A_18 = tpu.matmul %max3A_11, %get3A_16, %dot_general3A_17 {dimension_numbers = #tpu.dot_dimension_numbers<[1], [1], [0], [0], [0, 0, 1, 0], [], []>, transpose_lhs_hint = false} : vector<1024x128xf32>, vector<32x128xf32>, vector<1024x32xf32> -> vector<1024x32xf32>
    %get3A_19 = arith.constant 0 : index
    %get3A_20 = arith.constant 0 : index
    %get3A_21 = arith.constant 0 : index
    %get3A_22 = vector.load %arg6[%get3A_19, %get3A_20, %get3A_21] : memref<1x1x32xf32, #tpu.memory_space<vmem>>, vector<1x1x32xf32>
    %get3A_23 = vector.shape_cast %get3A_22 : vector<1x1x32xf32> to vector<1x32xf32>
    %add3A_24 = vector.broadcast %get3A_23 : vector<1x32xf32> to vector<1024x32xf32>
    %add3A_25 = arith.addf %dot_general3A_18, %add3A_24 : vector<1024x32xf32>
    %swap3A = arith.constant 0 : index
    %swap3A_26 = arith.constant 0 : index
    %swap3A_27 = arith.constant 0 : index
    %swap3A_28 = vector.load %arg7[%swap3A, %swap3A_26, %swap3A_27] : memref<1x1024x32xf32, #tpu.memory_space<vmem>>, vector<1x1024x32xf32>
    %swap3A_29 = vector.shape_cast %swap3A_28 : vector<1x1024x32xf32> to vector<1024x32xf32>
    %swap3A_30 = vector.shape_cast %add3A_25 : vector<1024x32xf32> to vector<1x1024x32xf32>
    tpu.vector_store %arg7[%swap3A, %swap3A_26, %swap3A_27], %swap3A_30 {strides = array<i32>} : memref<1x1024x32xf32, #tpu.memory_space<vmem>>, vector<1x1024x32xf32>,
    return
  }
  func.func @transform_0(%arg0: i32, %arg1: i32) -> (i32, i32) {
    %c0_i32 = arith.constant 0 : i32
    %c0_i32_0 = arith.constant 0 : i32
    return %arg1, %c0_i32 : i32, i32
  }
  func.func @transform_1(%arg0: i32, %arg1: i32) -> (i32, i32) {
    %c0_i32 = arith.constant 0 : i32
    %c0_i32_0 = arith.constant 0 : i32
    %c0_i32_1 = arith.constant 0 : i32
    return %c0_i32, %c0_i32_0 : i32, i32
  }
  func.func @transform_2(%arg0: i32, %arg1: i32) -> (i32, i32) {
    %c0_i32 = arith.constant 0 : i32
    %c0_i32_0 = arith.constant 0 : i32
    %c0_i32_1 = arith.constant 0 : i32
    return %c0_i32, %c0_i32_0 : i32, i32
  }
  func.func @transform_3(%arg0: i32, %arg1: i32) -> (i32, i32, i32) {
    %c0_i32 = arith.constant 0 : i32
    %c0_i32_0 = arith.constant 0 : i32
    %c0_i32_1 = arith.constant 0 : i32
    return %arg0, %c0_i32, %c0_i32_0 : i32, i32, i32
  }
  func.func @transform_4(%arg0: i32, %arg1: i32) -> (i32, i32, i32) {
    %c0_i32 = arith.constant 0 : i32
    %c0_i32_0 = arith.constant 0 : i32
    %c0_i32_1 = arith.constant 0 : i32
    return %arg0, %c0_i32, %c0_i32_0 : i32, i32, i32
  }
  func.func @transform_5(%arg0: i32, %arg1: i32) -> (i32, i32, i32) {
    %c0_i32 = arith.constant 0 : i32
    %c0_i32_0 = arith.constant 0 : i32
    return %arg0, %arg1, %c0_i32 : i32, i32, i32
  }
}

</mosaic_0001>

<sc_bundles>
// kernel: kernel.4.cloned.1.call-start
scs
__scs_entry_jumppad:
0x0: {  	(pc) =	sbr.rel $0x88, $3  }
0x1: {  	(tag) =	ssettag $0x0;
	lr =	simm.s32 $0x1  }
0x2: {  	[smem:$0x3F9B] =	sst lr;
	_ =	strace $0xD0000000  }
0x3: {  	_ = 	snop  }
0x4: {  	_ = 	snop  }
0x5: {  	_ = 	snop  }
0x6: {  	_ = 	snop  }
0x7: {  	_ = 	snop  }
__scs_overlays_trampoline_lowered:
0x8: {  	[smem:$0x3FAA] =	sst s0  }
0x9: {  	[smem:$0x3FAB] =	sst s1  }
0xa: {  	[smem:$0x3FAC] =	sst s2  }
0xb: {  	[smem:$0x3FAD] =	sst s3  }
0xc: {  	[smem:$0x3FAE] =	sst s4  }
0xd: {  	[smem:$0x3FAF] =	sst s5  }
0xe: {  	[smem:$0x3FB0] =	sst s6  }
0xf: {  	[smem:$0x3FB1] =	sst s7  }
0x10: {  	[smem:$0x3FB2] =	sst s8  }
0x11: {  	[smem:$0x3FB3] =	sst s9;
	s0 =	simm.s32 @!p0 $0x0  }
0x12: {  	s1 =	sld [smem:$0x3F99];
	s0 =	simm.s32 @p0 $0x1  }
0x13: {  	[smem:$0x3FB4] =	sst s0;
	s0 =	simm.s32 @!p1 $0x0  }
0x14: {  	s2 =	sld [smem:$0x3F98];
	s0 =	simm.s32 @p1 $0x1  }
0x15: {  	[smem:$0x3FB5] =	sst s0;
	s0 =	simm.s32 @!p2 $0x0  }
0x16: {  	s3 =	sld [smem:$0x3FDB];
	s0 =	simm.s32 @p2 $0x1  }
0x17: {  	s4 =	simm.s32 $0x1BF5;
	[smem:$0x3FB7] =	sst s0  }
0x18: {  	s0 =	sld [smem:$0x3F9A];
	_ =	swait.ge [sflag:s4], $0x0  }
0x19: {  	s7 =	sld [smem:$0x3F9B]  }
0x1a: {  	s8 =	sadd.s32 $0xFFFFE003, lr  }
0x1b: {  	s9 =	sadd.s32 $0xFFFFFEF7, lr;
	s5 =	simm.s32 $0xFFFFFFFF;
	p2 =	slt.u32 s8, $0xFFFFF086  }
0x1c: {  	p1 =	slt.u32 s9, $0xF7A;
	s5 =	simm.s32 @!p2 $0x0  }
0x1d: {  	s5 =	simm.s32 @p1 $0x1;
	p0 =	seq.s32 s7, s2  }
0x1e: {  	s7 =	smul.u32 @!p0 $0xF7A, s2;
	p2 =	seq.s32 @!p0 s5, $0x0  }
0x1f: {  	s9 =	smul.u32 $0xF7A, s1;
	s8 =	simm.s32 @!p0 $0x1BF5;
	p2 =	por !p2, p0  }
0x20: {  	[sflag:s8] =	ssyncset.s32 @!p0 $0xFFFFF086;
	s6 =	sadd.s32 @!p0 s3, s7;
	s7 =	simm.s32 @!p0 $0x108  }
0x21: {  	s3 =	sadd.s32 s3, s9;
	s6 =	sadd.s32 @!p0 $0x88, s6;
	s7 =	simm.s32 @p2 $0x1082  }
0x22: {  	[simem:s7], [sflag:s8] =	dma.local @!p0 [hbm:s6], $0xF7A  }
0x23: {  	s9 =	sor.u32 $0xD0000000, s2;
	s6 =	simm.s32 $0x108;
	_ =	swait.ge @!p0 [sflag:s8], $0x0  }
0x24: {  	s3 =	sadd.s32 $0x88, s3;
	s6 =	simm.s32 @!p1 $0x1082;
	[sflag:s4] =	ssyncset.s32 $0xFFFFF086  }
0x25: {  	[simem:s6], [sflag:s4] =	dma.local [hbm:s3], $0xF7A  }
0x26: {  	[smem:$0x3F9B] =	sst s1;
	(tag) =	ssettag s2;
	_ =	strace s9  }
0x27: {  	s1 =	sld [smem:$0x3FAB]  }
0x28: {  	s2 =	sld [smem:$0x3FAC]  }
0x29: {  	s4 =	sld [smem:$0x3FAE]  }
0x2a: {  	p0 =	seq.s32 s5, $0x0;
	s5 =	sld [smem:$0x3FAF]  }
0x2b: {  	s6 =	sld [smem:$0x3FB0]  }
0x2c: {  	s7 =	sld [smem:$0x3FB1]  }
0x2d: {  	s3 =	simm.s32 $0x108;
	s8 =	sld [smem:$0x3FB2]  }
0x2e: {  	s3 =	simm.s32 @!p0 $0x1082;
	s9 =	sld [smem:$0x3FB3]  }
0x2f: {  	lr =	sadd.s32 s0, s3;
	s0 =	sld [smem:$0x3FAA]  }
0x30: {  	s3 =	sld [smem:$0x3FAD]  }
0x31: {  	[smem:$0x3FB6] =	sst s10  }
0x32: {  	s10 =	sld [smem:$0x3FB4];
	_ =	sdelay $0x3  }
0x33: {  	p0 =	seq.s32 s10, $0x1;
	s10 =	sld [smem:$0x3FB6];
	_ =	sdelay $0x3  }
0x34: {  	[smem:$0x3FB6] =	sst s10  }
0x35: {  	s10 =	sld [smem:$0x3FB5];
	_ =	sdelay $0x3  }
0x36: {  	p1 =	seq.s32 s10, $0x1;
	s10 =	sld [smem:$0x3FB6];
	_ =	sdelay $0x3  }
0x37: {  	[smem:$0x3FB6] =	sst s10  }
0x38: {  	s10 =	sld [smem:$0x3FB7]  }
0x39: {  	_ = 	snop;
	(pc) =	sbr.ind lr, $3  }
0x3a: {  	_ = 	snop  }
0x3b: {  	_ = 	snop  }
0x3c: {  	p2 =	seq.s32 s10, $0x1;
	s10 =	sld [smem:$0x3FB6]  }
0x3d: {  	_ =	shalt  }
0x3e: {  	_ =	shalt  }
0x3f: {  	_ =	shalt  }
0x40: {  	_ =	shalt  }
0x41: {  	_ =	shalt  }
0x42: {  	_ =	shalt  }
0x43: {  	_ =	shalt  }
0x44: {  	_ =	shalt  }
0x45: {  	_ =	shalt  }
0x46: {  	_ =	shalt  }
0x47: {  	_ =	shalt  }
0x48: {  	_ =	shalt  }
0x49: {  	_ =	shalt  }
0x4a: {  	_ =	shalt  }
0x4b: {  	_ =	shalt  }
0x4c: {  	_ =	shalt  }
0x4d: {  	_ =	shalt  }
0x4e: {  	_ =	shalt  }
0x4f: {  	_ =	shalt  }
0x50: {  	_ =	shalt  }
0x51: {  	_ =	shalt  }
0x52: {  	_ =	shalt  }
0x53: {  	_ =	shalt  }
0x54: {  	_ =	shalt  }
0x55: {  	_ =	shalt  }
0x56: {  	_ =	shalt  }
0x57: {  	_ =	shalt  }
0x58: {  	_ =	shalt  }
0x59: {  	_ =	shalt  }
0x5a: {  	_ =	shalt  }
0x5b: {  	_ =	shalt  }
0x5c: {  	_ =	shalt  }
0x5d: {  	_ =	shalt  }
0x5e: {  	_ =	shalt  }
0x5f: {  	_ =	shalt  }
0x60: {  	_ =	shalt  }
0x61: {  	_ =	shalt  }
0x62: {  	_ =	shalt  }
0x63: {  	_ =	shalt  }
0x64: {  	_ =	shalt  }
0x65: {  	_ =	shalt  }
0x66: {  	_ =	shalt  }
0x67: {  	_ =	shalt  }
0x68: {  	_ =	shalt  }
0x69: {  	_ =	shalt  }
0x6a: {  	_ =	shalt  }
0x6b: {  	_ =	shalt  }
0x6c: {  	_ =	shalt  }
0x6d: {  	_ =	shalt  }
0x6e: {  	_ =	shalt  }
0x6f: {  	_ =	shalt  }
0x70: {  	_ =	shalt  }
0x71: {  	_ =	shalt  }
0x72: {  	_ =	shalt  }
0x73: {  	_ =	shalt  }
0x74: {  	_ =	shalt  }
0x75: {  	_ =	shalt  }
0x76: {  	_ =	shalt  }
0x77: {  	_ =	shalt  }
0x78: {  	_ =	shalt  }
0x79: {  	_ =	shalt  }
0x7a: {  	_ =	shalt  }
0x7b: {  	_ =	shalt  }
0x7c: {  	_ =	shalt  }
0x7d: {  	_ =	shalt  }
0x7e: {  	_ =	shalt  }
0x7f: {  	_ =	shalt  }
0x80: {  	_ =	shalt  }
0x81: {  	_ =	shalt  }
0x82: {  	_ =	shalt  }
0x83: {  	_ =	shalt  }
0x84: {  	_ =	shalt  }
0x85: {  	_ =	shalt  }
0x86: {  	_ =	shalt  }
0x87: {  	_ =	shalt  }
.Lfunc_end0:
.L_simem_size_0:
called_computation_lowered:
.L_overlay_start_0:
0x88: {  	s2 =	sld [smem:$0x3FD9]  }
0x89: {  	s3 =	sld [smem:$0x3FFE];
	_ =	sdelay $0x1  }
0x8a: {  	s1 =	srdreg.scid  }
0x8b: {  	s0 =	sand.u32 $0x1, s1  }
0x8c: {  	s17 =	sshll.u32 s0, $0xA;
	s2 =	sadd.s32 s3, s2  }
0x8d: {  	s2 =	sadd.s32 s2, s17  }
0x8e: {  	[smem:$0x3FC2] =	sst s2  }
0x8f: {  	_ = 	snop  }
0x90: {  	s2 =	sld [smem:$0x3FD0];
	(tm) =	ssettm $0x1  }
0x91: {  	s18 =	sld [smem:$0x3FFB];
	_ =	sdelay $0x3  }
0x92: {  	_ =	strace s18  }
0x93: {  	s3 =	sld [smem:$0x3FFC];
	_ =	sdelay $0x3  }
0x94: {  	_ =	strace s3  }
0x95: {  	s3 =	sld [smem:$0x3FFD];
	_ =	sdelay $0x3  }
0x96: {  	_ =	strace s3  }
0x97: {  	_ =	strace $0x8FFFFFFF  }
0x98: {  	s19 =	sld [smem:$0x3FDB];
	_ =	sdelay $0x1  }
0x99: {  	s4 =	simm.s32 $_scs_section_size  }
0x9a: {  	s5 =	simm.s32 $_size__tile_overlayer_lowered;
	s6 =	simm.s32 $_tile_overlayer_lowered  }
0x9b: {  	s22 =	simm.s32 $0x1BFF;
	s21 =	sshll.u32 s6, $0x1;
	s3 =	sadd.s32 s4, s19  }
0x9c: {  	s7 =	simm.s32 $0x0;
	s20 =	sshll.u32 s5, $0x1;
	s5 =	sadd.s32 s21, s3  }
0x9d: {  	[timem:s7], [sflag:s22] =	dma.local [hbm:s5], s20  }
0x9e: {  	_ =	swait.ge [sflag:s22], s20  }
0x9f: {  	s4 =	ssub.s32 $0x0, s20;
	[sflag:s22] =	ssyncset.done $0x0  }
0xa0: {  	[sflag:s22] =	ssyncadd.s32 s4;
	_ =	sdelay $0x1  }
0xa1: {  	s23 =	simm.s32 $0x1B8B  }
0xa2: {  	_ =	swait.ge [sflag:s23], $0x1  }
0xa3: {  	[sflag:s23] =	ssyncset.done $0x0  }
0xa4: {  	s25 =	simm.s32 $0x1B8E;
	s24 =	sld [smem:$0x3FFE];
	[sflag:s23] =	ssyncadd.s32 $0xFFFFFFFF  }
0xa5: {  	s26 =	simm.s32 $execute0_lowered;
	[smem:$0x3FD2] =	sst s25  }
0xa6: {  	s5 =	sshll.u32 s26, $0x1;
	_ =	strace $0x80000046;
	[dreg:$0x1] =	wrdreg $0xFFFFFFFF  }
0xa7: {  	s28 =	simm.s32 $_size_execute0_lowered;
	s3 =	sadd.s32 s3, s5;
	[dreg:$0x0] =	wrdreg $0x0  }
0xa8: {  	s5 =	sshll.u32 s28, $0x1;
	[dreg:$0x2] =	wrdreg s3  }
0xa9: {  	[dreg:$0x3] =	wrdreg s5  }
0xaa: {  	[dreg:$0x4] =	wrdreg $0xC0  }
0xab: {  	_ =	task [dreg:s7], $0x5FFFF  }
0xac: {  	[dreg:$0x1] =	wrdreg $0xFFFFFFFF  }
0xad: {  	[dreg:$0x0] =	wrdreg $0x60  }
0xae: {  	[dreg:$0x2] =	wrdreg s24  }
0xaf: {  	[dreg:$0x3] =	wrdreg s2  }
0xb0: {  	[dreg:$0x4] =	wrdreg $0x1A4A00  }
0xb1: {  	[dreg:$0x5] =	wrdreg $0x9  }
0xb2: {  	_ =	task.clear_ibuf [dreg:s7], $0x6FFFF;
	_ =	strace $0x90000046  }
0xb3: {  	s29 =	simm.s32 $0x9;
	_ =	strace $0x80000048  }
0xb4: {  	_ =	swait.ge [sflag:s29], $0x1  }
0xb5: {  	[sflag:s29] =	ssyncadd.s32 $0xFFFFFFFF  }
0xb6: {  	_ =	strace $0x90000048  }
0xb7: {  	_ =	sfence  }
0xb8: {  	s30 =	sld [smem:$0x0];
	_ =	sdelay $0x2  }
0xb9: {  	s31 =	sshll.u32 s1, $0xD;
	s1 =	sshrl.u32 s1, $0x2  }
0xba: {  	s3 =	sand.u32 $0x4000, s31;
	s1 =	sadd.s32 s1, s30  }
0xbb: {  	s0 =	sor.u32 s3, s0;
	s1 =	sshll.u32 s1, $0x11  }
0xbc: {  	s0 =	sor.u32 s1, s0  }
0xbd: {  	s0 =	sadd.s32 $0x8F2B, s0  }
0xbe: {  	[sflag:s0] =	ssyncadd.remote.s32 $0x1  }
0xbf: {  	_ =	sfence.sel $0xFFFF  }
0xc0: {  	[dreg:$0x0] =	wrdreg $0xFFFFFFFF;
	(pc) =	sbr.abs _section_cstart, $3  }
0xc1: {  	[dreg:$0x1] =	wrdreg $0xFFFFFFFF  }
0xc2: {  	_ =	task.clear_ibuf [dreg:s7], $0x2FFFF;
	_ =	strace $0x9FFFFFFF  }
0xc3: {  	(tm) =	ssettm $0x7FFFFFFF  }
tec
execute0_lowered:
.L_overlay_start_1:
0x0: {  	(tag) =	ssettag $0x1  }
0x1: {  	s0 =	rddreg [dreg:$0x0]  }
0x2: {  	s1 =	srdreg.scid;
	s13 =	rddreg [dreg:$0x1]  }
0x3: {  	s11 =	stileid.u32;
	s4 =	rddreg [dreg:$0x2]  }
0x4: {  	s5 =	simm.s32 $0x0;
	s28 =	simm.s32 $0x5000;
	s30 =	simm.s32 $0x5FA0  }
0x5: {  	s16 =	simm.s32 $0x9E20;
	s18 =	simm.s32 $0xADC0;
	s14 =	simm.s32 $0x1  }
0x6: {  	s29 =	simm.s32 $0x7;
	s31 =	simm.s32 $0x8;
	s3 =	smul.u32 $0x5000, s11  }
0x7: {  	s17 =	simm.s32 $0x9;
	s1 =	sand.u32 $0x1, s1;
	s19 =	smul.u32 $0xA000, s11  }
0x8: {  	[smem:$0x7FF] =	sst s5;
	s7 =	sadd.s32 $0x14800, s0;
	s11 =	smul.u32 $0xA00, s11  }
0x9: {  	s2 =	smul.u32 $0x50000, s1;
	_ =	strace $0x80000047;
	s8 =	sshll.u32 s1, $0x5  }
0xa: {  	s10 =	ssub.s32 $0x2, s1;
	s1 =	smul.u32 $0xA000, s1;
	s5 =	sor.u32 s8, s19  }
0xb: {  	s12 =	sshrl.u32 s10, $0x1;
	s8 =	sadd.s32 $0x28800, s0;
	s15 =	sadd.s32 s3, s4  }
0xc: {  	s22 =	sshrl.u32 s3, $0x3;
	s19 =	simm.s32 $0x3;
	[dreg:$0x10] =	wrdreg s3  }
0xd: {  	s6 =	sadd.s32 s3, s2;
	s5 =	sshrl.u32 s5, $0x3;
	s20 =	ssub.s32 s10, s12  }
0xe: {  	s1 =	sadd.s32 s11, s1;
	s12 =	simm.s32 $0x8E80;
	s11 =	simm.s32 $0x2  }
0xf: {  	[dreg:$0x4] =	wrdreg s15;
	s2 =	sshrl.u32 s6, $0x3;
	s1 =	sadd.s32 s8, s1  }
0x10: {  	s23 =	smax.u32 s20, $0x1;
	s20 =	simm.s32 $0xB;
	[dreg:$0x6] =	wrdreg s1  }
0x11: {  	s9 =	sadd.s32 s2, s0;
	s21 =	sadd.s32 s7, s2;
	[dreg:$0xa] =	wrdreg s23  }
0x12: {  	s0 =	sadd.s32 s5, s0;
	s1 =	sadd.s32 s13, s22;
	[dreg:$0x7] =	wrdreg s21  }
0x13: {  	s22 =	simm.s32 $0x7D;
	s9 =	sadd.s32 $0x800, s9;
	[dreg:$0x8] =	wrdreg s1  }
0x14: {  	s23 =	simm.s32 $0xCD00;
	s0 =	sadd.s32 $0x3C800, s0;
	[dreg:$0x5] =	wrdreg s9  }
0x15: {  	s5 =	simm.s32 $0xBD60;
	s24 =	sadd.s32 $0x280, s1;
	[dreg:$0x9] =	wrdreg s0  }
0x16: {  	s13 =	simm.s32 $0xA;
	s25 =	sadd.s32 $0x500, s1;
	[dreg:$0xb] =	wrdreg s24  }
0x17: {  	s2 =	simm.s32 $0x0;
	s26 =	sadd.s32 $0x780, s1;
	[dreg:$0xc] =	wrdreg s25  }
0x18: {  	s1 =	simm.s32 $0x6F40;
	s21 =	simm.s32 $0x6;
	[dreg:$0xd] =	wrdreg s26  }
0x19: {  	v0 =	vimm.f32 $1.000000000e+00;
	v1 =	vimm.f32 $0.0e+00;
	s24 =	simm.s32 $0x7EE0;
	s9 =	simm.s32 $0x4;
	s26 =	simm.s32 $0x5  }
.LBB2_1:
0x1a: {  	[dreg:$0xe] =	wrdreg s2;
	s0 =	simm.s32 $0x0  }
.LBB2_2:
0x1b: {  	p0 =	sne.s32 s0, $0x3E00  }
.Ltmp0:
0x1c: {  	_ = 	snop;
	(pc) =	sbr.rel @p0 .LBB2_2-.Ltmp0, $4  }
0x1d: {  	_ = 	snop  }
0x1e: {  	s2 =	sshra.s32 s0, $0x2  }
0x1f: {  	[tilespmem:s2+$0xCD00] =	vst v0  }
0x20: {  	s0 =	sadd.s32 $0x80, s0;
	[tilespmem:s2+$0xCD10] =	vst v0  }
0x21: {  	s0 =	simm.s32 $0x80;
	s2 =	simm.s32 $0x0  }
.LBB2_4:
0x22: {  	p0 =	sne.s32 s0, $0x13F80;
	[tilespmem:s2+$0x154A0] =	vst v1;
	s10 =	smov.u32 s0;
	s0 =	sadd.s32 $0x80, s0  }
.Ltmp1:
0x23: {  	[tilespmem:s2+$0x154B0] =	vst v1;
	(pc) =	sbr.rel @p0 .LBB2_4-.Ltmp1, $2  }
0x24: {  	_ =	sdelay $0x2  }
0x25: {  	s2 =	sshra.s32 s10, $0x2  }
0x26: {  	[tilespmem:s2+$0x154A0] =	vst v1  }
0x27: {  	[tilespmem:s2+$0x154B0] =	vst v1;
	s0 =	simm.s32 $0x154A0  }
0x28: {  	[spmem:s15] =	stream.linear.scatter [tilespmem:s0], [sflag:$0xB], $0x5000, $0x38;
	[tilespmem:$0x1F4A0] =	vst v63  }
0x29: {  	_ =	swait.ge [sflag:s20], $0x5000  }
0x2a: {  	[sflag:s20] =	ssyncset.done $0x0  }
0x2b: {  	[sflag:s20] =	ssyncadd.s32 $0xFFFFB000  }
0x2c: {  	[bflag:$0x0] =	sbarrier.arrive $0xFFFF  }
0x2d: {  	s2 =	simm.s32 $0x0;
	s10 =	simm.s32 $0x1400;
	s25 =	rddreg [dreg:$0x8]  }
0x2e: {  	[tilespmem:s10], [sflag:$0xB] =	stream.linear.gather [hbm4b:s25+s2], $0x1400, $0x38;
	[tilespmem:$0x1F4A0] =	vst v63  }
0x2f: {  	_ =	swait.ge [sflag:s20], $0x1400  }
0x30: {  	[sflag:s20] =	ssyncset.done $0x0  }
0x31: {  	s25 =	simm.s32 $0x1400;
	[sflag:s20] =	ssyncadd.s32 $0xFFFFEC00  }
0x32: {  	[spmem:s4] =	stream.indirect.scatter.add.f32 [tilespmem:s23], [sflag:$0xB], $0x20, s25, s22, $0xb8;
	[tilespmem:$0x1F4A0] =	vst v63  }
0x33: {  	s0 =	simm.s32 $0x200;
	_ =	swait.ge [sflag:s20], $0xFA0  }
.LBB2_6:
0x34: {  	s2 =	sshra.s32 s0, $0x2;
	[sflag:s20] =	ssyncset.done $0x0;
	p0 =	sne.s32 s0, $0x4E00  }
.Ltmp2:
0x35: {  	s2 =	sadd.s32 $0x1400, s2;
	[sflag:s20] =	ssyncadd.s32 $0xFFFFF060;
	(pc) =	sbr.rel @p0 .LBB2_6-.Ltmp2, $3  }
0x36: {  	[spmem:s4] =	stream.indirect.scatter.add.f32 [tilespmem:s23], [sflag:$0xB], $0x20, s2, s22, $0xb8;
	[tilespmem:$0x1F4A0] =	vst v63  }
0x37: {  	s0 =	sadd.s32 $0x200, s0;
	_ =	sdelay $0x1  }
0x38: {  	_ =	swait.ge [sflag:s20], $0xFA0  }
0x39: {  	[sflag:s20] =	ssyncset.done $0x0;
	s0 =	simm.s32 $0x0  }
0x3a: {  	s2 =	rddreg [dreg:$0xb];
	s10 =	simm.s32 $0x1400;
	[sflag:s20] =	ssyncadd.s32 $0xFFFFF060  }
0x3b: {  	[tilespmem:s10], [sflag:$0xB] =	stream.linear.gather [hbm4b:s2+s0], $0x1400, $0x38;
	[tilespmem:$0x1F4A0] =	vst v63  }
0x3c: {  	_ =	swait.ge [sflag:s20], $0x1400  }
0x3d: {  	[sflag:s20] =	ssyncset.done $0x0  }
0x3e: {  	s25 =	simm.s32 $0x1400;
	[sflag:s20] =	ssyncadd.s32 $0xFFFFEC00  }
0x3f: {  	[spmem:s4] =	stream.indirect.scatter.add.f32 [tilespmem:s23], [sflag:$0xB], $0x20, s25, s22, $0xb8;
	[tilespmem:$0x1F4A0] =	vst v63  }
0x40: {  	s0 =	simm.s32 $0x200;
	_ =	swait.ge [sflag:s20], $0xFA0  }
.LBB2_8:
0x41: {  	s2 =	sshra.s32 s0, $0x2;
	[sflag:s20] =	ssyncset.done $0x0;
	p0 =	sne.s32 s0, $0x4E00  }
.Ltmp3:
0x42: {  	s2 =	sadd.s32 $0x1400, s2;
	[sflag:s20] =	ssyncadd.s32 $0xFFFFF060;
	(pc) =	sbr.rel @p0 .LBB2_8-.Ltmp3, $3  }
0x43: {  	[spmem:s4] =	stream.indirect.scatter.add.f32 [tilespmem:s23], [sflag:$0xB], $0x20, s2, s22, $0xb8;
	[tilespmem:$0x1F4A0] =	vst v63  }
0x44: {  	s0 =	sadd.s32 $0x200, s0;
	_ =	sdelay $0x1  }
0x45: {  	_ =	swait.ge [sflag:s20], $0xFA0  }
0x46: {  	[sflag:s20] =	ssyncset.done $0x0;
	s0 =	simm.s32 $0x0  }
0x47: {  	s2 =	rddreg [dreg:$0xc];
	s10 =	simm.s32 $0x1400;
	[sflag:s20] =	ssyncadd.s32 $0xFFFFF060  }
0x48: {  	[tilespmem:s10], [sflag:$0xB] =	stream.linear.gather [hbm4b:s2+s0], $0x1400, $0x38;
	[tilespmem:$0x1F4A0] =	vst v63  }
0x49: {  	_ =	swait.ge [sflag:s20], $0x1400  }
0x4a: {  	[sflag:s20] =	ssyncset.done $0x0  }
0x4b: {  	s25 =	simm.s32 $0x1400;
	[sflag:s20] =	ssyncadd.s32 $0xFFFFEC00  }
0x4c: {  	[spmem:s4] =	stream.indirect.scatter.add.f32 [tilespmem:s23], [sflag:$0xB], $0x20, s25, s22, $0xb8;
	[tilespmem:$0x1F4A0] =	vst v63  }
0x4d: {  	s0 =	simm.s32 $0x200;
	_ =	swait.ge [sflag:s20], $0xFA0  }
.LBB2_10:
0x4e: {  	s2 =	sshra.s32 s0, $0x2;
	[sflag:s20] =	ssyncset.done $0x0;
	p0 =	sne.s32 s0, $0x4E00  }
.Ltmp4:
0x4f: {  	s2 =	sadd.s32 $0x1400, s2;
	[sflag:s20] =	ssyncadd.s32 $0xFFFFF060;
	(pc) =	sbr.rel @p0 .LBB2_10-.Ltmp4, $3  }
0x50: {  	[spmem:s4] =	stream.indirect.scatter.add.f32 [tilespmem:s23], [sflag:$0xB], $0x20, s2, s22, $0xb8;
	[tilespmem:$0x1F4A0] =	vst v63  }
0x51: {  	s0 =	sadd.s32 $0x200, s0;
	_ =	sdelay $0x1  }
0x52: {  	_ =	swait.ge [sflag:s20], $0xFA0  }
0x53: {  	[sflag:s20] =	ssyncset.done $0x0;
	s0 =	simm.s32 $0x0  }
0x54: {  	s2 =	rddreg [dreg:$0xd];
	s10 =	simm.s32 $0x1400;
	[sflag:s20] =	ssyncadd.s32 $0xFFFFF060  }
0x55: {  	[tilespmem:s10], [sflag:$0xB] =	stream.linear.gather [hbm4b:s2+s0], $0x1400, $0x38;
	[tilespmem:$0x1F4A0] =	vst v63  }
0x56: {  	_ =	swait.ge [sflag:s20], $0x1400  }
0x57: {  	[sflag:s20] =	ssyncset.done $0x0  }
0x58: {  	s25 =	simm.s32 $0x1400;
	[sflag:s20] =	ssyncadd.s32 $0xFFFFEC00  }
0x59: {  	[spmem:s4] =	stream.indirect.scatter.add.f32 [tilespmem:s23], [sflag:$0xB], $0x20, s25, s22, $0xb8;
	[tilespmem:$0x1F4A0] =	vst v63  }
0x5a: {  	s0 =	simm.s32 $0x200;
	_ =	swait.ge [sflag:s20], $0xFA0  }
.LBB2_12:
0x5b: {  	s2 =	sshra.s32 s0, $0x2;
	[sflag:s20] =	ssyncset.done $0x0;
	p0 =	sne.s32 s0, $0x4E00  }
.Ltmp5:
0x5c: {  	s2 =	sadd.s32 $0x1400, s2;
	[sflag:s20] =	ssyncadd.s32 $0xFFFFF060;
	(pc) =	sbr.rel @p0 .LBB2_12-.Ltmp5, $3  }
0x5d: {  	[spmem:s4] =	stream.indirect.scatter.add.f32 [tilespmem:s23], [sflag:$0xB], $0x20, s2, s22, $0xb8;
	[tilespmem:$0x1F4A0] =	vst v63  }
0x5e: {  	s0 =	sadd.s32 $0x200, s0;
	_ =	sdelay $0x1  }
0x5f: {  	_ =	swait.ge [sflag:s20], $0xFA0  }
0x60: {  	[sflag:s20] =	ssyncset.done $0x0  }
0x61: {  	[sflag:s20] =	ssyncadd.s32 $0xFFFFF060  }
0x62: {  	s0 =	simm.s32 $0x154A0;
	[bflag:$0x0] =	sbarrier.arrive $0xFFFF  }
0x63: {  	[tilespmem:s0], [sflag:$0xB] =	stream.linear.gather [spmem:s15], $0x5000, $0x38;
	[tilespmem:$0x1F4A0] =	vst v63  }
0x64: {  	_ =	swait.ge [sflag:s20], $0x5000  }
0x65: {  	s25 =	simm.s32 $0x0;
	[sflag:s20] =	ssyncset.done $0x0  }
0x66: {  	s10 =	simm.s32 $0x104A0;
	s2 =	rddreg [dreg:$0x5];
	[sflag:s20] =	ssyncadd.s32 $0xFFFFB000  }
0x67: {  	[tilespmem:s10], [sflag:$0xB] =	stream.linear.gather [hbm4b:s2+s25], $0x5000, $0x38;
	[tilespmem:$0x1F4A0] =	vst v63  }
0x68: {  	_ =	swait.ge [sflag:s20], $0x5000  }
0x69: {  	[sflag:s20] =	ssyncset.done $0x0  }
0x6a: {  	s0 =	simm.s32 $0x0;
	[sflag:s20] =	ssyncadd.s32 $0xFFFFB000  }
0x6b: {  	v2 =	vld [tilespmem:s0+$0x154A0];
	_ =	sdelay $0x4  }
0x6c: {  	v2 =	vadd.f32 $1.000000000e+00, v2;
	_ =	sdelay $0x1  }
0x6d: {  	v3 =	vshra.s32 v2, $0x1;
	v2 =	vmul.f32 $5.000000000e-01, v2  }
0x6e: {  	v3 =	vsub.s32 $0x5F3759DF, v3  }
0x6f: {  	v4 =	vmul.f32 v3, v2;
	_ =	sdelay $0x1  }
0x70: {  	v4 =	vmul.f32 v3, v4;
	_ =	sdelay $0x1  }
0x71: {  	v4 =	vsub.f32 $1.500000000e+00, v4;
	_ =	sdelay $0x1  }
0x72: {  	v3 =	vmul.f32 v3, v4;
	_ =	sdelay $0x1  }
0x73: {  	v4 =	vmul.f32 v3, v2;
	_ =	sdelay $0x1  }
0x74: {  	v4 =	vmul.f32 v4, v3;
	_ =	sdelay $0x1  }
0x75: {  	v4 =	vsub.f32 $1.500000000e+00, v4;
	_ =	sdelay $0x1  }
0x76: {  	v3 =	vmul.f32 v4, v3;
	_ =	sdelay $0x1  }
0x77: {  	v4 =	vmul.f32 v3, v2;
	_ =	sdelay $0x1  }
0x78: {  	v4 =	vmul.f32 v4, v3;
	_ =	sdelay $0x1  }
0x79: {  	v4 =	vsub.f32 $1.500000000e+00, v4;
	_ =	sdelay $0x1  }
0x7a: {  	v3 =	vmul.f32 v4, v3;
	_ =	sdelay $0x1  }
0x7b: {  	v2 =	vmul.f32 v3, v2;
	_ =	sdelay $0x1  }
0x7c: {  	v2 =	vmul.f32 v2, v3;
	_ =	sdelay $0x1  }
0x7d: {  	v2 =	vsub.f32 $1.500000000e+00, v2;
	_ =	sdelay $0x1  }
0x7e: {  	v2 =	vmul.f32 v2, v3  }
0x7f: {  	s10 =	simm.s32 $0xDCA0  }
0x80: {  	[tilespmem:s10+$0x0] =	vst v2  }
0x81: {  	v3 =	vld [tilespmem:s0+$0x104A0];
	_ =	sdelay $0x1  }
0x82: {  	v5 =	vld [tilespmem:s0+$0x104B0];
	_ =	sdelay $0x2  }
0x83: {  	v6 =	vmul.f32 v2, v3  }
0x84: {  	v3 =	vmul.f32 $1.000000010e-01, v3  }
0x85: {  	s15 =	simm.s32 $0x100;
	s2 =	simm.s32 $0x20;
	v4 =	vmul.f32 $1.000000010e-01, v5;
	v2 =	vmul.f32 v2, v5;
	[tilespmem:s0+$0x154A0] =	vst v6  }
.LBB2_14:
0x86: {  	p0 =	sne.s32 s15, $0x13F80;
	v5 =	vld [tilespmem:s2+$0x154A0];
	[tilespmem:s0+$0x104A0] =	vst v3  }
0x87: {  	[tilespmem:s0+$0x104B0] =	vst v4  }
0x88: {  	[tilespmem:s0+$0x154B0] =	vst v2;
	s0 =	smov.u32 s2;
	_ =	sdelay $0x2  }
0x89: {  	v2 =	vadd.f32 $1.000000000e+00, v5;
	_ =	sdelay $0x1  }
0x8a: {  	v3 =	vshra.s32 v2, $0x1;
	v2 =	vmul.f32 $5.000000000e-01, v2  }
0x8b: {  	v3 =	vsub.s32 $0x5F3759DF, v3  }
0x8c: {  	v4 =	vmul.f32 v3, v2;
	_ =	sdelay $0x1  }
0x8d: {  	v4 =	vmul.f32 v3, v4;
	_ =	sdelay $0x1  }
0x8e: {  	v4 =	vsub.f32 $1.500000000e+00, v4;
	_ =	sdelay $0x1  }
0x8f: {  	v3 =	vmul.f32 v3, v4;
	_ =	sdelay $0x1  }
0x90: {  	v4 =	vmul.f32 v3, v2;
	_ =	sdelay $0x1  }
0x91: {  	v4 =	vmul.f32 v4, v3;
	_ =	sdelay $0x1  }
0x92: {  	v4 =	vsub.f32 $1.500000000e+00, v4;
	_ =	sdelay $0x1  }
0x93: {  	v3 =	vmul.f32 v4, v3;
	_ =	sdelay $0x1  }
0x94: {  	v4 =	vmul.f32 v3, v2;
	_ =	sdelay $0x1  }
0x95: {  	v4 =	vmul.f32 v4, v3;
	_ =	sdelay $0x1  }
0x96: {  	v4 =	vsub.f32 $1.500000000e+00, v4;
	_ =	sdelay $0x1  }
0x97: {  	v3 =	vmul.f32 v4, v3;
	_ =	sdelay $0x1  }
0x98: {  	v2 =	vmul.f32 v3, v2;
	_ =	sdelay $0x1  }
0x99: {  	v2 =	vmul.f32 v2, v3;
	_ =	sdelay $0x1  }
0x9a: {  	v2 =	vsub.f32 $1.500000000e+00, v2;
	_ =	sdelay $0x1  }
0x9b: {  	v2 =	vmul.f32 v2, v3  }
0x9c: {  	s10 =	sadd.s32 $0x10, s10  }
0x9d: {  	[tilespmem:s10+$0x0] =	vst v2  }
0x9e: {  	v4 =	vld [tilespmem:s0+$0x104A0]  }
0x9f: {  	v5 =	vld [tilespmem:s0+$0x104B0];
	_ =	sdelay $0x1  }
.Ltmp6:
0xa0: {  	(pc) =	sbr.rel @p0 .LBB2_14-.Ltmp6, $4  }
0xa1: {  	_ = 	snop  }
0xa2: {  	v3 =	vmul.f32 $1.000000010e-01, v4;
	v6 =	vmul.f32 v2, v4  }
0xa3: {  	v4 =	vmul.f32 $1.000000010e-01, v5;
	v2 =	vmul.f32 v2, v5  }
0xa4: {  	s2 =	sshra.s32 s15, $0x2;
	s15 =	sadd.s32 $0x80, s15;
	[tilespmem:s0+$0x154A0] =	vst v6  }
0xa5: {  	v5 =	vld [tilespmem:s2+$0x154A0];
	_ =	sdelay $0x4  }
0xa6: {  	v5 =	vadd.f32 $1.000000000e+00, v5;
	_ =	sdelay $0x1  }
0xa7: {  	v6 =	vshra.s32 v5, $0x1;
	v5 =	vmul.f32 $5.000000000e-01, v5  }
0xa8: {  	v6 =	vsub.s32 $0x5F3759DF, v6  }
0xa9: {  	v7 =	vmul.f32 v6, v5;
	_ =	sdelay $0x1  }
0xaa: {  	v7 =	vmul.f32 v6, v7;
	_ =	sdelay $0x1  }
0xab: {  	v7 =	vsub.f32 $1.500000000e+00, v7;
	_ =	sdelay $0x1  }
0xac: {  	v6 =	vmul.f32 v6, v7;
	_ =	sdelay $0x1  }
0xad: {  	v7 =	vmul.f32 v6, v5;
	_ =	sdelay $0x1  }
0xae: {  	v7 =	vmul.f32 v7, v6;
	_ =	sdelay $0x1  }
0xaf: {  	v7 =	vsub.f32 $1.500000000e+00, v7;
	_ =	sdelay $0x1  }
0xb0: {  	v6 =	vmul.f32 v7, v6;
	_ =	sdelay $0x1  }
0xb1: {  	v7 =	vmul.f32 v6, v5;
	_ =	sdelay $0x1  }
0xb2: {  	v7 =	vmul.f32 v7, v6;
	_ =	sdelay $0x1  }
0xb3: {  	v7 =	vsub.f32 $1.500000000e+00, v7;
	_ =	sdelay $0x1  }
0xb4: {  	v6 =	vmul.f32 v7, v6;
	_ =	sdelay $0x1  }
0xb5: {  	v5 =	vmul.f32 v6, v5;
	_ =	sdelay $0x1  }
0xb6: {  	v5 =	vmul.f32 v5, v6;
	_ =	sdelay $0x1  }
0xb7: {  	v5 =	vsub.f32 $1.500000000e+00, v5  }
0xb8: {  	[tilespmem:s0+$0x104A0] =	vst v3  }
0xb9: {  	[tilespmem:s0+$0x104B0] =	vst v4;
	v3 =	vmul.f32 v5, v6  }
0xba: {  	[tilespmem:s0+$0x154B0] =	vst v2;
	s25 =	sadd.s32 $0x10, s10  }
0xbb: {  	[tilespmem:s25+$0x0] =	vst v3  }
0xbc: {  	v2 =	vld [tilespmem:s2+$0x104A0];
	_ =	sdelay $0x1  }
0xbd: {  	v4 =	vld [tilespmem:s2+$0x104B0];
	_ =	sdelay $0x2  }
0xbe: {  	v5 =	vmul.f32 v3, v2  }
0xbf: {  	v2 =	vmul.f32 $1.000000010e-01, v2  }
0xc0: {  	v63 =	vmul.f32 $1.000000010e-01, v4;
	[tilespmem:s2+$0x154A0] =	vst v5  }
0xc1: {  	v3 =	vmul.f32 v3, v4;
	[tilespmem:s2+$0x104A0] =	vst v2  }
0xc2: {  	[tilespmem:s2+$0x104B0] =	vst v63  }
0xc3: {  	s15 =	simm.s32 $0x0;
	s10 =	simm.s32 $0x154A0;
	[tilespmem:s2+$0x154B0] =	vst v3;
	s2 =	rddreg [dreg:$0x6]  }
0xc4: {  	[hbm4b:s2+s15] =	stream.linear.scatter [tilespmem:s10], [sflag:$0xB], $0x5000, $0x38;
	[tilespmem:$0x1F4A0] =	vst v63  }
0xc5: {  	_ =	swait.ge [sflag:s20], $0x5000  }
0xc6: {  	[sflag:s20] =	ssyncset.done $0x0  }
0xc7: {  	s25 =	rddreg [dreg:$0x4];
	[sflag:s20] =	ssyncadd.s32 $0xFFFFB000  }
0xc8: {  	[spmem:s25] =	stream.linear.scatter [tilespmem:s10], [sflag:$0xB], $0x5000, $0x38;
	[tilespmem:$0x1F4A0] =	vst v63  }
0xc9: {  	_ =	swait.ge [sflag:s20], $0x5000  }
0xca: {  	[sflag:s20] =	ssyncset.done $0x0  }
0xcb: {  	[sflag:s20] =	ssyncadd.s32 $0xFFFFB000  }
0xcc: {  	[bflag:$0x0] =	sbarrier.arrive $0xFFFF  }
0xcd: {  	s10 =	rddreg [dreg:$0x7]  }
0xce: {  	[tilespmem:s15], [sflag:$0xB] =	stream.linear.gather [hbm4b:s10+s15], $0x1400, $0x38;
	[tilespmem:$0x1F4A0] =	vst v63  }
0xcf: {  	s25 =	simm.s32 $0x0;
	_ =	swait.ge [sflag:s20], $0x1400  }
0xd0: {  	[dreg:$0xf] =	wrdreg s25;
	[sflag:s20] =	ssyncset.done $0x0  }
0xd1: {  	s2 =	simm.s32 $0x1400;
	s0 =	rddreg [dreg:$0x8];
	[sflag:s20] =	ssyncadd.s32 $0xFFFFEC00  }
0xd2: {  	[tilespmem:s2], [sflag:$0xB] =	stream.linear.gather [hbm4b:s0+s15], $0x1400, $0x38;
	[tilespmem:$0x1F4A0] =	vst v63  }
0xd3: {  	_ =	swait.ge [sflag:s20], $0x1400  }
0xd4: {  	[sflag:s20] =	ssyncset.done $0x0  }
0xd5: {  	[sflag:s20] =	ssyncadd.s32 $0xFFFFEC00  }
.LBB2_16:
0xd6: {  	p2 =	por $0x1, $0x1;
	p1 =	por $0x0, $0x0;
	s0 =	simm.s32 $0x0  }
.LBB2_17:
0xd7: {  	s2 =	sor.u32 $0x1400, s0  }
0xd8: {  	s10 =	sadd.s32 s6, s2  }
0xd9: {  	s15 =	simm.s32 $0x0;
	s10 =	sshrl.u32 s10, $0x3  }
0xda: {  	s25 =	simm.s32 $0x2800;
	s2 =	sadd.s32 s3, s2;
	s10 =	sadd.s32 s7, s10  }
0xdb: {  	[tilespmem:s25], [sflag:$0x9] =	stream.linear.gather [hbm4b:s10+s15], $0x1400, $0x38;
	[tilespmem:$0x1F4A0] =	vst v63  }
0xdc: {  	s2 =	sshrl.u32 s2, $0x3;
	s25 =	rddreg [dreg:$0x1]  }
0xdd: {  	s2 =	sadd.s32 s25, s2;
	s25 =	simm.s32 $0x3C00  }
0xde: {  	[tilespmem:s25], [sflag:$0xA] =	stream.linear.gather [hbm4b:s2+s15], $0x1400, $0x38;
	[tilespmem:$0x1F4A0] =	vst v63  }
0xdf: {  	_ = 	snop  }
0xe0: {  	[tilespmem:s28], [sflag:$0x1] =	stream.indirect.gather [hbm4b:s8+s22], $0x20, s15, s22, $0xb8;
	[tilespmem:$0x1F4A0] =	vst v63  }
0xe1: {  	s25 =	simm.s32 $0x80  }
0xe2: {  	[tilespmem:s30], [sflag:$0x2] =	stream.indirect.gather [hbm4b:s8+s22], $0x20, s25, s22, $0xb8;
	[tilespmem:$0x1F4A0] =	vst v63  }
0xe3: {  	s10 =	simm.s32 $0x100  }
0xe4: {  	[tilespmem:s1], [sflag:$0x3] =	stream.indirect.gather [hbm4b:s8+s22], $0x20, s10, s22, $0xb8;
	[tilespmem:$0x1F4A0] =	vst v63  }
0xe5: {  	s15 =	simm.s32 $0x180  }
0xe6: {  	[tilespmem:s24], [sflag:$0x4] =	stream.indirect.gather [hbm4b:s8+s22], $0x20, s15, s22, $0xb8;
	[tilespmem:$0x1F4A0] =	vst v63  }
0xe7: {  	s25 =	simm.s32 $0x200  }
0xe8: {  	[tilespmem:s12], [sflag:$0x5] =	stream.indirect.gather [hbm4b:s8+s22], $0x20, s25, s22, $0xb8;
	[tilespmem:$0x1F4A0] =	vst v63  }
0xe9: {  	s10 =	simm.s32 $0x280  }
0xea: {  	[tilespmem:s16], [sflag:$0x6] =	stream.indirect.gather [hbm4b:s8+s22], $0x20, s10, s22, $0xb8;
	[tilespmem:$0x1F4A0] =	vst v63  }
0xeb: {  	s15 =	simm.s32 $0x300  }
0xec: {  	[tilespmem:s18], [sflag:$0x7] =	stream.indirect.gather [hbm4b:s8+s22], $0x20, s15, s22, $0xb8;
	[tilespmem:$0x1F4A0] =	vst v63  }
0xed: {  	s25 =	simm.s32 $0x380  }
0xee: {  	[tilespmem:s5], [sflag:$0x8] =	stream.indirect.gather [hbm4b:s8+s22], $0x20, s25, s22, $0xb8;
	[tilespmem:$0x1F4A0] =	vst v63  }
0xef: {  	_ =	swait.ge [sflag:s14], $0xFA0  }
0xf0: {  	[sflag:s14] =	ssyncset.done $0x0  }
0xf1: {  	s10 =	simm.s32 $0x1400;
	[sflag:s14] =	ssyncadd.s32 $0xFFFFF060  }
0xf2: {  	[spmem:s4] =	stream.indirect.scatter.add.f32 [tilespmem:s28], [sflag:$0xB], $0x20, s10, s22, $0xb8;
	[tilespmem:$0x1F4A0] =	vst v63  }
0xf3: {  	_ =	swait.ge [sflag:s20], $0xFA0  }
0xf4: {  	[sflag:s20] =	ssyncset.done $0x0  }
0xf5: {  	s15 =	simm.s32 $0x400;
	[sflag:s20] =	ssyncadd.s32 $0xFFFFF060  }
0xf6: {  	[tilespmem:s28], [sflag:$0x1] =	stream.indirect.gather [hbm4b:s8+s22], $0x20, s15, s22, $0xb8;
	[tilespmem:$0x1F4A0] =	vst v63  }
0xf7: {  	_ =	swait.ge [sflag:s11], $0xFA0  }
0xf8: {  	[sflag:s11] =	ssyncset.done $0x0  }
0xf9: {  	s25 =	simm.s32 $0x1480;
	[sflag:s11] =	ssyncadd.s32 $0xFFFFF060  }
0xfa: {  	[spmem:s4] =	stream.indirect.scatter.add.f32 [tilespmem:s30], [sflag:$0xB], $0x20, s25, s22, $0xb8;
	[tilespmem:$0x1F4A0] =	vst v63  }
0xfb: {  	_ =	swait.ge [sflag:s20], $0xFA0  }
0xfc: {  	[sflag:s20] =	ssyncset.done $0x0  }
0xfd: {  	s10 =	simm.s32 $0x480;
	[sflag:s20] =	ssyncadd.s32 $0xFFFFF060  }
0xfe: {  	[tilespmem:s30], [sflag:$0x2] =	stream.indirect.gather [hbm4b:s8+s22], $0x20, s10, s22, $0xb8;
	[tilespmem:$0x1F4A0] =	vst v63  }
0xff: {  	_ =	swait.ge [sflag:s19], $0xFA0  }
0x100: {  	[sflag:s19] =	ssyncset.done $0x0  }
0x101: {  	s15 =	simm.s32 $0x1500;
	[sflag:s19] =	ssyncadd.s32 $0xFFFFF060  }
0x102: {  	[spmem:s4] =	stream.indirect.scatter.add.f32 [tilespmem:s1], [sflag:$0xB], $0x20, s15, s22, $0xb8;
	[tilespmem:$0x1F4A0] =	vst v63  }
0x103: {  	_ =	swait.ge [sflag:s20], $0xFA0  }
0x104: {  	[sflag:s20] =	ssyncset.done $0x0  }
0x105: {  	s25 =	simm.s32 $0x500;
	[sflag:s20] =	ssyncadd.s32 $0xFFFFF060  }
0x106: {  	[tilespmem:s1], [sflag:$0x3] =	stream.indirect.gather [hbm4b:s8+s22], $0x20, s25, s22, $0xb8;
	[tilespmem:$0x1F4A0] =	vst v63  }
0x107: {  	_ =	swait.ge [sflag:s9], $0xFA0  }
0x108: {  	[sflag:s9] =	ssyncset.done $0x0  }
0x109: {  	s10 =	simm.s32 $0x1580;
	[sflag:s9] =	ssyncadd.s32 $0xFFFFF060  }
0x10a: {  	[spmem:s4] =	stream.indirect.scatter.add.f32 [tilespmem:s24], [sflag:$0xB], $0x20, s10, s22, $0xb8;
	[tilespmem:$0x1F4A0] =	vst v63  }
0x10b: {  	_ =	swait.ge [sflag:s20], $0xFA0  }
0x10c: {  	[sflag:s20] =	ssyncset.done $0x0  }
0x10d: {  	s15 =	simm.s32 $0x580;
	[sflag:s20] =	ssyncadd.s32 $0xFFFFF060  }
0x10e: {  	[tilespmem:s24], [sflag:$0x4] =	stream.indirect.gather [hbm4b:s8+s22], $0x20, s15, s22, $0xb8;
	[tilespmem:$0x1F4A0] =	vst v63  }
0x10f: {  	_ =	swait.ge [sflag:s26], $0xFA0  }
0x110: {  	[sflag:s26] =	ssyncset.done $0x0  }
0x111: {  	s25 =	simm.s32 $0x1600;
	[sflag:s26] =	ssyncadd.s32 $0xFFFFF060  }
0x112: {  	[spmem:s4] =	stream.indirect.scatter.add.f32 [tilespmem:s12], [sflag:$0xB], $0x20, s25, s22, $0xb8;
	[tilespmem:$0x1F4A0] =	vst v63  }
0x113: {  	_ =	swait.ge [sflag:s20], $0xFA0  }
0x114: {  	[sflag:s20] =	ssyncset.done $0x0  }
0x115: {  	s10 =	simm.s32 $0x600;
	[sflag:s20] =	ssyncadd.s32 $0xFFFFF060  }
0x116: {  	[tilespmem:s12], [sflag:$0x5] =	stream.indirect.gather [hbm4b:s8+s22], $0x20, s10, s22, $0xb8;
	[tilespmem:$0x1F4A0] =	vst v63  }
0x117: {  	_ =	swait.ge [sflag:s21], $0xFA0  }
0x118: {  	[sflag:s21] =	ssyncset.done $0x0  }
0x119: {  	s15 =	simm.s32 $0x1680;
	[sflag:s21] =	ssyncadd.s32 $0xFFFFF060  }
0x11a: {  	[spmem:s4] =	stream.indirect.scatter.add.f32 [tilespmem:s16], [sflag:$0xB], $0x20, s15, s22, $0xb8;
	[tilespmem:$0x1F4A0] =	vst v63  }
0x11b: {  	_ =	swait.ge [sflag:s20], $0xFA0  }
0x11c: {  	[sflag:s20] =	ssyncset.done $0x0  }
0x11d: {  	s25 =	simm.s32 $0x680;
	[sflag:s20] =	ssyncadd.s32 $0xFFFFF060  }
0x11e: {  	[tilespmem:s16], [sflag:$0x6] =	stream.indirect.gather [hbm4b:s8+s22], $0x20, s25, s22, $0xb8;
	[tilespmem:$0x1F4A0] =	vst v63  }
0x11f: {  	_ =	swait.ge [sflag:s29], $0xFA0  }
0x120: {  	[sflag:s29] =	ssyncset.done $0x0  }
0x121: {  	s10 =	simm.s32 $0x1700;
	[sflag:s29] =	ssyncadd.s32 $0xFFFFF060  }
0x122: {  	[spmem:s4] =	stream.indirect.scatter.add.f32 [tilespmem:s18], [sflag:$0xB], $0x20, s10, s22, $0xb8;
	[tilespmem:$0x1F4A0] =	vst v63  }
0x123: {  	_ =	swait.ge [sflag:s20], $0xFA0  }
0x124: {  	[sflag:s20] =	ssyncset.done $0x0  }
0x125: {  	s15 =	simm.s32 $0x700;
	[sflag:s20] =	ssyncadd.s32 $0xFFFFF060  }
0x126: {  	[tilespmem:s18], [sflag:$0x7] =	stream.indirect.gather [hbm4b:s8+s22], $0x20, s15, s22, $0xb8;
	[tilespmem:$0x1F4A0] =	vst v63  }
0x127: {  	_ =	swait.ge [sflag:s31], $0xFA0  }
0x128: {  	[sflag:s31] =	ssyncset.done $0x0  }
0x129: {  	s25 =	simm.s32 $0x1780;
	[sflag:s31] =	ssyncadd.s32 $0xFFFFF060  }
0x12a: {  	[spmem:s4] =	stream.indirect.scatter.add.f32 [tilespmem:s5], [sflag:$0xB], $0x20, s25, s22, $0xb8;
	[tilespmem:$0x1F4A0] =	vst v63  }
0x12b: {  	_ =	swait.ge [sflag:s20], $0xFA0  }
0x12c: {  	p0 =	por p2, p2;
	[sflag:s20] =	ssyncset.done $0x0  }
0x12d: {  	s2 =	simm.s32 $0x780;
	s10 =	simm.s32 $0x1000;
	[sflag:s20] =	ssyncadd.s32 $0xFFFFF060  }
.LBB2_18:
0x12e: {  	[tilespmem:s5], [sflag:$0x8] =	stream.indirect.gather [hbm4b:s8+s22], $0x20, s2, s22, $0xb8;
	[tilespmem:$0x1F4A0] =	vst v63  }
0x12f: {  	s2 =	smov.u32 s10  }
0x130: {  	p2 =	sne.s32 s10, $0x3000;
	s10 =	sadd.s32 $0x1000, s10;
	_ =	swait.ge [sflag:s14], $0xFA0  }
0x131: {  	s15 =	sshra.s32 s2, $0x2;
	[sflag:s14] =	ssyncset.done $0x0  }
0x132: {  	s2 =	sadd.s32 $0x1400, s15;
	[sflag:s14] =	ssyncadd.s32 $0xFFFFF060  }
0x133: {  	[spmem:s4] =	stream.indirect.scatter.add.f32 [tilespmem:s28], [sflag:$0xB], $0x20, s2, s22, $0xb8;
	[tilespmem:$0x1F4A0] =	vst v63  }
0x134: {  	_ =	swait.ge [sflag:s20], $0xFA0  }
0x135: {  	[sflag:s20] =	ssyncset.done $0x0  }
0x136: {  	s2 =	sadd.s32 $0x400, s15;
	[sflag:s20] =	ssyncadd.s32 $0xFFFFF060  }
0x137: {  	[tilespmem:s28], [sflag:$0x1] =	stream.indirect.gather [hbm4b:s8+s22], $0x20, s2, s22, $0xb8;
	[tilespmem:$0x1F4A0] =	vst v63  }
0x138: {  	_ =	swait.ge [sflag:s11], $0xFA0  }
0x139: {  	[sflag:s11] =	ssyncset.done $0x0  }
0x13a: {  	s2 =	sadd.s32 $0x1480, s15;
	[sflag:s11] =	ssyncadd.s32 $0xFFFFF060  }
0x13b: {  	[spmem:s4] =	stream.indirect.scatter.add.f32 [tilespmem:s30], [sflag:$0xB], $0x20, s2, s22, $0xb8;
	[tilespmem:$0x1F4A0] =	vst v63  }
0x13c: {  	_ =	swait.ge [sflag:s20], $0xFA0  }
0x13d: {  	[sflag:s20] =	ssyncset.done $0x0  }
0x13e: {  	s2 =	sadd.s32 $0x480, s15;
	[sflag:s20] =	ssyncadd.s32 $0xFFFFF060  }
0x13f: {  	[tilespmem:s30], [sflag:$0x2] =	stream.indirect.gather [hbm4b:s8+s22], $0x20, s2, s22, $0xb8;
	[tilespmem:$0x1F4A0] =	vst v63  }
0x140: {  	_ =	swait.ge [sflag:s19], $0xFA0  }
0x141: {  	[sflag:s19] =	ssyncset.done $0x0  }
0x142: {  	s2 =	sadd.s32 $0x1500, s15;
	[sflag:s19] =	ssyncadd.s32 $0xFFFFF060  }
0x143: {  	[spmem:s4] =	stream.indirect.scatter.add.f32 [tilespmem:s1], [sflag:$0xB], $0x20, s2, s22, $0xb8;
	[tilespmem:$0x1F4A0] =	vst v63  }
0x144: {  	_ =	swait.ge [sflag:s20], $0xFA0  }
0x145: {  	[sflag:s20] =	ssyncset.done $0x0  }
0x146: {  	s2 =	sadd.s32 $0x500, s15;
	[sflag:s20] =	ssyncadd.s32 $0xFFFFF060  }
0x147: {  	[tilespmem:s1], [sflag:$0x3] =	stream.indirect.gather [hbm4b:s8+s22], $0x20, s2, s22, $0xb8;
	[tilespmem:$0x1F4A0] =	vst v63  }
0x148: {  	_ =	swait.ge [sflag:s9], $0xFA0  }
0x149: {  	[sflag:s9] =	ssyncset.done $0x0  }
0x14a: {  	s2 =	sadd.s32 $0x1580, s15;
	[sflag:s9] =	ssyncadd.s32 $0xFFFFF060  }
0x14b: {  	[spmem:s4] =	stream.indirect.scatter.add.f32 [tilespmem:s24], [sflag:$0xB], $0x20, s2, s22, $0xb8;
	[tilespmem:$0x1F4A0] =	vst v63  }
0x14c: {  	_ =	swait.ge [sflag:s20], $0xFA0  }
0x14d: {  	[sflag:s20] =	ssyncset.done $0x0  }
0x14e: {  	s2 =	sadd.s32 $0x580, s15;
	[sflag:s20] =	ssyncadd.s32 $0xFFFFF060  }
0x14f: {  	[tilespmem:s24], [sflag:$0x4] =	stream.indirect.gather [hbm4b:s8+s22], $0x20, s2, s22, $0xb8;
	[tilespmem:$0x1F4A0] =	vst v63  }
0x150: {  	_ =	swait.ge [sflag:s26], $0xFA0  }
0x151: {  	[sflag:s26] =	ssyncset.done $0x0  }
0x152: {  	s2 =	sadd.s32 $0x1600, s15;
	[sflag:s26] =	ssyncadd.s32 $0xFFFFF060  }
0x153: {  	[spmem:s4] =	stream.indirect.scatter.add.f32 [tilespmem:s12], [sflag:$0xB], $0x20, s2, s22, $0xb8;
	[tilespmem:$0x1F4A0] =	vst v63  }
0x154: {  	_ =	swait.ge [sflag:s20], $0xFA0  }
0x155: {  	[sflag:s20] =	ssyncset.done $0x0  }
0x156: {  	s2 =	sadd.s32 $0x600, s15;
	[sflag:s20] =	ssyncadd.s32 $0xFFFFF060  }
0x157: {  	[tilespmem:s12], [sflag:$0x5] =	stream.indirect.gather [hbm4b:s8+s22], $0x20, s2, s22, $0xb8;
	[tilespmem:$0x1F4A0] =	vst v63  }
0x158: {  	_ =	swait.ge [sflag:s21], $0xFA0  }
0x159: {  	[sflag:s21] =	ssyncset.done $0x0  }
0x15a: {  	s2 =	sadd.s32 $0x1680, s15;
	[sflag:s21] =	ssyncadd.s32 $0xFFFFF060  }
0x15b: {  	[spmem:s4] =	stream.indirect.scatter.add.f32 [tilespmem:s16], [sflag:$0xB], $0x20, s2, s22, $0xb8;
	[tilespmem:$0x1F4A0] =	vst v63  }
0x15c: {  	_ =	swait.ge [sflag:s20], $0xFA0  }
0x15d: {  	[sflag:s20] =	ssyncset.done $0x0  }
0x15e: {  	s2 =	sadd.s32 $0x680, s15;
	[sflag:s20] =	ssyncadd.s32 $0xFFFFF060  }
0x15f: {  	[tilespmem:s16], [sflag:$0x6] =	stream.indirect.gather [hbm4b:s8+s22], $0x20, s2, s22, $0xb8;
	[tilespmem:$0x1F4A0] =	vst v63  }
0x160: {  	_ =	swait.ge [sflag:s29], $0xFA0  }
0x161: {  	[sflag:s29] =	ssyncset.done $0x0  }
0x162: {  	s2 =	sadd.s32 $0x1700, s15;
	[sflag:s29] =	ssyncadd.s32 $0xFFFFF060  }
0x163: {  	[spmem:s4] =	stream.indirect.scatter.add.f32 [tilespmem:s18], [sflag:$0xB], $0x20, s2, s22, $0xb8;
	[tilespmem:$0x1F4A0] =	vst v63  }
0x164: {  	_ =	swait.ge [sflag:s20], $0xFA0  }
0x165: {  	[sflag:s20] =	ssyncset.done $0x0  }
0x166: {  	s2 =	sadd.s32 $0x700, s15;
	[sflag:s20] =	ssyncadd.s32 $0xFFFFF060  }
0x167: {  	[tilespmem:s18], [sflag:$0x7] =	stream.indirect.gather [hbm4b:s8+s22], $0x20, s2, s22, $0xb8;
	[tilespmem:$0x1F4A0] =	vst v63  }
0x168: {  	_ =	swait.ge [sflag:s31], $0xFA0  }
0x169: {  	[sflag:s31] =	ssyncset.done $0x0  }
.Ltmp7:
0x16a: {  	s2 =	sadd.s32 $0x1780, s15;
	[sflag:s31] =	ssyncadd.s32 $0xFFFFF060;
	(pc) =	sbr.rel @p2 .LBB2_18-.Ltmp7, $4  }
0x16b: {  	[spmem:s4] =	stream.indirect.scatter.add.f32 [tilespmem:s5], [sflag:$0xB], $0x20, s2, s22, $0xb8;
	[tilespmem:$0x1F4A0] =	vst v63  }
0x16c: {  	_ =	swait.ge [sflag:s20], $0xFA0  }
0x16d: {  	[sflag:s20] =	ssyncset.done $0x0  }
0x16e: {  	s2 =	sadd.s32 $0x780, s15;
	[sflag:s20] =	ssyncadd.s32 $0xFFFFF060  }
0x16f: {  	[tilespmem:s5], [sflag:$0x8] =	stream.indirect.gather [hbm4b:s8+s22], $0x20, s2, s22, $0xb8;
	[tilespmem:$0x1F4A0] =	vst v63  }
0x170: {  	_ =	swait.ge [sflag:s14], $0xFA0  }
0x171: {  	[sflag:s14] =	ssyncset.done $0x0  }
0x172: {  	s15 =	simm.s32 $0x2400;
	[sflag:s14] =	ssyncadd.s32 $0xFFFFF060  }
0x173: {  	[spmem:s4] =	stream.indirect.scatter.add.f32 [tilespmem:s28], [sflag:$0xB], $0x20, s15, s22, $0xb8;
	[tilespmem:$0x1F4A0] =	vst v63  }
0x174: {  	_ =	swait.ge [sflag:s20], $0xFA0  }
0x175: {  	[sflag:s20] =	ssyncset.done $0x0  }
0x176: {  	[sflag:s20] =	ssyncadd.s32 $0xFFFFF060  }
0x177: {  	_ =	swait.ge [sflag:s11], $0xFA0  }
0x178: {  	[sflag:s11] =	ssyncset.done $0x0  }
0x179: {  	s25 =	simm.s32 $0x2480;
	[sflag:s11] =	ssyncadd.s32 $0xFFFFF060  }
0x17a: {  	[spmem:s4] =	stream.indirect.scatter.add.f32 [tilespmem:s30], [sflag:$0xB], $0x20, s25, s22, $0xb8;
	[tilespmem:$0x1F4A0] =	vst v63  }
0x17b: {  	_ =	swait.ge [sflag:s20], $0xFA0  }
0x17c: {  	[sflag:s20] =	ssyncset.done $0x0  }
0x17d: {  	[sflag:s20] =	ssyncadd.s32 $0xFFFFF060  }
0x17e: {  	_ =	swait.ge [sflag:s19], $0xFA0  }
0x17f: {  	[sflag:s19] =	ssyncset.done $0x0  }
0x180: {  	s10 =	simm.s32 $0x2500;
	[sflag:s19] =	ssyncadd.s32 $0xFFFFF060  }
0x181: {  	[spmem:s4] =	stream.indirect.scatter.add.f32 [tilespmem:s1], [sflag:$0xB], $0x20, s10, s22, $0xb8;
	[tilespmem:$0x1F4A0] =	vst v63  }
0x182: {  	_ =	swait.ge [sflag:s20], $0xFA0  }
0x183: {  	[sflag:s20] =	ssyncset.done $0x0  }
0x184: {  	[sflag:s20] =	ssyncadd.s32 $0xFFFFF060  }
0x185: {  	_ =	swait.ge [sflag:s9], $0xFA0  }
0x186: {  	[sflag:s9] =	ssyncset.done $0x0  }
0x187: {  	s15 =	simm.s32 $0x2580;
	[sflag:s9] =	ssyncadd.s32 $0xFFFFF060  }
0x188: {  	[spmem:s4] =	stream.indirect.scatter.add.f32 [tilespmem:s24], [sflag:$0xB], $0x20, s15, s22, $0xb8;
	[tilespmem:$0x1F4A0] =	vst v63  }
0x189: {  	_ =	swait.ge [sflag:s20], $0xFA0  }
0x18a: {  	[sflag:s20] =	ssyncset.done $0x0  }
0x18b: {  	[sflag:s20] =	ssyncadd.s32 $0xFFFFF060  }
0x18c: {  	_ =	swait.ge [sflag:s26], $0xFA0  }
0x18d: {  	[sflag:s26] =	ssyncset.done $0x0  }
0x18e: {  	s25 =	simm.s32 $0x2600;
	[sflag:s26] =	ssyncadd.s32 $0xFFFFF060  }
0x18f: {  	[spmem:s4] =	stream.indirect.scatter.add.f32 [tilespmem:s12], [sflag:$0xB], $0x20, s25, s22, $0xb8;
	[tilespmem:$0x1F4A0] =	vst v63  }
0x190: {  	_ =	swait.ge [sflag:s20], $0xFA0  }
0x191: {  	[sflag:s20] =	ssyncset.done $0x0  }
0x192: {  	[sflag:s20] =	ssyncadd.s32 $0xFFFFF060  }
0x193: {  	_ =	swait.ge [sflag:s21], $0xFA0  }
0x194: {  	[sflag:s21] =	ssyncset.done $0x0  }
0x195: {  	s10 =	simm.s32 $0x2680;
	[sflag:s21] =	ssyncadd.s32 $0xFFFFF060  }
0x196: {  	[spmem:s4] =	stream.indirect.scatter.add.f32 [tilespmem:s16], [sflag:$0xB], $0x20, s10, s22, $0xb8;
	[tilespmem:$0x1F4A0] =	vst v63  }
0x197: {  	_ =	swait.ge [sflag:s20], $0xFA0  }
0x198: {  	[sflag:s20] =	ssyncset.done $0x0  }
0x199: {  	[sflag:s20] =	ssyncadd.s32 $0xFFFFF060  }
0x19a: {  	_ =	swait.ge [sflag:s29], $0xFA0  }
0x19b: {  	[sflag:s29] =	ssyncset.done $0x0  }
0x19c: {  	s15 =	simm.s32 $0x2700;
	[sflag:s29] =	ssyncadd.s32 $0xFFFFF060  }
0x19d: {  	[spmem:s4] =	stream.indirect.scatter.add.f32 [tilespmem:s18], [sflag:$0xB], $0x20, s15, s22, $0xb8;
	[tilespmem:$0x1F4A0] =	vst v63  }
0x19e: {  	_ =	swait.ge [sflag:s20], $0xFA0  }
0x19f: {  	[sflag:s20] =	ssyncset.done $0x0  }
0x1a0: {  	[sflag:s20] =	ssyncadd.s32 $0xFFFFF060  }
0x1a1: {  	_ =	swait.ge [sflag:s31], $0xFA0  }
0x1a2: {  	[sflag:s31] =	ssyncset.done $0x0  }
0x1a3: {  	s25 =	simm.s32 $0x2780;
	[sflag:s31] =	ssyncadd.s32 $0xFFFFF060  }
0x1a4: {  	[spmem:s4] =	stream.indirect.scatter.add.f32 [tilespmem:s5], [sflag:$0xB], $0x20, s25, s22, $0xb8;
	[tilespmem:$0x1F4A0] =	vst v63  }
0x1a5: {  	_ =	swait.ge [sflag:s20], $0xFA0  }
0x1a6: {  	[sflag:s20] =	ssyncset.done $0x0  }
0x1a7: {  	[sflag:s20] =	ssyncadd.s32 $0xFFFFF060  }
0x1a8: {  	_ =	swait.ge [sflag:s17], $0x1400  }
0x1a9: {  	s0 =	sadd.s32 $0x2800, s0;
	[sflag:s17] =	ssyncset.done $0x0  }
0x1aa: {  	s0 =	simm.s32 @p1 $0x0;
	[sflag:s17] =	ssyncadd.s32 $0xFFFFEC00  }
0x1ab: {  	s10 =	sadd.s32 s6, s0;
	_ =	swait.ge [sflag:s13], $0x1400  }
0x1ac: {  	s0 =	sadd.s32 s3, s0;
	s2 =	sshrl.u32 s10, $0x3;
	[sflag:s13] =	ssyncset.done $0x0  }
0x1ad: {  	s10 =	simm.s32 $0x0;
	s2 =	sadd.s32 s7, s2;
	[sflag:s13] =	ssyncadd.s32 $0xFFFFEC00  }
0x1ae: {  	[tilespmem:s10], [sflag:$0x9] =	stream.linear.gather [hbm4b:s2+s10], $0x1400, $0x38;
	[tilespmem:$0x1F4A0] =	vst v63  }
0x1af: {  	s0 =	sshrl.u32 s0, $0x3;
	s15 =	rddreg [dreg:$0x1]  }
0x1b0: {  	s25 =	simm.s32 $0x1400;
	s0 =	sadd.s32 s15, s0  }
0x1b1: {  	[tilespmem:s25], [sflag:$0xA] =	stream.linear.gather [hbm4b:s0+s10], $0x1400, $0x38;
	[tilespmem:$0x1F4A0] =	vst v63  }
0x1b2: {  	s10 =	simm.s32 $0x2800  }
0x1b3: {  	[tilespmem:s28], [sflag:$0x1] =	stream.indirect.gather [hbm4b:s8+s22], $0x20, s10, s22, $0xb8;
	[tilespmem:$0x1F4A0] =	vst v63  }
0x1b4: {  	s15 =	simm.s32 $0x2880  }
0x1b5: {  	[tilespmem:s30], [sflag:$0x2] =	stream.indirect.gather [hbm4b:s8+s22], $0x20, s15, s22, $0xb8;
	[tilespmem:$0x1F4A0] =	vst v63  }
0x1b6: {  	s25 =	simm.s32 $0x2900  }
0x1b7: {  	[tilespmem:s1], [sflag:$0x3] =	stream.indirect.gather [hbm4b:s8+s22], $0x20, s25, s22, $0xb8;
	[tilespmem:$0x1F4A0] =	vst v63  }
0x1b8: {  	s2 =	simm.s32 $0x2980  }
0x1b9: {  	[tilespmem:s24], [sflag:$0x4] =	stream.indirect.gather [hbm4b:s8+s22], $0x20, s2, s22, $0xb8;
	[tilespmem:$0x1F4A0] =	vst v63  }
0x1ba: {  	s10 =	simm.s32 $0x2A00  }
0x1bb: {  	[tilespmem:s12], [sflag:$0x5] =	stream.indirect.gather [hbm4b:s8+s22], $0x20, s10, s22, $0xb8;
	[tilespmem:$0x1F4A0] =	vst v63  }
0x1bc: {  	s15 =	simm.s32 $0x2A80  }
0x1bd: {  	[tilespmem:s16], [sflag:$0x6] =	stream.indirect.gather [hbm4b:s8+s22], $0x20, s15, s22, $0xb8;
	[tilespmem:$0x1F4A0] =	vst v63  }
0x1be: {  	s25 =	simm.s32 $0x2B00  }
0x1bf: {  	[tilespmem:s18], [sflag:$0x7] =	stream.indirect.gather [hbm4b:s8+s22], $0x20, s25, s22, $0xb8;
	[tilespmem:$0x1F4A0] =	vst v63  }
0x1c0: {  	s2 =	simm.s32 $0x2B80  }
0x1c1: {  	[tilespmem:s5], [sflag:$0x8] =	stream.indirect.gather [hbm4b:s8+s22], $0x20, s2, s22, $0xb8;
	[tilespmem:$0x1F4A0] =	vst v63  }
0x1c2: {  	_ =	swait.ge [sflag:s14], $0xFA0  }
0x1c3: {  	[sflag:s14] =	ssyncset.done $0x0  }
0x1c4: {  	s10 =	simm.s32 $0x3C00;
	[sflag:s14] =	ssyncadd.s32 $0xFFFFF060  }
0x1c5: {  	[spmem:s4] =	stream.indirect.scatter.add.f32 [tilespmem:s28], [sflag:$0xB], $0x20, s10, s22, $0xb8;
	[tilespmem:$0x1F4A0] =	vst v63  }
0x1c6: {  	_ =	swait.ge [sflag:s20], $0xFA0  }
0x1c7: {  	[sflag:s20] =	ssyncset.done $0x0  }
0x1c8: {  	s15 =	simm.s32 $0x2C00;
	[sflag:s20] =	ssyncadd.s32 $0xFFFFF060  }
0x1c9: {  	[tilespmem:s28], [sflag:$0x1] =	stream.indirect.gather [hbm4b:s8+s22], $0x20, s15, s22, $0xb8;
	[tilespmem:$0x1F4A0] =	vst v63  }
0x1ca: {  	_ =	swait.ge [sflag:s11], $0xFA0  }
0x1cb: {  	[sflag:s11] =	ssyncset.done $0x0  }
0x1cc: {  	s25 =	simm.s32 $0x3C80;
	[sflag:s11] =	ssyncadd.s32 $0xFFFFF060  }
0x1cd: {  	[spmem:s4] =	stream.indirect.scatter.add.f32 [tilespmem:s30], [sflag:$0xB], $0x20, s25, s22, $0xb8;
	[tilespmem:$0x1F4A0] =	vst v63  }
0x1ce: {  	_ =	swait.ge [sflag:s20], $0xFA0  }
0x1cf: {  	[sflag:s20] =	ssyncset.done $0x0  }
0x1d0: {  	s2 =	simm.s32 $0x2C80;
	[sflag:s20] =	ssyncadd.s32 $0xFFFFF060  }
0x1d1: {  	[tilespmem:s30], [sflag:$0x2] =	stream.indirect.gather [hbm4b:s8+s22], $0x20, s2, s22, $0xb8;
	[tilespmem:$0x1F4A0] =	vst v63  }
0x1d2: {  	_ =	swait.ge [sflag:s19], $0xFA0  }
0x1d3: {  	[sflag:s19] =	ssyncset.done $0x0  }
0x1d4: {  	s10 =	simm.s32 $0x3D00;
	[sflag:s19] =	ssyncadd.s32 $0xFFFFF060  }
0x1d5: {  	[spmem:s4] =	stream.indirect.scatter.add.f32 [tilespmem:s1], [sflag:$0xB], $0x20, s10, s22, $0xb8;
	[tilespmem:$0x1F4A0] =	vst v63  }
0x1d6: {  	_ =	swait.ge [sflag:s20], $0xFA0  }
0x1d7: {  	[sflag:s20] =	ssyncset.done $0x0  }
0x1d8: {  	s15 =	simm.s32 $0x2D00;
	[sflag:s20] =	ssyncadd.s32 $0xFFFFF060  }
0x1d9: {  	[tilespmem:s1], [sflag:$0x3] =	stream.indirect.gather [hbm4b:s8+s22], $0x20, s15, s22, $0xb8;
	[tilespmem:$0x1F4A0] =	vst v63  }
0x1da: {  	_ =	swait.ge [sflag:s9], $0xFA0  }
0x1db: {  	[sflag:s9] =	ssyncset.done $0x0  }
0x1dc: {  	s25 =	simm.s32 $0x3D80;
	[sflag:s9] =	ssyncadd.s32 $0xFFFFF060  }
0x1dd: {  	[spmem:s4] =	stream.indirect.scatter.add.f32 [tilespmem:s24], [sflag:$0xB], $0x20, s25, s22, $0xb8;
	[tilespmem:$0x1F4A0] =	vst v63  }
0x1de: {  	_ =	swait.ge [sflag:s20], $0xFA0  }
0x1df: {  	[sflag:s20] =	ssyncset.done $0x0  }
0x1e0: {  	s2 =	simm.s32 $0x2D80;
	[sflag:s20] =	ssyncadd.s32 $0xFFFFF060  }
0x1e1: {  	[tilespmem:s24], [sflag:$0x4] =	stream.indirect.gather [hbm4b:s8+s22], $0x20, s2, s22, $0xb8;
	[tilespmem:$0x1F4A0] =	vst v63  }
0x1e2: {  	_ =	swait.ge [sflag:s26], $0xFA0  }
0x1e3: {  	[sflag:s26] =	ssyncset.done $0x0  }
0x1e4: {  	s10 =	simm.s32 $0x3E00;
	[sflag:s26] =	ssyncadd.s32 $0xFFFFF060  }
0x1e5: {  	[spmem:s4] =	stream.indirect.scatter.add.f32 [tilespmem:s12], [sflag:$0xB], $0x20, s10, s22, $0xb8;
	[tilespmem:$0x1F4A0] =	vst v63  }
0x1e6: {  	_ =	swait.ge [sflag:s20], $0xFA0  }
0x1e7: {  	[sflag:s20] =	ssyncset.done $0x0  }
0x1e8: {  	s15 =	simm.s32 $0x2E00;
	[sflag:s20] =	ssyncadd.s32 $0xFFFFF060  }
0x1e9: {  	[tilespmem:s12], [sflag:$0x5] =	stream.indirect.gather [hbm4b:s8+s22], $0x20, s15, s22, $0xb8;
	[tilespmem:$0x1F4A0] =	vst v63  }
0x1ea: {  	_ =	swait.ge [sflag:s21], $0xFA0  }
0x1eb: {  	[sflag:s21] =	ssyncset.done $0x0  }
0x1ec: {  	s25 =	simm.s32 $0x3E80;
	[sflag:s21] =	ssyncadd.s32 $0xFFFFF060  }
0x1ed: {  	[spmem:s4] =	stream.indirect.scatter.add.f32 [tilespmem:s16], [sflag:$0xB], $0x20, s25, s22, $0xb8;
	[tilespmem:$0x1F4A0] =	vst v63  }
0x1ee: {  	_ =	swait.ge [sflag:s20], $0xFA0  }
0x1ef: {  	[sflag:s20] =	ssyncset.done $0x0  }
0x1f0: {  	s2 =	simm.s32 $0x2E80;
	[sflag:s20] =	ssyncadd.s32 $0xFFFFF060  }
0x1f1: {  	[tilespmem:s16], [sflag:$0x6] =	stream.indirect.gather [hbm4b:s8+s22], $0x20, s2, s22, $0xb8;
	[tilespmem:$0x1F4A0] =	vst v63  }
0x1f2: {  	_ =	swait.ge [sflag:s29], $0xFA0  }
0x1f3: {  	[sflag:s29] =	ssyncset.done $0x0  }
0x1f4: {  	s10 =	simm.s32 $0x3F00;
	[sflag:s29] =	ssyncadd.s32 $0xFFFFF060  }
0x1f5: {  	[spmem:s4] =	stream.indirect.scatter.add.f32 [tilespmem:s18], [sflag:$0xB], $0x20, s10, s22, $0xb8;
	[tilespmem:$0x1F4A0] =	vst v63  }
0x1f6: {  	_ =	swait.ge [sflag:s20], $0xFA0  }
0x1f7: {  	[sflag:s20] =	ssyncset.done $0x0  }
0x1f8: {  	s15 =	simm.s32 $0x2F00;
	[sflag:s20] =	ssyncadd.s32 $0xFFFFF060  }
0x1f9: {  	[tilespmem:s18], [sflag:$0x7] =	stream.indirect.gather [hbm4b:s8+s22], $0x20, s15, s22, $0xb8;
	[tilespmem:$0x1F4A0] =	vst v63  }
0x1fa: {  	_ =	swait.ge [sflag:s31], $0xFA0  }
0x1fb: {  	[sflag:s31] =	ssyncset.done $0x0  }
0x1fc: {  	s25 =	simm.s32 $0x3F80;
	[sflag:s31] =	ssyncadd.s32 $0xFFFFF060  }
0x1fd: {  	[spmem:s4] =	stream.indirect.scatter.add.f32 [tilespmem:s5], [sflag:$0xB], $0x20, s25, s22, $0xb8;
	[tilespmem:$0x1F4A0] =	vst v63  }
0x1fe: {  	_ =	swait.ge [sflag:s20], $0xFA0  }
0x1ff: {  	[sflag:s20] =	ssyncset.done $0x0  }
0x200: {  	s0 =	simm.s32 $0x1000;
	s2 =	simm.s32 $0x2F80;
	[sflag:s20] =	ssyncadd.s32 $0xFFFFF060  }
.LBB2_20:
0x201: {  	[tilespmem:s5], [sflag:$0x8] =	stream.indirect.gather [hbm4b:s8+s22], $0x20, s2, s22, $0xb8;
	[tilespmem:$0x1F4A0] =	vst v63  }
0x202: {  	s2 =	smov.u32 s0  }
0x203: {  	p1 =	sne.s32 s0, $0x3000;
	s0 =	sadd.s32 $0x1000, s0;
	_ =	swait.ge [sflag:s14], $0xFA0  }
0x204: {  	s10 =	sshra.s32 s2, $0x2;
	[sflag:s14] =	ssyncset.done $0x0  }
0x205: {  	s2 =	sadd.s32 $0x3C00, s10;
	[sflag:s14] =	ssyncadd.s32 $0xFFFFF060  }
0x206: {  	[spmem:s4] =	stream.indirect.scatter.add.f32 [tilespmem:s28], [sflag:$0xB], $0x20, s2, s22, $0xb8;
	[tilespmem:$0x1F4A0] =	vst v63  }
0x207: {  	_ =	swait.ge [sflag:s20], $0xFA0  }
0x208: {  	[sflag:s20] =	ssyncset.done $0x0  }
0x209: {  	s2 =	sadd.s32 $0x2C00, s10;
	[sflag:s20] =	ssyncadd.s32 $0xFFFFF060  }
0x20a: {  	[tilespmem:s28], [sflag:$0x1] =	stream.indirect.gather [hbm4b:s8+s22], $0x20, s2, s22, $0xb8;
	[tilespmem:$0x1F4A0] =	vst v63  }
0x20b: {  	_ =	swait.ge [sflag:s11], $0xFA0  }
0x20c: {  	[sflag:s11] =	ssyncset.done $0x0  }
0x20d: {  	s2 =	sadd.s32 $0x3C80, s10;
	[sflag:s11] =	ssyncadd.s32 $0xFFFFF060  }
0x20e: {  	[spmem:s4] =	stream.indirect.scatter.add.f32 [tilespmem:s30], [sflag:$0xB], $0x20, s2, s22, $0xb8;
	[tilespmem:$0x1F4A0] =	vst v63  }
0x20f: {  	_ =	swait.ge [sflag:s20], $0xFA0  }
0x210: {  	[sflag:s20] =	ssyncset.done $0x0  }
0x211: {  	s2 =	sadd.s32 $0x2C80, s10;
	[sflag:s20] =	ssyncadd.s32 $0xFFFFF060  }
0x212: {  	[tilespmem:s30], [sflag:$0x2] =	stream.indirect.gather [hbm4b:s8+s22], $0x20, s2, s22, $0xb8;
	[tilespmem:$0x1F4A0] =	vst v63  }
0x213: {  	_ =	swait.ge [sflag:s19], $0xFA0  }
0x214: {  	[sflag:s19] =	ssyncset.done $0x0  }
0x215: {  	s2 =	sadd.s32 $0x3D00, s10;
	[sflag:s19] =	ssyncadd.s32 $0xFFFFF060  }
0x216: {  	[spmem:s4] =	stream.indirect.scatter.add.f32 [tilespmem:s1], [sflag:$0xB], $0x20, s2, s22, $0xb8;
	[tilespmem:$0x1F4A0] =	vst v63  }
0x217: {  	_ =	swait.ge [sflag:s20], $0xFA0  }
0x218: {  	[sflag:s20] =	ssyncset.done $0x0  }
0x219: {  	s2 =	sadd.s32 $0x2D00, s10;
	[sflag:s20] =	ssyncadd.s32 $0xFFFFF060  }
0x21a: {  	[tilespmem:s1], [sflag:$0x3] =	stream.indirect.gather [hbm4b:s8+s22], $0x20, s2, s22, $0xb8;
	[tilespmem:$0x1F4A0] =	vst v63  }
0x21b: {  	_ =	swait.ge [sflag:s9], $0xFA0  }
0x21c: {  	[sflag:s9] =	ssyncset.done $0x0  }
0x21d: {  	s2 =	sadd.s32 $0x3D80, s10;
	[sflag:s9] =	ssyncadd.s32 $0xFFFFF060  }
0x21e: {  	[spmem:s4] =	stream.indirect.scatter.add.f32 [tilespmem:s24], [sflag:$0xB], $0x20, s2, s22, $0xb8;
	[tilespmem:$0x1F4A0] =	vst v63  }
0x21f: {  	_ =	swait.ge [sflag:s20], $0xFA0  }
0x220: {  	[sflag:s20] =	ssyncset.done $0x0  }
0x221: {  	s2 =	sadd.s32 $0x2D80, s10;
	[sflag:s20] =	ssyncadd.s32 $0xFFFFF060  }
0x222: {  	[tilespmem:s24], [sflag:$0x4] =	stream.indirect.gather [hbm4b:s8+s22], $0x20, s2, s22, $0xb8;
	[tilespmem:$0x1F4A0] =	vst v63  }
0x223: {  	_ =	swait.ge [sflag:s26], $0xFA0  }
0x224: {  	[sflag:s26] =	ssyncset.done $0x0  }
0x225: {  	s2 =	sadd.s32 $0x3E00, s10;
	[sflag:s26] =	ssyncadd.s32 $0xFFFFF060  }
0x226: {  	[spmem:s4] =	stream.indirect.scatter.add.f32 [tilespmem:s12], [sflag:$0xB], $0x20, s2, s22, $0xb8;
	[tilespmem:$0x1F4A0] =	vst v63  }
0x227: {  	_ =	swait.ge [sflag:s20], $0xFA0  }
0x228: {  	[sflag:s20] =	ssyncset.done $0x0  }
0x229: {  	s2 =	sadd.s32 $0x2E00, s10;
	[sflag:s20] =	ssyncadd.s32 $0xFFFFF060  }
0x22a: {  	[tilespmem:s12], [sflag:$0x5] =	stream.indirect.gather [hbm4b:s8+s22], $0x20, s2, s22, $0xb8;
	[tilespmem:$0x1F4A0] =	vst v63  }
0x22b: {  	_ =	swait.ge [sflag:s21], $0xFA0  }
0x22c: {  	[sflag:s21] =	ssyncset.done $0x0  }
0x22d: {  	s2 =	sadd.s32 $0x3E80, s10;
	[sflag:s21] =	ssyncadd.s32 $0xFFFFF060  }
0x22e: {  	[spmem:s4] =	stream.indirect.scatter.add.f32 [tilespmem:s16], [sflag:$0xB], $0x20, s2, s22, $0xb8;
	[tilespmem:$0x1F4A0] =	vst v63  }
0x22f: {  	_ =	swait.ge [sflag:s20], $0xFA0  }
0x230: {  	[sflag:s20] =	ssyncset.done $0x0  }
0x231: {  	s2 =	sadd.s32 $0x2E80, s10;
	[sflag:s20] =	ssyncadd.s32 $0xFFFFF060  }
0x232: {  	[tilespmem:s16], [sflag:$0x6] =	stream.indirect.gather [hbm4b:s8+s22], $0x20, s2, s22, $0xb8;
	[tilespmem:$0x1F4A0] =	vst v63  }
0x233: {  	_ =	swait.ge [sflag:s29], $0xFA0  }
0x234: {  	[sflag:s29] =	ssyncset.done $0x0  }
0x235: {  	s2 =	sadd.s32 $0x3F00, s10;
	[sflag:s29] =	ssyncadd.s32 $0xFFFFF060  }
0x236: {  	[spmem:s4] =	stream.indirect.scatter.add.f32 [tilespmem:s18], [sflag:$0xB], $0x20, s2, s22, $0xb8;
	[tilespmem:$0x1F4A0] =	vst v63  }
0x237: {  	_ =	swait.ge [sflag:s20], $0xFA0  }
0x238: {  	[sflag:s20] =	ssyncset.done $0x0  }
0x239: {  	s2 =	sadd.s32 $0x2F00, s10;
	[sflag:s20] =	ssyncadd.s32 $0xFFFFF060  }
0x23a: {  	[tilespmem:s18], [sflag:$0x7] =	stream.indirect.gather [hbm4b:s8+s22], $0x20, s2, s22, $0xb8;
	[tilespmem:$0x1F4A0] =	vst v63  }
0x23b: {  	_ =	swait.ge [sflag:s31], $0xFA0  }
0x23c: {  	[sflag:s31] =	ssyncset.done $0x0  }
.Ltmp8:
0x23d: {  	s2 =	sadd.s32 $0x3F80, s10;
	[sflag:s31] =	ssyncadd.s32 $0xFFFFF060;
	(pc) =	sbr.rel @p1 .LBB2_20-.Ltmp8, $4  }
0x23e: {  	[spmem:s4] =	stream.indirect.scatter.add.f32 [tilespmem:s5], [sflag:$0xB], $0x20, s2, s22, $0xb8;
	[tilespmem:$0x1F4A0] =	vst v63  }
0x23f: {  	_ =	swait.ge [sflag:s20], $0xFA0  }
0x240: {  	[sflag:s20] =	ssyncset.done $0x0  }
0x241: {  	s2 =	sadd.s32 $0x2F80, s10;
	[sflag:s20] =	ssyncadd.s32 $0xFFFFF060  }
0x242: {  	[tilespmem:s5], [sflag:$0x8] =	stream.indirect.gather [hbm4b:s8+s22], $0x20, s2, s22, $0xb8;
	[tilespmem:$0x1F4A0] =	vst v63  }
0x243: {  	_ =	swait.ge [sflag:s14], $0xFA0  }
0x244: {  	[sflag:s14] =	ssyncset.done $0x0  }
0x245: {  	s0 =	simm.s32 $0x4C00;
	[sflag:s14] =	ssyncadd.s32 $0xFFFFF060  }
0x246: {  	[spmem:s4] =	stream.indirect.scatter.add.f32 [tilespmem:s28], [sflag:$0xB], $0x20, s0, s22, $0xb8;
	[tilespmem:$0x1F4A0] =	vst v63  }
0x247: {  	_ =	swait.ge [sflag:s20], $0xFA0  }
0x248: {  	[sflag:s20] =	ssyncset.done $0x0  }
0x249: {  	[sflag:s20] =	ssyncadd.s32 $0xFFFFF060  }
0x24a: {  	_ =	swait.ge [sflag:s11], $0xFA0  }
0x24b: {  	[sflag:s11] =	ssyncset.done $0x0  }
0x24c: {  	s10 =	simm.s32 $0x4C80;
	[sflag:s11] =	ssyncadd.s32 $0xFFFFF060  }
0x24d: {  	[spmem:s4] =	stream.indirect.scatter.add.f32 [tilespmem:s30], [sflag:$0xB], $0x20, s10, s22, $0xb8;
	[tilespmem:$0x1F4A0] =	vst v63  }
0x24e: {  	_ =	swait.ge [sflag:s20], $0xFA0  }
0x24f: {  	[sflag:s20] =	ssyncset.done $0x0  }
0x250: {  	[sflag:s20] =	ssyncadd.s32 $0xFFFFF060  }
0x251: {  	_ =	swait.ge [sflag:s19], $0xFA0  }
0x252: {  	[sflag:s19] =	ssyncset.done $0x0  }
0x253: {  	s15 =	simm.s32 $0x4D00;
	[sflag:s19] =	ssyncadd.s32 $0xFFFFF060  }
0x254: {  	[spmem:s4] =	stream.indirect.scatter.add.f32 [tilespmem:s1], [sflag:$0xB], $0x20, s15, s22, $0xb8;
	[tilespmem:$0x1F4A0] =	vst v63  }
0x255: {  	_ =	swait.ge [sflag:s20], $0xFA0  }
0x256: {  	[sflag:s20] =	ssyncset.done $0x0  }
0x257: {  	[sflag:s20] =	ssyncadd.s32 $0xFFFFF060  }
0x258: {  	_ =	swait.ge [sflag:s9], $0xFA0  }
0x259: {  	[sflag:s9] =	ssyncset.done $0x0  }
0x25a: {  	s25 =	simm.s32 $0x4D80;
	[sflag:s9] =	ssyncadd.s32 $0xFFFFF060  }
0x25b: {  	[spmem:s4] =	stream.indirect.scatter.add.f32 [tilespmem:s24], [sflag:$0xB], $0x20, s25, s22, $0xb8;
	[tilespmem:$0x1F4A0] =	vst v63  }
0x25c: {  	_ =	swait.ge [sflag:s20], $0xFA0  }
0x25d: {  	[sflag:s20] =	ssyncset.done $0x0  }
0x25e: {  	[sflag:s20] =	ssyncadd.s32 $0xFFFFF060  }
0x25f: {  	_ =	swait.ge [sflag:s26], $0xFA0  }
0x260: {  	[sflag:s26] =	ssyncset.done $0x0  }
0x261: {  	s2 =	simm.s32 $0x4E00;
	[sflag:s26] =	ssyncadd.s32 $0xFFFFF060  }
0x262: {  	[spmem:s4] =	stream.indirect.scatter.add.f32 [tilespmem:s12], [sflag:$0xB], $0x20, s2, s22, $0xb8;
	[tilespmem:$0x1F4A0] =	vst v63  }
0x263: {  	_ =	swait.ge [sflag:s20], $0xFA0  }
0x264: {  	[sflag:s20] =	ssyncset.done $0x0  }
0x265: {  	[sflag:s20] =	ssyncadd.s32 $0xFFFFF060  }
0x266: {  	_ =	swait.ge [sflag:s21], $0xFA0  }
0x267: {  	[sflag:s21] =	ssyncset.done $0x0  }
0x268: {  	s10 =	simm.s32 $0x4E80;
	[sflag:s21] =	ssyncadd.s32 $0xFFFFF060  }
0x269: {  	[spmem:s4] =	stream.indirect.scatter.add.f32 [tilespmem:s16], [sflag:$0xB], $0x20, s10, s22, $0xb8;
	[tilespmem:$0x1F4A0] =	vst v63  }
0x26a: {  	_ =	swait.ge [sflag:s20], $0xFA0  }
0x26b: {  	[sflag:s20] =	ssyncset.done $0x0  }
0x26c: {  	[sflag:s20] =	ssyncadd.s32 $0xFFFFF060  }
0x26d: {  	_ =	swait.ge [sflag:s29], $0xFA0  }
0x26e: {  	[sflag:s29] =	ssyncset.done $0x0  }
0x26f: {  	s15 =	simm.s32 $0x4F00;
	[sflag:s29] =	ssyncadd.s32 $0xFFFFF060  }
0x270: {  	[spmem:s4] =	stream.indirect.scatter.add.f32 [tilespmem:s18], [sflag:$0xB], $0x20, s15, s22, $0xb8;
	[tilespmem:$0x1F4A0] =	vst v63  }
0x271: {  	_ =	swait.ge [sflag:s20], $0xFA0  }
0x272: {  	[sflag:s20] =	ssyncset.done $0x0  }
0x273: {  	[sflag:s20] =	ssyncadd.s32 $0xFFFFF060  }
0x274: {  	_ =	swait.ge [sflag:s31], $0xFA0  }
0x275: {  	[sflag:s31] =	ssyncset.done $0x0  }
0x276: {  	s25 =	simm.s32 $0x4F80;
	[sflag:s31] =	ssyncadd.s32 $0xFFFFF060  }
0x277: {  	[spmem:s4] =	stream.indirect.scatter.add.f32 [tilespmem:s5], [sflag:$0xB], $0x20, s25, s22, $0xb8;
	[tilespmem:$0x1F4A0] =	vst v63  }
0x278: {  	_ =	swait.ge [sflag:s20], $0xFA0  }
0x279: {  	[sflag:s20] =	ssyncset.done $0x0  }
0x27a: {  	[sflag:s20] =	ssyncadd.s32 $0xFFFFF060  }
0x27b: {  	_ =	swait.ge [sflag:s17], $0x1400  }
.Ltmp9:
0x27c: {  	[sflag:s17] =	ssyncset.done $0x0;
	(pc) =	sbr.rel @p0 .LBB2_17-.Ltmp9, $4  }
0x27d: {  	[sflag:s17] =	ssyncadd.s32 $0xFFFFEC00  }
0x27e: {  	_ =	swait.ge [sflag:s13], $0x1400  }
0x27f: {  	p2 =	por $0x0, $0x0;
	[sflag:s13] =	ssyncset.done $0x0  }
0x280: {  	p1 =	por $0x1, $0x1;
	s0 =	simm.s32 $0x2800;
	[sflag:s13] =	ssyncadd.s32 $0xFFFFEC00  }
0x281: {  	[bflag:$0x0] =	sbarrier.arrive $0xFFFF  }
0x282: {  	s0 =	simm.s32 $0x154A0;
	s2 =	rddreg [dreg:$0x4]  }
0x283: {  	[tilespmem:s0], [sflag:$0xB] =	stream.linear.gather [spmem:s2], $0x5000, $0x38;
	[tilespmem:$0x1F4A0] =	vst v63  }
0x284: {  	_ =	swait.ge [sflag:s20], $0x5000  }
0x285: {  	[sflag:s20] =	ssyncset.done $0x0  }
0x286: {  	s2 =	simm.s32 $0xDCA0;
	s25 =	rddreg [dreg:$0xf];
	[sflag:s20] =	ssyncadd.s32 $0xFFFFB000  }
0x287: {  	s10 =	simm.s32 $0x80;
	s0 =	simm.s32 $0x0;
	p0 =	seq.s32 s25, $0x4;
	v2 =	vld [tilespmem:s2+$0x0]  }
.LBB2_23:
0x288: {  	p1 =	sne.s32 s10, $0x13F80;
	v3 =	vld [tilespmem:s0+$0x154B0]  }
0x289: {  	v4 =	vld [tilespmem:s0+$0x154A0]  }
0x28a: {  	v5 =	vld [tilespmem:s0+$0x104A0]  }
0x28b: {  	v6 =	vld [tilespmem:s0+$0x104B0]  }
0x28c: {  	v7 =	vmul.f32 $8.999999760e-01, v2;
	_ =	sdelay $0x1  }
0x28d: {  	v4 =	vmul.f32 v4, v7;
	v3 =	vmul.f32 v3, v7;
	_ =	sdelay $0x1  }
0x28e: {  	v4 =	vadd.f32 v5, v4;
	v3 =	vadd.f32 v6, v3;
	_ =	sdelay $0x1  }
0x28f: {  	v5 =	vmul.f32 v4, v2;
	v2 =	vmul.f32 v3, v2  }
.Ltmp10:
0x290: {  	(pc) =	sbr.rel @p1 .LBB2_23-.Ltmp10, $4  }
0x291: {  	v4 =	vpsel p0, v4, v5;
	v2 =	vpsel p0, v3, v2  }
0x292: {  	[tilespmem:s0+$0x154A0] =	vst v4  }
0x293: {  	s2 =	sadd.s32 $0x10, s2;
	[tilespmem:s0+$0x154B0] =	vst v2  }
0x294: {  	s0 =	sshra.s32 s10, $0x2;
	s10 =	sadd.s32 $0x80, s10;
	v2 =	vld [tilespmem:s2+$0x0]  }
0x295: {  	_ = 	snop  }
0x296: {  	v3 =	vld [tilespmem:s0+$0x154A0]  }
0x297: {  	v4 =	vld [tilespmem:s0+$0x154B0]  }
0x298: {  	v5 =	vld [tilespmem:s0+$0x104A0]  }
0x299: {  	v6 =	vld [tilespmem:s0+$0x104B0];
	v7 =	vmul.f32 $8.999999760e-01, v2;
	_ =	sdelay $0x1  }
0x29a: {  	v3 =	vmul.f32 v3, v7  }
0x29b: {  	v4 =	vmul.f32 v4, v7  }
0x29c: {  	v3 =	vadd.f32 v5, v3  }
0x29d: {  	v4 =	vadd.f32 v6, v4  }
0x29e: {  	v5 =	vmul.f32 v3, v2  }
0x29f: {  	v2 =	vmul.f32 v4, v2  }
0x2a0: {  	v3 =	vpsel p0, v3, v5  }
0x2a1: {  	v2 =	vpsel p0, v4, v2;
	[tilespmem:s0+$0x154A0] =	vst v3  }
0x2a2: {  	s15 =	simm.s32 $0x0;
	s2 =	rddreg [dreg:$0x6];
	s25 =	simm.s32 $0x154A0;
	[tilespmem:s0+$0x154B0] =	vst v2  }
0x2a3: {  	[hbm4b:s2+s15] =	stream.linear.scatter [tilespmem:s25], [sflag:$0xB], $0x5000, $0x38;
	[tilespmem:$0x1F4A0] =	vst v63  }
0x2a4: {  	_ =	swait.ge [sflag:s20], $0x5000  }
0x2a5: {  	[sflag:s20] =	ssyncset.done $0x0;
	s3 =	rddreg [dreg:$0xf]  }
0x2a6: {  	s15 =	rddreg [dreg:$0x9];
	p0 =	sne.s32 s3, $0x4;
	[sflag:s20] =	ssyncadd.s32 $0xFFFFB000  }
0x2a7: {  	s0 =	simm.s32 @!p0 $0x20;
	s2 =	simm.s32 @!p0 $0x40;
	s10 =	simm.s32 @!p0 $0x154A0  }
0x2a8: {  	[hbm4b:s15+s0] =	stream.strided.scatter @!p0 [tilespmem:s10], [sflag:$0xB], $0x5000, s2, s0, $0x38;
	[tilespmem:$0x1F4A0] =	vst v63  }
0x2a9: {  	s0 =	simm.s32 @!p0 $0xB  }
0x2aa: {  	_ =	swait.ge @!p0 [sflag:s0], $0x5000  }
0x2ab: {  	s3 =	sadd.s32 $0x1, s3;
	[sflag:s0] =	ssyncset.done @!p0 $0x0  }
0x2ac: {  	s15 =	rddreg [dreg:$0x4];
	[sflag:s0] =	ssyncadd.s32 @!p0 $0xFFFFB000;
	p0 =	sne.s32 s3, $0x5  }
0x2ad: {  	[spmem:s15] =	stream.linear.scatter [tilespmem:s25], [sflag:$0xB], $0x5000, $0x38;
	[tilespmem:$0x1F4A0] =	vst v63  }
.Ltmp11:
0x2ae: {  	_ =	swait.ge [sflag:s20], $0x5000;
	(pc) =	sbr.rel @p0 .LBB2_16-.Ltmp11, $4  }
0x2af: {  	[sflag:s20] =	ssyncset.done $0x0  }
0x2b0: {  	[dreg:$0xf] =	wrdreg s3;
	[sflag:s20] =	ssyncadd.s32 $0xFFFFB000  }
0x2b1: {  	[bflag:$0x0] =	sbarrier.arrive $0xFFFF  }
0x2b2: {  	s3 =	rddreg [dreg:$0x10]  }
0x2b3: {  	s2 =	rddreg [dreg:$0xe]  }
0x2b4: {  	s0 =	rddreg [dreg:$0xa];
	s2 =	sadd.s32 $0x1, s2  }
0x2b5: {  	p0 =	sne.s32 s2, s0  }
.Ltmp12:
0x2b6: {  	_ = 	snop;
	(pc) =	sbr.rel @p0 .LBB2_1-.Ltmp12, $1  }
0x2b7: {  	_ =	sdelay $0x3  }
0x2b8: {  	_ =	sfence.sel $0x180000  }
0x2b9: {  	[bflag:$0x0] =	sbarrier.arrive $0xFFFF  }
0x2ba: {  	_ =	strace $0x90000047  }
0x2bb: {  	s0 =	stileid.u32;
	[bflag:$0x2] =	sbarrier.arrive $0xFFFF  }
0x2bc: {  	p0 =	sne.s32 s0, $0x0;
	s0 =	rddreg [dreg:$0x3]  }
0x2bd: {  	s0 =	sadd.s32 @!p0 $0x100000, s0  }
0x2be: {  	[sflag:s0] =	ssyncadd.tile.s32 @!p0 $0x1;
	_ =	shalt  }
.Lfunc_end2:
_tile_overlayer_lowered:
.L_overlay_start_2:
0x2bf: {  	(tag) =	ssettag $0x2  }
0x2c0: {  	s0 =	rddreg [dreg:$0x0];
	s2 =	stileid.u32  }
0x2c1: {  	s1 =	rddreg [dreg:$0x1];
	p0 =	sne.s32 s2, $0x0  }
0x2c2: {  	s3 =	rddreg [dreg:$0x2];
	[bflag:$0x3] =	sbarrier.arrive $0xFFFF;
	s2 =	simm.s32 @!p0 $0x1C0B  }
0x2c3: {  	[timem:s3], [sflag:s2] =	dma.local @!p0 [hbm:s0], s1  }
0x2c4: {  	s0 =	simm.s32 @!p0 $0xB  }
0x2c5: {  	_ =	swait.ge @!p0 [sflag:s0], s1  }
0x2c6: {  	s1 =	ssub.s32 @!p0 $0x0, s1;
	[sflag:s0] =	ssyncset.done @!p0 $0x0  }
0x2c7: {  	[sflag:s0] =	ssyncadd.s32 @!p0 s1  }
0x2c8: {  	[bflag:$0x3] =	sbarrier.arrive $0xFFFF  }
0x2c9: {  	_ =	shalt  }

</sc_bundles>
